<compile_context>
chip_gen: v7x
topology: tpu7x:2x2x1
jax: 0.10.2.dev20260603
libtpu: 0.0.44.dev20260713+nightly
codegen_flags: <defaults>
</compile_context>

<pallas_src>
import functools
import jax
import jax.numpy as jnp
from jax import lax
from jax.experimental import pallas as pl
from jax.experimental.pallas import tpu as pltpu, tpu_sc as plsc

N_ROWS_BLK = 2000
E_BLK = 5120
_TC_PAR = pltpu.CompilerParams(dimension_semantics=("parallel",))



def _k1_body(x_ref, w_ref, b_ref, dinv_ref, o_ref):
    m = jnp.dot(x_ref[...], w_ref[...], preferred_element_type=jnp.float32)
    o_ref[...] = (m + b_ref[...]) * dinv_ref[...]


def _tc_linear_scale(x, W, b, dinv2):
    n, d = x.shape
    grid = (n // N_ROWS_BLK,)
    return pl.pallas_call(
        _k1_body,
        grid=grid,
        compiler_params=_TC_PAR,
        in_specs=[
            pl.BlockSpec((N_ROWS_BLK, d), lambda i: (i, 0)),
            pl.BlockSpec((d, d), lambda i: (0, 0)),
            pl.BlockSpec((1, d), lambda i: (0, 0)),
            pl.BlockSpec((N_ROWS_BLK, 1), lambda i: (i, 0)),
        ],
        out_specs=pl.BlockSpec((N_ROWS_BLK, d), lambda i: (i, 0)),
        out_shape=jax.ShapeDtypeStruct((n, d), jnp.float32),
    )(x, W, b, dinv2)


def _k2_body(s_ref, m_ref, dinv_ref, w_ref, b_ref, h_ref, o_ref):
    ssum = s_ref[0] + s_ref[1] + m_ref[...]
    h1 = jnp.maximum(ssum * dinv_ref[...], 0.0)
    h_ref[...] = h1
    m2 = jnp.dot(h1, w_ref[...], preferred_element_type=jnp.float32)
    o_ref[...] = (m2 + b_ref[...]) * dinv_ref[...]


def _tc_combine_next(S, m1s, dinv2, W2, b2):
    n, d = m1s.shape
    grid = (n // N_ROWS_BLK,)
    return pl.pallas_call(
        _k2_body,
        grid=grid,
        compiler_params=_TC_PAR,
        in_specs=[
            pl.BlockSpec((2, N_ROWS_BLK, d), lambda i: (0, i, 0)),
            pl.BlockSpec((N_ROWS_BLK, d), lambda i: (i, 0)),
            pl.BlockSpec((N_ROWS_BLK, 1), lambda i: (i, 0)),
            pl.BlockSpec((d, d), lambda i: (0, 0)),
            pl.BlockSpec((1, d), lambda i: (0, 0)),
        ],
        out_specs=[
            pl.BlockSpec((N_ROWS_BLK, d), lambda i: (i, 0)),
            pl.BlockSpec((N_ROWS_BLK, d), lambda i: (i, 0)),
        ],
        out_shape=[
            jax.ShapeDtypeStruct((n, d), jnp.float32),
            jax.ShapeDtypeStruct((n, d), jnp.float32),
        ],
    )(S, m1s, dinv2, W2, b2[None, :])


def _k3_body(s_ref, m_ref, dinv_ref, h1_ref, o_ref):
    ssum = s_ref[0] + s_ref[1] + m_ref[...]
    o_ref[...] = jnp.maximum(ssum * dinv_ref[...], 0.0) + h1_ref[...]


def _tc_final_combine(S, m2s, dinv2, h1):
    n, d = m2s.shape
    grid = (n // N_ROWS_BLK,)
    return pl.pallas_call(
        _k3_body,
        grid=grid,
        compiler_params=_TC_PAR,
        in_specs=[
            pl.BlockSpec((2, N_ROWS_BLK, d), lambda i: (0, i, 0)),
            pl.BlockSpec((N_ROWS_BLK, d), lambda i: (i, 0)),
            pl.BlockSpec((N_ROWS_BLK, 1), lambda i: (i, 0)),
            pl.BlockSpec((N_ROWS_BLK, d), lambda i: (i, 0)),
        ],
        out_specs=pl.BlockSpec((N_ROWS_BLK, d), lambda i: (i, 0)),
        out_shape=jax.ShapeDtypeStruct((n, d), jnp.float32),
    )(S, m2s, dinv2, h1)


def _head_body(hr_ref, hc_ref, zl_ref, rel_ref, w1_ref, w1l_ref, b1_ref,
               w2_ref, b2_ref, lanes_ref, wr2d_ref, brc_ref, ones_ref, o_ref):
    z = (hr_ref[...] * hc_ref[...]).astype(jnp.bfloat16)
    zl = zl_ref[...]
    a = jnp.dot(z, w1_ref[...], preferred_element_type=jnp.float32)
    a = a + zl * w1l_ref[...] + b1_ref[...]
    a = jnp.maximum(a, 0.0).astype(jnp.bfloat16)
    a = jnp.dot(a, w2_ref[...], preferred_element_type=jnp.float32) + b2_ref[...]
    a = jnp.maximum(a, 0.0)
    onehot = jnp.where(rel_ref[...] == lanes_ref[...], 1.0, 0.0)
    w = jnp.dot(onehot, wr2d_ref[...], preferred_element_type=jnp.float32)
    s1 = jnp.dot(a * w, ones_ref[...], preferred_element_type=jnp.float32)
    s2 = jnp.dot(onehot, brc_ref[...], preferred_element_type=jnp.float32)
    o_ref[...] = (s1 + s2)[:, 0]


def _tc_head(hr, hc, zlast2, rel2, Wl1, bl1, Wl2, bl2, Wr, br):
    e, d = hr.shape
    w1m = Wl1[:d].astype(jnp.bfloat16)
    w1l = Wl1[d:d + 1]
    lanes = jnp.arange(4, dtype=jnp.float32)[None, :]
    wr2d = Wr[:, :, 0]
    brc = br
    ones64 = jnp.ones((64, 1), jnp.float32)
    grid = (e // E_BLK,)
    return pl.pallas_call(
        _head_body,
        grid=grid,
        compiler_params=_TC_PAR,
        in_specs=[
            pl.BlockSpec((E_BLK, d), lambda i: (i, 0)),
            pl.BlockSpec((E_BLK, d), lambda i: (i, 0)),
            pl.BlockSpec((E_BLK, 1), lambda i: (i, 0)),
            pl.BlockSpec((E_BLK, 1), lambda i: (i, 0)),
            pl.BlockSpec((d, 256), lambda i: (0, 0)),
            pl.BlockSpec((1, 256), lambda i: (0, 0)),
            pl.BlockSpec((1, 256), lambda i: (0, 0)),
            pl.BlockSpec((256, 64), lambda i: (0, 0)),
            pl.BlockSpec((1, 64), lambda i: (0, 0)),
            pl.BlockSpec((1, 4), lambda i: (0, 0)),
            pl.BlockSpec((4, 64), lambda i: (0, 0)),
            pl.BlockSpec((4, 1), lambda i: (0, 0)),
            pl.BlockSpec((64, 1), lambda i: (0, 0)),
        ],
        out_specs=pl.BlockSpec((E_BLK,), lambda i: (i,)),
        out_shape=jax.ShapeDtypeStruct((e,), jnp.float32),
    )(hr, hc, zlast2, rel2, w1m, w1l, bl1[None, :], Wl2.astype(jnp.bfloat16),
      bl2[None, :], lanes, wr2d, brc, ones64)



_SC_CORES = 2
_SC_TILES = 16
_NW = _SC_CORES * _SC_TILES
_CHUNK = 125
_SEG = 16


def _sc_degree(tei3, zeros_n, n):
    rows_total, chunk = tei3.shape[1:]
    rows_per_tile = rows_total // _NW
    stripe = 624
    last = n - (_SC_TILES - 1) * stripe
    mesh = plsc.VectorSubcoreMesh(core_axis_name="c", subcore_axis_name="s")

    @functools.partial(
        pl.kernel,
        out_type=jax.ShapeDtypeStruct((_SC_CORES * n,), jnp.float32),
        mesh=mesh,
        scratch_types=[
            pltpu.VMEM((rows_per_tile, chunk), jnp.int32),
            pltpu.VMEM((128,), jnp.float32),
            pltpu.VMEM((640,), jnp.float32),
            pltpu.VMEM_SHARED((n,), jnp.float32),
        ],
    )
    def k(tei_hbm, z_hbm, out_hbm, dst_v, ones_v, zbuf, acc):
        del z_hbm
        cid = lax.axis_index("c")
        sid = lax.axis_index("s")
        wid = cid * _SC_TILES + sid
        dst_hbm = tei_hbm.at[1]

        @pl.loop(0, 128, step=16)
        def _(i):
            ones_v[pl.ds(i, 16)] = jnp.full((16,), 1.0, jnp.float32)

        @pl.loop(0, 640, step=16)
        def _(i):
            zbuf[pl.ds(i, 16)] = jnp.zeros((16,), jnp.float32)

        @pl.when(sid < _SC_TILES - 1)
        def _():
            pltpu.sync_copy(zbuf.at[pl.ds(0, stripe)],
                            acc.at[pl.ds(sid * stripe, stripe)])

        @pl.when(sid == _SC_TILES - 1)
        def _():
            pltpu.sync_copy(zbuf.at[pl.ds(0, last)],
                            acc.at[pl.ds(sid * stripe, last)])

        pltpu.sync_copy(dst_hbm.at[pl.ds(wid * rows_per_tile, rows_per_tile)],
                        dst_v)
        plsc.subcore_barrier()

        @pl.loop(0, rows_per_tile)
        def _(r):
            pltpu.sync_copy(ones_v.at[pl.ds(0, chunk)],
                            acc.at[dst_v.at[r]], add=True)

        plsc.subcore_barrier()

        @pl.when(sid < _SC_TILES - 1)
        def _():
            pltpu.sync_copy(acc.at[pl.ds(sid * stripe, stripe)],
                            zbuf.at[pl.ds(0, stripe)])
            pltpu.sync_copy(zbuf.at[pl.ds(0, stripe)],
                            out_hbm.at[pl.ds(cid * n + sid * stripe, stripe)])

        @pl.when(sid == _SC_TILES - 1)
        def _():
            pltpu.sync_copy(acc.at[pl.ds(sid * stripe, last)],
                            zbuf.at[pl.ds(0, last)])
            pltpu.sync_copy(zbuf.at[pl.ds(0, last)],
                            out_hbm.at[pl.ds(cid * n + sid * stripe, last)])

    return k(tei3, zeros_n)


def _sc_segsum(ms, tei3, zeros_nd):
    n, d = ms.shape
    rows_total, chunk = tei3.shape[1:]
    rows_per_tile = rows_total // _NW
    stripe = 624
    last = n - (_SC_TILES - 1) * stripe
    mesh = plsc.VectorSubcoreMesh(core_axis_name="c", subcore_axis_name="s")

    @functools.partial(
        pl.kernel,
        out_type=jax.ShapeDtypeStruct((_SC_CORES, n, d), jnp.float32),
        mesh=mesh,
        scratch_types=[
            pltpu.VMEM((_SEG, chunk), jnp.int32),
            pltpu.VMEM((_SEG, chunk), jnp.int32),
            pltpu.VMEM((chunk, d), jnp.float32),
            pltpu.VMEM((chunk, d), jnp.float32),
            pltpu.VMEM_SHARED((n, d), jnp.float32),
            pltpu.SemaphoreType.DMA,
            pltpu.SemaphoreType.DMA,
        ],
    )
    def k(ms_hbm, tei_hbm, z_hbm, out_hbm,
          src_v, dst_v, buf0, buf1, acc, sem0, sem1):
        cid = lax.axis_index("c")
        sid = lax.axis_index("s")
        wid = cid * _SC_TILES + sid
        src_hbm = tei_hbm.at[0]
        dst_hbm = tei_hbm.at[1]

        @pl.when(sid < _SC_TILES - 1)
        def _():
            pltpu.sync_copy(z_hbm.at[pl.ds(sid * stripe, stripe)],
                            acc.at[pl.ds(sid * stripe, stripe)])

        @pl.when(sid == _SC_TILES - 1)
        def _():
            pltpu.sync_copy(z_hbm.at[pl.ds(sid * stripe, last)],
                            acc.at[pl.ds(sid * stripe, last)])

        plsc.subcore_barrier()

        @pl.loop(0, rows_per_tile, step=_SEG)
        def _(seg):
            base = wid * rows_per_tile + seg
            pltpu.sync_copy(src_hbm.at[pl.ds(base, _SEG)], src_v)
            pltpu.sync_copy(dst_hbm.at[pl.ds(base, _SEG)], dst_v)
            pltpu.async_copy(ms_hbm.at[src_v.at[0]], buf0, sem0)

            @pl.loop(0, _SEG, step=2)
            def _(r):
                pltpu.async_copy(ms_hbm.at[src_v.at[r + 1]], buf1, sem1)
                pltpu.make_async_copy(ms_hbm.at[src_v.at[r]], buf0, sem0).wait()
                pltpu.sync_copy(buf0, acc.at[dst_v.at[r]], add=True)

                @pl.when(r + 2 < _SEG)
                def _():
                    pltpu.async_copy(ms_hbm.at[src_v.at[r + 2]], buf0, sem0)

                pltpu.make_async_copy(ms_hbm.at[src_v.at[r + 1]], buf1, sem1).wait()
                pltpu.sync_copy(buf1, acc.at[dst_v.at[r + 1]], add=True)

        plsc.subcore_barrier()

        @pl.when(sid < _SC_TILES - 1)
        def _():
            pltpu.sync_copy(acc.at[pl.ds(sid * stripe, stripe)],
                            out_hbm.at[cid, pl.ds(sid * stripe, stripe)])

        @pl.when(sid == _SC_TILES - 1)
        def _():
            pltpu.sync_copy(acc.at[pl.ds(sid * stripe, last)],
                            out_hbm.at[cid, pl.ds(sid * stripe, last)])

    return k(ms, tei3, zeros_nd)


def _sc_pair_gather(h, row3d, col3d):
    n, d = h.shape
    nw, rows_per_tile, chunk = row3d.shape
    ep_pad = nw * rows_per_tile * chunk
    mesh = plsc.VectorSubcoreMesh(core_axis_name="c", subcore_axis_name="s")

    @functools.partial(
        pl.kernel,
        out_type=[jax.ShapeDtypeStruct((ep_pad, d), jnp.float32),
                  jax.ShapeDtypeStruct((ep_pad, d), jnp.float32)],
        mesh=mesh,
        scratch_types=[
            pltpu.VMEM((rows_per_tile, chunk), jnp.int32),
            pltpu.VMEM((rows_per_tile, chunk), jnp.int32),
            pltpu.VMEM((chunk, d), jnp.float32),
            pltpu.VMEM((chunk, d), jnp.float32),
            pltpu.SemaphoreType.DMA,
            pltpu.SemaphoreType.DMA,
        ],
    )
    def k(h_hbm, row_hbm, col_hbm, oa_hbm, ob_hbm,
          row_v, col_v, bufa, bufb, sema, semb):
        cid = lax.axis_index("c")
        sid = lax.axis_index("s")
        wid = cid * _SC_TILES + sid
        base = wid * rows_per_tile

        pltpu.sync_copy(row_hbm.at[wid], row_v)
        pltpu.sync_copy(col_hbm.at[wid], col_v)

        @pl.loop(0, rows_per_tile)
        def _(r):
            pltpu.async_copy(h_hbm.at[row_v.at[r]], bufa, sema)
            pltpu.async_copy(h_hbm.at[col_v.at[r]], bufb, semb)
            pltpu.make_async_copy(h_hbm.at[row_v.at[r]], bufa, sema).wait()
            pltpu.make_async_copy(h_hbm.at[col_v.at[r]], bufb, semb).wait()
            pltpu.sync_copy(bufa, oa_hbm.at[pl.ds((base + r) * chunk, chunk)])
            pltpu.sync_copy(bufb, ob_hbm.at[pl.ds((base + r) * chunk, chunk)])

    return k(h, row3d, col3d)



def kernel(x, edge_index, relations, concs, train_edge_index,
           W1, b1, W2, b2, Wl1, bl1, Wl2, bl2, Wr, br):
    n, d = x.shape
    e = train_edge_index.shape[1]
    tei3 = train_edge_index.reshape(2, e // _CHUNK, _CHUNK)
    zeros_n = jnp.zeros((n,), jnp.float32)
    zeros_nd = jnp.zeros((n, d), jnp.float32)

    cnt = _sc_degree(tei3, zeros_n, n)
    dinv2 = jax.lax.rsqrt(1.0 + cnt[:n] + cnt[n:])[:, None]

    m1s = _tc_linear_scale(x, W1, b1[None, :], dinv2)
    S1 = _sc_segsum(m1s, tei3, zeros_nd)
    h1, m2s = _tc_combine_next(S1, m1s, dinv2, W2, b2)
    S2 = _sc_segsum(m2s, tei3, zeros_nd)
    h2 = _tc_final_combine(S2, m2s, dinv2, h1)

    ep = edge_index.shape[0]
    gchunk = 128
    rpt = -(-ep // (_NW * gchunk))
    ep_pad = _NW * rpt * gchunk
    pad = ep_pad - ep
    pad_idx = jnp.arange(pad, dtype=edge_index.dtype)
    row3d = jnp.concatenate(
        [edge_index[:, 0], pad_idx]).reshape(_NW, rpt, gchunk)
    col3d = jnp.concatenate(
        [edge_index[:, 1], pad_idx]).reshape(_NW, rpt, gchunk)
    hr, hc = _sc_pair_gather(h2, row3d, col3d)
    zlast2 = jnp.concatenate(
        [concs[:, 0] * concs[:, 1], jnp.zeros((pad,), jnp.float32)])[:, None]
    rel2 = jnp.concatenate(
        [relations.astype(jnp.float32), jnp.zeros((pad,), jnp.float32)])[:, None]
    out = _tc_head(hr, hc, zlast2, rel2, Wl1, bl1, Wl2, bl2, Wr, br)
    return out[:ep, None]

# --- scband reference (transcript-rebuilt; emitter-appended) ---
"""Pipeline reference for scband-gnn-82454782148763 (READ-ONLY COPY).

The authoritative reference and input builder live on the scoring server;
editing this copy changes nothing except your own understanding.
"""

import jax, jax.numpy as jnp
import numpy as np

N = 10000
E_GRAPH = 320000
E_PRED = 100000
D = 128
NUM_REL = 4


def setup_inputs(seed: int = 0) -> dict:
    key = jax.random.key(seed)
    ks = jax.random.split(key, 16)
    x = jax.random.normal(ks[0], (N, D), dtype=jnp.float32)
    edge_index = jax.random.randint(ks[1], (E_PRED, 2), 0, N, dtype=jnp.int32)
    relations = jax.random.randint(ks[2], (E_PRED,), 0, NUM_REL, dtype=jnp.int32)
    concs = jax.random.uniform(ks[3], (E_PRED, 2), dtype=jnp.float32)
    train_edge_index = jax.random.randint(ks[4], (2, E_GRAPH), 0, N, dtype=jnp.int32)
    # GCN conv params (gcn_channels=[128,128,128] -> two InMemoryGCN layers)
    W1 = jax.random.normal(ks[5], (D, D), dtype=jnp.float32) * (1.0 / np.sqrt(D))
    b1 = jnp.zeros((D,), dtype=jnp.float32)
    W2 = jax.random.normal(ks[6], (D, D), dtype=jnp.float32) * (1.0 / np.sqrt(D))
    b2 = jnp.zeros((D,), dtype=jnp.float32)
    # RelationAwareMLP params: kroenecker aggr -> lin_input_dim = 128 + 1 = 129
    # channels: [129, 256, 64, 1]; last layer is relation-specific (num_relation_lin_layers=1)
    Wl1 = jax.random.normal(ks[7], (D + 1, 256), dtype=jnp.float32) * (1.0 / np.sqrt(D + 1))
    bl1 = jnp.zeros((256,), dtype=jnp.float32)
    Wl2 = jax.random.normal(ks[8], (256, 64), dtype=jnp.float32) * (1.0 / np.sqrt(256))
    bl2 = jnp.zeros((64,), dtype=jnp.float32)
    Wr = jax.random.normal(ks[9], (NUM_REL, 64, 1), dtype=jnp.float32) * (1.0 / np.sqrt(64))
    br = jnp.zeros((NUM_REL, 1), dtype=jnp.float32)
    return {
        "x": x, "edge_index": edge_index, "relations": relations, "concs": concs,
        "train_edge_index": train_edge_index,
        "W1": W1, "b1": b1, "W2": W2, "b2": b2,
        "Wl1": Wl1, "bl1": bl1, "Wl2": Wl2, "bl2": bl2, "Wr": Wr, "br": br,
    }


def reference(x, edge_index, relations, concs, train_edge_index,
              W1, b1, W2, b2, Wl1, bl1, Wl2, bl2, Wr, br):
    # InMemoryGCN: GCN with self-loops and symmetric degree normalization,
    # propagating over the edge_index stored at construction time.
    loop = jnp.arange(N, dtype=train_edge_index.dtype)
    src = jnp.concatenate([train_edge_index[0], loop])
    dst = jnp.concatenate([train_edge_index[1], loop])
    deg = jnp.bincount(dst, length=N).astype(jnp.float32)
    dinv = jax.lax.rsqrt(jnp.maximum(deg, 1.0))
    norm = dinv[src] * dinv[dst]

    def gcn(h, W, b):
        m = h @ W + b
        msgs = m[src] * norm[:, None]
        return jax.ops.segment_sum(msgs, dst, num_segments=N)

    # num_residual_gcn_layers = 1 -> second conv has residual connection
    h = jax.nn.relu(gcn(x, W1, b1))
    h = jax.nn.relu(gcn(h, W2, b2)) + h

    # link prediction head over edge_index pairs (kroenecker aggregation)
    row = edge_index[:, 0]
    col = edge_index[:, 1]
    x_i = jnp.concatenate([h[row], concs[:, 0:1]], axis=1)
    x_j = jnp.concatenate([h[col], concs[:, 1:2]], axis=1)
    z = x_i * x_j

    # RelationAwareMLP: shared layers + relation-specific final layer
    a = jax.nn.relu(z @ Wl1 + bl1)
    a = jax.nn.relu(a @ Wl2 + bl2)
    Wsel = Wr[relations]          # [E_pred, 64, 1]
    out = jnp.einsum('ed,edo->eo', a, Wsel) + br[relations]
    return out

if __name__ == "__main__":
    import jax
    _d = setup_inputs()
    print(jax.jit(kernel)(*tuple(_d.values())))

</pallas_src>

<mosaic_0001>
#map = affine_map<(d0, d1) -> (0, 0)>
#map1 = affine_map<(d0, d1) -> (0, 0, 0)>
module attributes {stable_mosaic.version = 14 : i64} {
  func.func @k(%arg0: i32, %arg1: i32, %arg2: memref<10000x128xf32, #tpu.memory_space<hbm>>, %arg3: memref<32x25x128xi32, #tpu.memory_space<hbm>>, %arg4: memref<32x25x128xi32, #tpu.memory_space<hbm>>, %arg5: memref<102400x128xf32, #tpu.memory_space<hbm>>, %arg6: memref<102400x128xf32, #tpu.memory_space<hbm>>, %arg7: memref<25x128xi32, #tpu.memory_space<vmem>>, %arg8: memref<25x128xi32, #tpu.memory_space<vmem>>, %arg9: memref<128x128xf32, #tpu.memory_space<vmem>>, %arg10: memref<128x128xf32, #tpu.memory_space<vmem>>, %arg11: memref<!tpu.dma_semaphore, #tpu.memory_space<semaphore_mem>>, %arg12: memref<!tpu.dma_semaphore, #tpu.memory_space<semaphore_mem>>) attributes {dimension_semantics = [#tpu.dimension_semantics<core_parallel>, #tpu.dimension_semantics<subcore_parallel>], iteration_bounds = array<i64: 2, 16>, scalar_prefetch = 0 : i64, scratch_operands = 6 : i64, tpu.core_type = #tpu.core_type<sc_vector_subcore>, window_params = [{transform_indices = #map}, {transform_indices = #map1}, {transform_indices = #map1}, {transform_indices = #map}, {transform_indices = #map}]} {
    %mul3A = arith.constant 16 : i32
    %mul3A_0 = arith.muli %arg0, %mul3A : i32
    %add3A = arith.addi %mul3A_0, %arg1 : i32
    %mul3A_1 = arith.constant 25 : i32
    %mul3A_2 = arith.muli %add3A, %mul3A_1 : i32
    "tpu.region"() ({
      %run_scoped3A = tpu.sem_alloc : memref<!tpu.dma_semaphore, #tpu.memory_space<semaphore_mem>>
      %dma_start3A = arith.constant 0 : i32
      %dma_start3A_7 = arith.constant 0 : i32
      %dma_start3A_8 = tpu.memref_slice %arg3[%add3A, %dma_start3A, %dma_start3A_7] : memref<32x25x128xi32, #tpu.memory_space<hbm>> -> memref<1x25x128xi32, #tpu.memory_space<hbm>>
      %dma_start3A_9 = tpu.memref_squeeze %dma_start3A_8 : memref<1x25x128xi32, #tpu.memory_space<hbm>> -> memref<25x128xi32, #tpu.memory_space<hbm>>
      %dma_start3A_10 = arith.constant 0 : i32
      %dma_start3A_11 = arith.constant 0 : i32
      %dma_start3A_12 = tpu.memref_slice %arg3[%add3A, %dma_start3A_10, %dma_start3A_11] : memref<32x25x128xi32, #tpu.memory_space<hbm>> -> memref<1x25x128xi32, #tpu.memory_space<hbm>>
      %dma_start3A_13 = tpu.memref_squeeze %dma_start3A_12 : memref<1x25x128xi32, #tpu.memory_space<hbm>> -> memref<25x128xi32, #tpu.memory_space<hbm>>
      tpu.enqueue_dma source(%dma_start3A_13 : memref<25x128xi32, #tpu.memory_space<hbm>>) target(%arg7 : memref<25x128xi32, #tpu.memory_space<vmem>>) target_semaphore(%run_scoped3A : memref<!tpu.dma_semaphore, #tpu.memory_space<semaphore_mem>>)
      %dma_wait3A = arith.constant 0 : i32
      %dma_wait3A_14 = arith.constant 0 : i32
      %dma_wait3A_15 = tpu.memref_slice %arg3[%add3A, %dma_wait3A, %dma_wait3A_14] : memref<32x25x128xi32, #tpu.memory_space<hbm>> -> memref<1x25x128xi32, #tpu.memory_space<hbm>>
      %dma_wait3A_16 = tpu.memref_squeeze %dma_wait3A_15 : memref<1x25x128xi32, #tpu.memory_space<hbm>> -> memref<25x128xi32, #tpu.memory_space<hbm>>
      %dma_wait3A_17 = arith.constant 0 : i32
      %dma_wait3A_18 = arith.constant 0 : i32
      %dma_wait3A_19 = tpu.memref_slice %arg3[%add3A, %dma_wait3A_17, %dma_wait3A_18] : memref<32x25x128xi32, #tpu.memory_space<hbm>> -> memref<1x25x128xi32, #tpu.memory_space<hbm>>
      %dma_wait3A_20 = tpu.memref_squeeze %dma_wait3A_19 : memref<1x25x128xi32, #tpu.memory_space<hbm>> -> memref<25x128xi32, #tpu.memory_space<hbm>>
      tpu.wait_dma2 semaphore(%run_scoped3A : memref<!tpu.dma_semaphore, #tpu.memory_space<semaphore_mem>>) src(%dma_wait3A_20 : memref<25x128xi32, #tpu.memory_space<hbm>>) dst(%arg7 : memref<25x128xi32, #tpu.memory_space<vmem>>)
      tpu.yield
    }) : () -> ()
    "tpu.region"() ({
      %run_scoped3A = tpu.sem_alloc : memref<!tpu.dma_semaphore, #tpu.memory_space<semaphore_mem>>
      %dma_start3A = arith.constant 0 : i32
      %dma_start3A_7 = arith.constant 0 : i32
      %dma_start3A_8 = tpu.memref_slice %arg4[%add3A, %dma_start3A, %dma_start3A_7] : memref<32x25x128xi32, #tpu.memory_space<hbm>> -> memref<1x25x128xi32, #tpu.memory_space<hbm>>
      %dma_start3A_9 = tpu.memref_squeeze %dma_start3A_8 : memref<1x25x128xi32, #tpu.memory_space<hbm>> -> memref<25x128xi32, #tpu.memory_space<hbm>>
      %dma_start3A_10 = arith.constant 0 : i32
      %dma_start3A_11 = arith.constant 0 : i32
      %dma_start3A_12 = tpu.memref_slice %arg4[%add3A, %dma_start3A_10, %dma_start3A_11] : memref<32x25x128xi32, #tpu.memory_space<hbm>> -> memref<1x25x128xi32, #tpu.memory_space<hbm>>
      %dma_start3A_13 = tpu.memref_squeeze %dma_start3A_12 : memref<1x25x128xi32, #tpu.memory_space<hbm>> -> memref<25x128xi32, #tpu.memory_space<hbm>>
      tpu.enqueue_dma source(%dma_start3A_13 : memref<25x128xi32, #tpu.memory_space<hbm>>) target(%arg8 : memref<25x128xi32, #tpu.memory_space<vmem>>) target_semaphore(%run_scoped3A : memref<!tpu.dma_semaphore, #tpu.memory_space<semaphore_mem>>)
      %dma_wait3A = arith.constant 0 : i32
      %dma_wait3A_14 = arith.constant 0 : i32
      %dma_wait3A_15 = tpu.memref_slice %arg4[%add3A, %dma_wait3A, %dma_wait3A_14] : memref<32x25x128xi32, #tpu.memory_space<hbm>> -> memref<1x25x128xi32, #tpu.memory_space<hbm>>
      %dma_wait3A_16 = tpu.memref_squeeze %dma_wait3A_15 : memref<1x25x128xi32, #tpu.memory_space<hbm>> -> memref<25x128xi32, #tpu.memory_space<hbm>>
      %dma_wait3A_17 = arith.constant 0 : i32
      %dma_wait3A_18 = arith.constant 0 : i32
      %dma_wait3A_19 = tpu.memref_slice %arg4[%add3A, %dma_wait3A_17, %dma_wait3A_18] : memref<32x25x128xi32, #tpu.memory_space<hbm>> -> memref<1x25x128xi32, #tpu.memory_space<hbm>>
      %dma_wait3A_20 = tpu.memref_squeeze %dma_wait3A_19 : memref<1x25x128xi32, #tpu.memory_space<hbm>> -> memref<25x128xi32, #tpu.memory_space<hbm>>
      tpu.wait_dma2 semaphore(%run_scoped3A : memref<!tpu.dma_semaphore, #tpu.memory_space<semaphore_mem>>) src(%dma_wait3A_20 : memref<25x128xi32, #tpu.memory_space<hbm>>) dst(%arg8 : memref<25x128xi32, #tpu.memory_space<vmem>>)
      tpu.yield
    }) : () -> ()
    %scan3A = arith.constant 0 : i32
    %scan3A_3 = arith.constant 25 : i32
    %scan3A_4 = arith.addi %scan3A, %scan3A_3 : i32
    %scan3A_5 = arith.constant 1 : i32
    scf.for %scan3A_7 = %scan3A to %scan3A_4 step %scan3A_5  : i32 {
      %mul3A_8 = arith.constant 1 : i32
      %mul3A_9 = arith.muli %scan3A_7, %mul3A_8 : i32
      %add3A_10 = arith.constant 0 : i32
      %add3A_11 = arith.addi %add3A_10, %mul3A_9 : i32
      %dma_start3A = arith.constant 0 : i32
      %dma_start3A_12 = tpu.memref_slice %arg7[%add3A_11, %dma_start3A] : memref<25x128xi32, #tpu.memory_space<vmem>> -> memref<1x128xi32, #tpu.memory_space<vmem>>
      %dma_start3A_13 = tpu.memref_squeeze %dma_start3A_12 : memref<1x128xi32, #tpu.memory_space<vmem>> -> memref<128xi32, #tpu.memory_space<vmem>>
      %dma_start3A_14 = arith.constant 0 : i32
      %dma_start3A_15 = arith.constant 0 : i32
      %dma_start3A_16 = tpu.memref_slice %arg2[%dma_start3A_14, %dma_start3A_15] : memref<10000x128xf32, #tpu.memory_space<hbm>> -> memref<10000x128xf32, #tpu.memory_space<hbm>>
      tpu.enqueue_indirect_dma source(%dma_start3A_16 : memref<10000x128xf32, #tpu.memory_space<hbm>>) target(%arg9 : memref<128x128xf32, #tpu.memory_space<vmem>>) offsets(%dma_start3A_13 : memref<128xi32, #tpu.memory_space<vmem>>) semaphore(%arg11 : memref<!tpu.dma_semaphore, #tpu.memory_space<semaphore_mem>>)
      %dma_start3A_17 = arith.constant 0 : i32
      %dma_start3A_18 = tpu.memref_slice %arg8[%add3A_11, %dma_start3A_17] : memref<25x128xi32, #tpu.memory_space<vmem>> -> memref<1x128xi32, #tpu.memory_space<vmem>>
      %dma_start3A_19 = tpu.memref_squeeze %dma_start3A_18 : memref<1x128xi32, #tpu.memory_space<vmem>> -> memref<128xi32, #tpu.memory_space<vmem>>
      %dma_start3A_20 = arith.constant 0 : i32
      %dma_start3A_21 = arith.constant 0 : i32
      %dma_start3A_22 = tpu.memref_slice %arg2[%dma_start3A_20, %dma_start3A_21] : memref<10000x128xf32, #tpu.memory_space<hbm>> -> memref<10000x128xf32, #tpu.memory_space<hbm>>
      tpu.enqueue_indirect_dma source(%dma_start3A_22 : memref<10000x128xf32, #tpu.memory_space<hbm>>) target(%arg10 : memref<128x128xf32, #tpu.memory_space<vmem>>) offsets(%dma_start3A_19 : memref<128xi32, #tpu.memory_space<vmem>>) semaphore(%arg12 : memref<!tpu.dma_semaphore, #tpu.memory_space<semaphore_mem>>)
      %dma_wait3A = arith.constant 0 : i32
      %dma_wait3A_23 = tpu.memref_slice %arg7[%add3A_11, %dma_wait3A] : memref<25x128xi32, #tpu.memory_space<vmem>> -> memref<1x128xi32, #tpu.memory_space<vmem>>
      %dma_wait3A_24 = tpu.memref_squeeze %dma_wait3A_23 : memref<1x128xi32, #tpu.memory_space<vmem>> -> memref<128xi32, #tpu.memory_space<vmem>>
      %dma_wait3A_25 = arith.constant 0 : i32
      %dma_wait3A_26 = arith.constant 0 : i32
      %dma_wait3A_27 = tpu.memref_slice %arg2[%dma_wait3A_25, %dma_wait3A_26] : memref<10000x128xf32, #tpu.memory_space<hbm>> -> memref<10000x128xf32, #tpu.memory_space<hbm>>
      tpu.wait_indirect_dma semaphore(%arg11 : memref<!tpu.dma_semaphore, #tpu.memory_space<semaphore_mem>>) src(%dma_wait3A_27 : memref<10000x128xf32, #tpu.memory_space<hbm>>) dst(%arg9 : memref<128x128xf32, #tpu.memory_space<vmem>>)
      %dma_wait3A_28 = arith.constant 0 : i32
      %dma_wait3A_29 = tpu.memref_slice %arg8[%add3A_11, %dma_wait3A_28] : memref<25x128xi32, #tpu.memory_space<vmem>> -> memref<1x128xi32, #tpu.memory_space<vmem>>
      %dma_wait3A_30 = tpu.memref_squeeze %dma_wait3A_29 : memref<1x128xi32, #tpu.memory_space<vmem>> -> memref<128xi32, #tpu.memory_space<vmem>>
      %dma_wait3A_31 = arith.constant 0 : i32
      %dma_wait3A_32 = arith.constant 0 : i32
      %dma_wait3A_33 = tpu.memref_slice %arg2[%dma_wait3A_31, %dma_wait3A_32] : memref<10000x128xf32, #tpu.memory_space<hbm>> -> memref<10000x128xf32, #tpu.memory_space<hbm>>
      tpu.wait_indirect_dma semaphore(%arg12 : memref<!tpu.dma_semaphore, #tpu.memory_space<semaphore_mem>>) src(%dma_wait3A_33 : memref<10000x128xf32, #tpu.memory_space<hbm>>) dst(%arg10 : memref<128x128xf32, #tpu.memory_space<vmem>>)
      %add3A_34 = arith.addi %mul3A_2, %add3A_11 : i32
      %mul3A_35 = arith.constant 128 : i32
      %mul3A_36 = arith.muli %add3A_34, %mul3A_35 : i32
      "tpu.region"() ({
        %run_scoped3A = tpu.sem_alloc : memref<!tpu.dma_semaphore, #tpu.memory_space<semaphore_mem>>
        %dma_start3A_40 = arith.constant 0 : i32
        %dma_start3A_41 = tpu.memref_slice %arg5[%mul3A_36, %dma_start3A_40] : memref<102400x128xf32, #tpu.memory_space<hbm>> -> memref<128x128xf32, #tpu.memory_space<hbm>>
        %dma_start3A_42 = arith.constant 0 : i32
        %dma_start3A_43 = tpu.memref_slice %arg5[%mul3A_36, %dma_start3A_42] : memref<102400x128xf32, #tpu.memory_space<hbm>> -> memref<128x128xf32, #tpu.memory_space<hbm>>
        tpu.enqueue_dma source(%arg9 : memref<128x128xf32, #tpu.memory_space<vmem>>) target(%dma_start3A_43 : memref<128x128xf32, #tpu.memory_space<hbm>>) target_semaphore(%run_scoped3A : memref<!tpu.dma_semaphore, #tpu.memory_space<semaphore_mem>>)
        %dma_wait3A_44 = arith.constant 0 : i32
        %dma_wait3A_45 = tpu.memref_slice %arg5[%mul3A_36, %dma_wait3A_44] : memref<102400x128xf32, #tpu.memory_space<hbm>> -> memref<128x128xf32, #tpu.memory_space<hbm>>
        %dma_wait3A_46 = arith.constant 0 : i32
        %dma_wait3A_47 = tpu.memref_slice %arg5[%mul3A_36, %dma_wait3A_46] : memref<102400x128xf32, #tpu.memory_space<hbm>> -> memref<128x128xf32, #tpu.memory_space<hbm>>
        tpu.wait_dma2 semaphore(%run_scoped3A : memref<!tpu.dma_semaphore, #tpu.memory_space<semaphore_mem>>) src(%arg9 : memref<128x128xf32, #tpu.memory_space<vmem>>) dst(%dma_wait3A_47 : memref<128x128xf32, #tpu.memory_space<hbm>>)
        tpu.yield
      }) : () -> ()
      %add3A_37 = arith.addi %mul3A_2, %add3A_11 : i32
      %mul3A_38 = arith.constant 128 : i32
      %mul3A_39 = arith.muli %add3A_37, %mul3A_38 : i32
      "tpu.region"() ({
        %run_scoped3A = tpu.sem_alloc : memref<!tpu.dma_semaphore, #tpu.memory_space<semaphore_mem>>
        %dma_start3A_40 = arith.constant 0 : i32
        %dma_start3A_41 = tpu.memref_slice %arg6[%mul3A_39, %dma_start3A_40] : memref<102400x128xf32, #tpu.memory_space<hbm>> -> memref<128x128xf32, #tpu.memory_space<hbm>>
        %dma_start3A_42 = arith.constant 0 : i32
        %dma_start3A_43 = tpu.memref_slice %arg6[%mul3A_39, %dma_start3A_42] : memref<102400x128xf32, #tpu.memory_space<hbm>> -> memref<128x128xf32, #tpu.memory_space<hbm>>
        tpu.enqueue_dma source(%arg10 : memref<128x128xf32, #tpu.memory_space<vmem>>) target(%dma_start3A_43 : memref<128x128xf32, #tpu.memory_space<hbm>>) target_semaphore(%run_scoped3A : memref<!tpu.dma_semaphore, #tpu.memory_space<semaphore_mem>>)
        %dma_wait3A_44 = arith.constant 0 : i32
        %dma_wait3A_45 = tpu.memref_slice %arg6[%mul3A_39, %dma_wait3A_44] : memref<102400x128xf32, #tpu.memory_space<hbm>> -> memref<128x128xf32, #tpu.memory_space<hbm>>
        %dma_wait3A_46 = arith.constant 0 : i32
        %dma_wait3A_47 = tpu.memref_slice %arg6[%mul3A_39, %dma_wait3A_46] : memref<102400x128xf32, #tpu.memory_space<hbm>> -> memref<128x128xf32, #tpu.memory_space<hbm>>
        tpu.wait_dma2 semaphore(%run_scoped3A : memref<!tpu.dma_semaphore, #tpu.memory_space<semaphore_mem>>) src(%arg10 : memref<128x128xf32, #tpu.memory_space<vmem>>) dst(%dma_wait3A_47 : memref<128x128xf32, #tpu.memory_space<hbm>>)
        tpu.yield
      }) : () -> ()
    }
    %scan3A_6 = arith.constant 25 : i32
    return
  }
}

#map = affine_map<(d0, d1) -> (0, 0, 0)>
#map1 = affine_map<(d0, d1) -> (0)>
module attributes {stable_mosaic.version = 14 : i64} {
  func.func @k(%arg0: i32, %arg1: i32, %arg2: memref<2x2560x125xi32, #tpu.memory_space<hbm>>, %arg3: memref<10000xf32, #tpu.memory_space<hbm>>, %arg4: memref<20000xf32, #tpu.memory_space<hbm>>, %arg5: memref<80x125xi32, #tpu.memory_space<vmem>>, %arg6: memref<128xf32, #tpu.memory_space<vmem>>, %arg7: memref<640xf32, #tpu.memory_space<vmem>>, %arg8: memref<10000xf32, #tpu.memory_space<vmem_shared>>) attributes {dimension_semantics = [#tpu.dimension_semantics<core_parallel>, #tpu.dimension_semantics<subcore_parallel>], iteration_bounds = array<i64: 2, 16>, scalar_prefetch = 0 : i64, scratch_operands = 4 : i64, tpu.core_type = #tpu.core_type<sc_vector_subcore>, window_params = [{transform_indices = #map}, {transform_indices = #map1}, {transform_indices = #map1}]} {
    %mul3A = arith.constant 16 : i32
    %mul3A_0 = arith.muli %arg0, %mul3A : i32
    %add3A = arith.addi %mul3A_0, %arg1 : i32
    %scan3A = arith.constant 0 : i32
    %scan3A_1 = arith.constant 8 : i32
    %scan3A_2 = arith.addi %scan3A, %scan3A_1 : i32
    %scan3A_3 = arith.constant 1 : i32
    scf.for %scan3A_34 = %scan3A to %scan3A_2 step %scan3A_3  : i32 {
      %mul3A_35 = arith.constant 16 : i32
      %mul3A_36 = arith.muli %scan3A_34, %mul3A_35 : i32
      %add3A_37 = arith.constant 0 : i32
      %add3A_38 = arith.addi %add3A_37, %mul3A_36 : i32
      %broadcast_in_dim3A = arith.constant 1.000000e+00 : f32
      %broadcast_in_dim3A_39 = vector.broadcast %broadcast_in_dim3A : f32 to vector<16xf32>
      %swap3A = arith.index_cast %add3A_38 : i32 to index
      %swap3A_40 = tpu.vector_load %arg6[%swap3A] {strides = array<i32>} : memref<128xf32, #tpu.memory_space<vmem>>, vector<16xf32>,
      %swap3A_41 = vector.shape_cast %swap3A_40 : vector<16xf32> to vector<16xf32>
      %swap3A_42 = vector.shape_cast %broadcast_in_dim3A_39 : vector<16xf32> to vector<16xf32>
      tpu.vector_store %arg6[%swap3A], %swap3A_42 {strides = array<i32>} : memref<128xf32, #tpu.memory_space<vmem>>, vector<16xf32>,
    }
    %scan3A_4 = arith.constant 8 : i32
    %scan3A_5 = arith.constant 0 : i32
    %scan3A_6 = arith.constant 40 : i32
    %scan3A_7 = arith.addi %scan3A_5, %scan3A_6 : i32
    %scan3A_8 = arith.constant 1 : i32
    scf.for %scan3A_34 = %scan3A_5 to %scan3A_7 step %scan3A_8  : i32 {
      %mul3A_35 = arith.constant 16 : i32
      %mul3A_36 = arith.muli %scan3A_34, %mul3A_35 : i32
      %add3A_37 = arith.constant 0 : i32
      %add3A_38 = arith.addi %add3A_37, %mul3A_36 : i32
      %broadcast_in_dim3A = arith.constant 0.000000e+00 : f32
      %broadcast_in_dim3A_39 = vector.broadcast %broadcast_in_dim3A : f32 to vector<16xf32>
      %swap3A = arith.index_cast %add3A_38 : i32 to index
      %swap3A_40 = tpu.vector_load %arg7[%swap3A] {strides = array<i32>} : memref<640xf32, #tpu.memory_space<vmem>>, vector<16xf32>,
      %swap3A_41 = vector.shape_cast %swap3A_40 : vector<16xf32> to vector<16xf32>
      %swap3A_42 = vector.shape_cast %broadcast_in_dim3A_39 : vector<16xf32> to vector<16xf32>
      tpu.vector_store %arg7[%swap3A], %swap3A_42 {strides = array<i32>} : memref<640xf32, #tpu.memory_space<vmem>>, vector<16xf32>,
    }
    %scan3A_9 = arith.constant 40 : i32
    %lt3A = arith.constant 15 : i32
    %lt3A_10 = arith.cmpi slt, %arg1, %lt3A : i32
    %convert_element_type3A = arith.extui %lt3A_10 : i1 to i32
    %cond3A = arith.constant 0 : i32
    %cond3A_11 = arith.cmpi ne, %convert_element_type3A, %cond3A : i32
    scf.if %cond3A_11 {
      %mul3A_34 = arith.constant 624 : i32
      %mul3A_35 = arith.muli %arg1, %mul3A_34 : i32
      "tpu.region"() ({
        %run_scoped3A_36 = tpu.sem_alloc : memref<!tpu.dma_semaphore, #tpu.memory_space<semaphore_mem>>
        %dma_start3A = arith.constant 0 : i32
        %dma_start3A_37 = tpu.memref_slice %arg7[%dma_start3A] : memref<640xf32, #tpu.memory_space<vmem>> -> memref<624xf32, #tpu.memory_space<vmem>>
        %dma_start3A_38 = tpu.memref_slice %arg8[%mul3A_35] : memref<10000xf32, #tpu.memory_space<vmem_shared>> -> memref<624xf32, #tpu.memory_space<vmem_shared>>
        %dma_start3A_39 = tpu.memref_slice %arg8[%mul3A_35] : memref<10000xf32, #tpu.memory_space<vmem_shared>> -> memref<624xf32, #tpu.memory_space<vmem_shared>>
        %dma_start3A_40 = arith.constant 0 : i32
        %dma_start3A_41 = tpu.memref_slice %arg7[%dma_start3A_40] : memref<640xf32, #tpu.memory_space<vmem>> -> memref<624xf32, #tpu.memory_space<vmem>>
        tpu.enqueue_dma source(%dma_start3A_41 : memref<624xf32, #tpu.memory_space<vmem>>) target(%dma_start3A_39 : memref<624xf32, #tpu.memory_space<vmem_shared>>) target_semaphore(%run_scoped3A_36 : memref<!tpu.dma_semaphore, #tpu.memory_space<semaphore_mem>>)
        %dma_wait3A = arith.constant 0 : i32
        %dma_wait3A_42 = tpu.memref_slice %arg7[%dma_wait3A] : memref<640xf32, #tpu.memory_space<vmem>> -> memref<624xf32, #tpu.memory_space<vmem>>
        %dma_wait3A_43 = tpu.memref_slice %arg8[%mul3A_35] : memref<10000xf32, #tpu.memory_space<vmem_shared>> -> memref<624xf32, #tpu.memory_space<vmem_shared>>
        %dma_wait3A_44 = tpu.memref_slice %arg8[%mul3A_35] : memref<10000xf32, #tpu.memory_space<vmem_shared>> -> memref<624xf32, #tpu.memory_space<vmem_shared>>
        %dma_wait3A_45 = arith.constant 0 : i32
        %dma_wait3A_46 = tpu.memref_slice %arg7[%dma_wait3A_45] : memref<640xf32, #tpu.memory_space<vmem>> -> memref<624xf32, #tpu.memory_space<vmem>>
        tpu.wait_dma2 semaphore(%run_scoped3A_36 : memref<!tpu.dma_semaphore, #tpu.memory_space<semaphore_mem>>) src(%dma_wait3A_46 : memref<624xf32, #tpu.memory_space<vmem>>) dst(%dma_wait3A_44 : memref<624xf32, #tpu.memory_space<vmem_shared>>)
        tpu.yield
      }) : () -> ()
    } else {
    }
    %eq3A = arith.constant 15 : i32
    %eq3A_12 = arith.cmpi eq, %arg1, %eq3A : i32
    %convert_element_type3A_13 = arith.extui %eq3A_12 : i1 to i32
    %cond3A_14 = arith.constant 0 : i32
    %cond3A_15 = arith.cmpi ne, %convert_element_type3A_13, %cond3A_14 : i32
    scf.if %cond3A_15 {
      %mul3A_34 = arith.constant 624 : i32
      %mul3A_35 = arith.muli %arg1, %mul3A_34 : i32
      "tpu.region"() ({
        %run_scoped3A_36 = tpu.sem_alloc : memref<!tpu.dma_semaphore, #tpu.memory_space<semaphore_mem>>
        %dma_start3A = arith.constant 0 : i32
        %dma_start3A_37 = tpu.memref_slice %arg7[%dma_start3A] : memref<640xf32, #tpu.memory_space<vmem>> -> memref<640xf32, #tpu.memory_space<vmem>>
        %dma_start3A_38 = tpu.memref_slice %arg8[%mul3A_35] : memref<10000xf32, #tpu.memory_space<vmem_shared>> -> memref<640xf32, #tpu.memory_space<vmem_shared>>
        %dma_start3A_39 = tpu.memref_slice %arg8[%mul3A_35] : memref<10000xf32, #tpu.memory_space<vmem_shared>> -> memref<640xf32, #tpu.memory_space<vmem_shared>>
        %dma_start3A_40 = arith.constant 0 : i32
        %dma_start3A_41 = tpu.memref_slice %arg7[%dma_start3A_40] : memref<640xf32, #tpu.memory_space<vmem>> -> memref<640xf32, #tpu.memory_space<vmem>>
        tpu.enqueue_dma source(%dma_start3A_41 : memref<640xf32, #tpu.memory_space<vmem>>) target(%dma_start3A_39 : memref<640xf32, #tpu.memory_space<vmem_shared>>) target_semaphore(%run_scoped3A_36 : memref<!tpu.dma_semaphore, #tpu.memory_space<semaphore_mem>>)
        %dma_wait3A = arith.constant 0 : i32
        %dma_wait3A_42 = tpu.memref_slice %arg7[%dma_wait3A] : memref<640xf32, #tpu.memory_space<vmem>> -> memref<640xf32, #tpu.memory_space<vmem>>
        %dma_wait3A_43 = tpu.memref_slice %arg8[%mul3A_35] : memref<10000xf32, #tpu.memory_space<vmem_shared>> -> memref<640xf32, #tpu.memory_space<vmem_shared>>
        %dma_wait3A_44 = tpu.memref_slice %arg8[%mul3A_35] : memref<10000xf32, #tpu.memory_space<vmem_shared>> -> memref<640xf32, #tpu.memory_space<vmem_shared>>
        %dma_wait3A_45 = arith.constant 0 : i32
        %dma_wait3A_46 = tpu.memref_slice %arg7[%dma_wait3A_45] : memref<640xf32, #tpu.memory_space<vmem>> -> memref<640xf32, #tpu.memory_space<vmem>>
        tpu.wait_dma2 semaphore(%run_scoped3A_36 : memref<!tpu.dma_semaphore, #tpu.memory_space<semaphore_mem>>) src(%dma_wait3A_46 : memref<640xf32, #tpu.memory_space<vmem>>) dst(%dma_wait3A_44 : memref<640xf32, #tpu.memory_space<vmem_shared>>)
        tpu.yield
      }) : () -> ()
    } else {
    }
    %mul3A_16 = arith.constant 80 : i32
    %mul3A_17 = arith.muli %add3A, %mul3A_16 : i32
    %run_scoped3A = arith.constant 1 : i32
    "tpu.region"() ({
      %run_scoped3A_34 = tpu.sem_alloc : memref<!tpu.dma_semaphore, #tpu.memory_space<semaphore_mem>>
      %dma_start3A = arith.constant 0 : i32
      %dma_start3A_35 = arith.constant 0 : i32
      %dma_start3A_36 = tpu.memref_slice %arg2[%run_scoped3A, %dma_start3A, %dma_start3A_35] : memref<2x2560x125xi32, #tpu.memory_space<hbm>> -> memref<1x2560x125xi32, #tpu.memory_space<hbm>>
      %dma_start3A_37 = tpu.memref_squeeze %dma_start3A_36 : memref<1x2560x125xi32, #tpu.memory_space<hbm>> -> memref<2560x125xi32, #tpu.memory_space<hbm>>
      %dma_start3A_38 = arith.constant 0 : i32
      %dma_start3A_39 = tpu.memref_slice %dma_start3A_37[%mul3A_17, %dma_start3A_38] : memref<2560x125xi32, #tpu.memory_space<hbm>> -> memref<80x125xi32, #tpu.memory_space<hbm>>
      %dma_start3A_40 = arith.constant 0 : i32
      %dma_start3A_41 = arith.constant 0 : i32
      %dma_start3A_42 = tpu.memref_slice %arg2[%run_scoped3A, %dma_start3A_40, %dma_start3A_41] : memref<2x2560x125xi32, #tpu.memory_space<hbm>> -> memref<1x2560x125xi32, #tpu.memory_space<hbm>>
      %dma_start3A_43 = tpu.memref_squeeze %dma_start3A_42 : memref<1x2560x125xi32, #tpu.memory_space<hbm>> -> memref<2560x125xi32, #tpu.memory_space<hbm>>
      %dma_start3A_44 = arith.constant 0 : i32
      %dma_start3A_45 = tpu.memref_slice %dma_start3A_43[%mul3A_17, %dma_start3A_44] : memref<2560x125xi32, #tpu.memory_space<hbm>> -> memref<80x125xi32, #tpu.memory_space<hbm>>
      tpu.enqueue_dma source(%dma_start3A_45 : memref<80x125xi32, #tpu.memory_space<hbm>>) target(%arg5 : memref<80x125xi32, #tpu.memory_space<vmem>>) target_semaphore(%run_scoped3A_34 : memref<!tpu.dma_semaphore, #tpu.memory_space<semaphore_mem>>)
      %dma_wait3A = arith.constant 0 : i32
      %dma_wait3A_46 = arith.constant 0 : i32
      %dma_wait3A_47 = tpu.memref_slice %arg2[%run_scoped3A, %dma_wait3A, %dma_wait3A_46] : memref<2x2560x125xi32, #tpu.memory_space<hbm>> -> memref<1x2560x125xi32, #tpu.memory_space<hbm>>
      %dma_wait3A_48 = tpu.memref_squeeze %dma_wait3A_47 : memref<1x2560x125xi32, #tpu.memory_space<hbm>> -> memref<2560x125xi32, #tpu.memory_space<hbm>>
      %dma_wait3A_49 = arith.constant 0 : i32
      %dma_wait3A_50 = tpu.memref_slice %dma_wait3A_48[%mul3A_17, %dma_wait3A_49] : memref<2560x125xi32, #tpu.memory_space<hbm>> -> memref<80x125xi32, #tpu.memory_space<hbm>>
      %dma_wait3A_51 = arith.constant 0 : i32
      %dma_wait3A_52 = arith.constant 0 : i32
      %dma_wait3A_53 = tpu.memref_slice %arg2[%run_scoped3A, %dma_wait3A_51, %dma_wait3A_52] : memref<2x2560x125xi32, #tpu.memory_space<hbm>> -> memref<1x2560x125xi32, #tpu.memory_space<hbm>>
      %dma_wait3A_54 = tpu.memref_squeeze %dma_wait3A_53 : memref<1x2560x125xi32, #tpu.memory_space<hbm>> -> memref<2560x125xi32, #tpu.memory_space<hbm>>
      %dma_wait3A_55 = arith.constant 0 : i32
      %dma_wait3A_56 = tpu.memref_slice %dma_wait3A_54[%mul3A_17, %dma_wait3A_55] : memref<2560x125xi32, #tpu.memory_space<hbm>> -> memref<80x125xi32, #tpu.memory_space<hbm>>
      tpu.wait_dma2 semaphore(%run_scoped3A_34 : memref<!tpu.dma_semaphore, #tpu.memory_space<semaphore_mem>>) src(%dma_wait3A_56 : memref<80x125xi32, #tpu.memory_space<hbm>>) dst(%arg5 : memref<80x125xi32, #tpu.memory_space<vmem>>)
      tpu.yield
    }) : () -> ()
    %barrier3A = arith.constant 0 : index
    tpu.barrier barrier_id(%barrier3A)
    %scan3A_18 = arith.constant 0 : i32
    %scan3A_19 = arith.constant 80 : i32
    %scan3A_20 = arith.addi %scan3A_18, %scan3A_19 : i32
    %scan3A_21 = arith.constant 1 : i32
    scf.for %scan3A_34 = %scan3A_18 to %scan3A_20 step %scan3A_21  : i32 {
      %mul3A_35 = arith.constant 1 : i32
      %mul3A_36 = arith.muli %scan3A_34, %mul3A_35 : i32
      %add3A_37 = arith.constant 0 : i32
      %add3A_38 = arith.addi %add3A_37, %mul3A_36 : i32
      "tpu.region"() ({
        %run_scoped3A_39 = tpu.sem_alloc : memref<!tpu.dma_semaphore, #tpu.memory_space<semaphore_mem>>
        %dma_start3A = arith.constant 0 : i32
        %dma_start3A_40 = tpu.memref_slice %arg6[%dma_start3A] : memref<128xf32, #tpu.memory_space<vmem>> -> memref<125xf32, #tpu.memory_space<vmem>>
        %dma_start3A_41 = arith.constant 0 : i32
        %dma_start3A_42 = tpu.memref_slice %arg5[%add3A_38, %dma_start3A_41] : memref<80x125xi32, #tpu.memory_space<vmem>> -> memref<1x125xi32, #tpu.memory_space<vmem>>
        %dma_start3A_43 = tpu.memref_squeeze %dma_start3A_42 : memref<1x125xi32, #tpu.memory_space<vmem>> -> memref<125xi32, #tpu.memory_space<vmem>>
        %dma_start3A_44 = arith.constant 0 : i32
        %dma_start3A_45 = tpu.memref_slice %arg8[%dma_start3A_44] : memref<10000xf32, #tpu.memory_space<vmem_shared>> -> memref<10000xf32, #tpu.memory_space<vmem_shared>>
        tpu.enqueue_indirect_dma source(%dma_start3A_40 : memref<125xf32, #tpu.memory_space<vmem>>) target(%dma_start3A_45 : memref<10000xf32, #tpu.memory_space<vmem_shared>>) offsets(%dma_start3A_43 : memref<125xi32, #tpu.memory_space<vmem>>) semaphore(%run_scoped3A_39 : memref<!tpu.dma_semaphore, #tpu.memory_space<semaphore_mem>>) {add = true}
        %dma_wait3A = arith.constant 0 : i32
        %dma_wait3A_46 = tpu.memref_slice %arg6[%dma_wait3A] : memref<128xf32, #tpu.memory_space<vmem>> -> memref<125xf32, #tpu.memory_space<vmem>>
        %dma_wait3A_47 = arith.constant 0 : i32
        %dma_wait3A_48 = tpu.memref_slice %arg5[%add3A_38, %dma_wait3A_47] : memref<80x125xi32, #tpu.memory_space<vmem>> -> memref<1x125xi32, #tpu.memory_space<vmem>>
        %dma_wait3A_49 = tpu.memref_squeeze %dma_wait3A_48 : memref<1x125xi32, #tpu.memory_space<vmem>> -> memref<125xi32, #tpu.memory_space<vmem>>
        %dma_wait3A_50 = arith.constant 0 : i32
        %dma_wait3A_51 = tpu.memref_slice %arg8[%dma_wait3A_50] : memref<10000xf32, #tpu.memory_space<vmem_shared>> -> memref<10000xf32, #tpu.memory_space<vmem_shared>>
        tpu.wait_indirect_dma semaphore(%run_scoped3A_39 : memref<!tpu.dma_semaphore, #tpu.memory_space<semaphore_mem>>) src(%dma_wait3A_46 : memref<125xf32, #tpu.memory_space<vmem>>) dst(%dma_wait3A_51 : memref<10000xf32, #tpu.memory_space<vmem_shared>>)
        tpu.yield
      }) : () -> ()
    }
    %scan3A_22 = arith.constant 80 : i32
    %barrier3A_23 = arith.constant 0 : index
    tpu.barrier barrier_id(%barrier3A_23)
    %lt3A_24 = arith.constant 15 : i32
    %lt3A_25 = arith.cmpi slt, %arg1, %lt3A_24 : i32
    %convert_element_type3A_26 = arith.extui %lt3A_25 : i1 to i32
    %cond3A_27 = arith.constant 0 : i32
    %cond3A_28 = arith.cmpi ne, %convert_element_type3A_26, %cond3A_27 : i32
    scf.if %cond3A_28 {
      %mul3A_34 = arith.constant 624 : i32
      %mul3A_35 = arith.muli %arg1, %mul3A_34 : i32
      "tpu.region"() ({
        %run_scoped3A_41 = tpu.sem_alloc : memref<!tpu.dma_semaphore, #tpu.memory_space<semaphore_mem>>
        %dma_start3A = arith.constant 0 : i32
        %dma_start3A_42 = tpu.memref_slice %arg7[%dma_start3A] : memref<640xf32, #tpu.memory_space<vmem>> -> memref<624xf32, #tpu.memory_space<vmem>>
        %dma_start3A_43 = tpu.memref_slice %arg8[%mul3A_35] : memref<10000xf32, #tpu.memory_space<vmem_shared>> -> memref<624xf32, #tpu.memory_space<vmem_shared>>
        %dma_start3A_44 = arith.constant 0 : i32
        %dma_start3A_45 = tpu.memref_slice %arg7[%dma_start3A_44] : memref<640xf32, #tpu.memory_space<vmem>> -> memref<624xf32, #tpu.memory_space<vmem>>
        %dma_start3A_46 = tpu.memref_slice %arg8[%mul3A_35] : memref<10000xf32, #tpu.memory_space<vmem_shared>> -> memref<624xf32, #tpu.memory_space<vmem_shared>>
        tpu.enqueue_dma source(%dma_start3A_46 : memref<624xf32, #tpu.memory_space<vmem_shared>>) target(%dma_start3A_45 : memref<624xf32, #tpu.memory_space<vmem>>) target_semaphore(%run_scoped3A_41 : memref<!tpu.dma_semaphore, #tpu.memory_space<semaphore_mem>>)
        %dma_wait3A = arith.constant 0 : i32
        %dma_wait3A_47 = tpu.memref_slice %arg7[%dma_wait3A] : memref<640xf32, #tpu.memory_space<vmem>> -> memref<624xf32, #tpu.memory_space<vmem>>
        %dma_wait3A_48 = tpu.memref_slice %arg8[%mul3A_35] : memref<10000xf32, #tpu.memory_space<vmem_shared>> -> memref<624xf32, #tpu.memory_space<vmem_shared>>
        %dma_wait3A_49 = arith.constant 0 : i32
        %dma_wait3A_50 = tpu.memref_slice %arg7[%dma_wait3A_49] : memref<640xf32, #tpu.memory_space<vmem>> -> memref<624xf32, #tpu.memory_space<vmem>>
        %dma_wait3A_51 = tpu.memref_slice %arg8[%mul3A_35] : memref<10000xf32, #tpu.memory_space<vmem_shared>> -> memref<624xf32, #tpu.memory_space<vmem_shared>>
        tpu.wait_dma2 semaphore(%run_scoped3A_41 : memref<!tpu.dma_semaphore, #tpu.memory_space<semaphore_mem>>) src(%dma_wait3A_51 : memref<624xf32, #tpu.memory_space<vmem_shared>>) dst(%dma_wait3A_50 : memref<624xf32, #tpu.memory_space<vmem>>)
        tpu.yield
      }) : () -> ()
      %mul3A_36 = arith.constant 10000 : i32
      %mul3A_37 = arith.muli %arg0, %mul3A_36 : i32
      %mul3A_38 = arith.constant 624 : i32
      %mul3A_39 = arith.muli %arg1, %mul3A_38 : i32
      %add3A_40 = arith.addi %mul3A_37, %mul3A_39 : i32
      "tpu.region"() ({
        %run_scoped3A_41 = tpu.sem_alloc : memref<!tpu.dma_semaphore, #tpu.memory_space<semaphore_mem>>
        %dma_start3A = arith.constant 0 : i32
        %dma_start3A_42 = tpu.memref_slice %arg7[%dma_start3A] : memref<640xf32, #tpu.memory_space<vmem>> -> memref<624xf32, #tpu.memory_space<vmem>>
        %dma_start3A_43 = tpu.memref_slice %arg4[%add3A_40] : memref<20000xf32, #tpu.memory_space<hbm>> -> memref<624xf32, #tpu.memory_space<hbm>>
        %dma_start3A_44 = tpu.memref_slice %arg4[%add3A_40] : memref<20000xf32, #tpu.memory_space<hbm>> -> memref<624xf32, #tpu.memory_space<hbm>>
        %dma_start3A_45 = arith.constant 0 : i32
        %dma_start3A_46 = tpu.memref_slice %arg7[%dma_start3A_45] : memref<640xf32, #tpu.memory_space<vmem>> -> memref<624xf32, #tpu.memory_space<vmem>>
        tpu.enqueue_dma source(%dma_start3A_46 : memref<624xf32, #tpu.memory_space<vmem>>) target(%dma_start3A_44 : memref<624xf32, #tpu.memory_space<hbm>>) target_semaphore(%run_scoped3A_41 : memref<!tpu.dma_semaphore, #tpu.memory_space<semaphore_mem>>)
        %dma_wait3A = arith.constant 0 : i32
        %dma_wait3A_47 = tpu.memref_slice %arg7[%dma_wait3A] : memref<640xf32, #tpu.memory_space<vmem>> -> memref<624xf32, #tpu.memory_space<vmem>>
        %dma_wait3A_48 = tpu.memref_slice %arg4[%add3A_40] : memref<20000xf32, #tpu.memory_space<hbm>> -> memref<624xf32, #tpu.memory_space<hbm>>
        %dma_wait3A_49 = tpu.memref_slice %arg4[%add3A_40] : memref<20000xf32, #tpu.memory_space<hbm>> -> memref<624xf32, #tpu.memory_space<hbm>>
        %dma_wait3A_50 = arith.constant 0 : i32
        %dma_wait3A_51 = tpu.memref_slice %arg7[%dma_wait3A_50] : memref<640xf32, #tpu.memory_space<vmem>> -> memref<624xf32, #tpu.memory_space<vmem>>
        tpu.wait_dma2 semaphore(%run_scoped3A_41 : memref<!tpu.dma_semaphore, #tpu.memory_space<semaphore_mem>>) src(%dma_wait3A_51 : memref<624xf32, #tpu.memory_space<vmem>>) dst(%dma_wait3A_49 : memref<624xf32, #tpu.memory_space<hbm>>)
        tpu.yield
      }) : () -> ()
    } else {
    }
    %eq3A_29 = arith.constant 15 : i32
    %eq3A_30 = arith.cmpi eq, %arg1, %eq3A_29 : i32
    %convert_element_type3A_31 = arith.extui %eq3A_30 : i1 to i32
    %cond3A_32 = arith.constant 0 : i32
    %cond3A_33 = arith.cmpi ne, %convert_element_type3A_31, %cond3A_32 : i32
    scf.if %cond3A_33 {
      %mul3A_34 = arith.constant 624 : i32
      %mul3A_35 = arith.muli %arg1, %mul3A_34 : i32
      "tpu.region"() ({
        %run_scoped3A_41 = tpu.sem_alloc : memref<!tpu.dma_semaphore, #tpu.memory_space<semaphore_mem>>
        %dma_start3A = arith.constant 0 : i32
        %dma_start3A_42 = tpu.memref_slice %arg7[%dma_start3A] : memref<640xf32, #tpu.memory_space<vmem>> -> memref<640xf32, #tpu.memory_space<vmem>>
        %dma_start3A_43 = tpu.memref_slice %arg8[%mul3A_35] : memref<10000xf32, #tpu.memory_space<vmem_shared>> -> memref<640xf32, #tpu.memory_space<vmem_shared>>
        %dma_start3A_44 = arith.constant 0 : i32
        %dma_start3A_45 = tpu.memref_slice %arg7[%dma_start3A_44] : memref<640xf32, #tpu.memory_space<vmem>> -> memref<640xf32, #tpu.memory_space<vmem>>
        %dma_start3A_46 = tpu.memref_slice %arg8[%mul3A_35] : memref<10000xf32, #tpu.memory_space<vmem_shared>> -> memref<640xf32, #tpu.memory_space<vmem_shared>>
        tpu.enqueue_dma source(%dma_start3A_46 : memref<640xf32, #tpu.memory_space<vmem_shared>>) target(%dma_start3A_45 : memref<640xf32, #tpu.memory_space<vmem>>) target_semaphore(%run_scoped3A_41 : memref<!tpu.dma_semaphore, #tpu.memory_space<semaphore_mem>>)
        %dma_wait3A = arith.constant 0 : i32
        %dma_wait3A_47 = tpu.memref_slice %arg7[%dma_wait3A] : memref<640xf32, #tpu.memory_space<vmem>> -> memref<640xf32, #tpu.memory_space<vmem>>
        %dma_wait3A_48 = tpu.memref_slice %arg8[%mul3A_35] : memref<10000xf32, #tpu.memory_space<vmem_shared>> -> memref<640xf32, #tpu.memory_space<vmem_shared>>
        %dma_wait3A_49 = arith.constant 0 : i32
        %dma_wait3A_50 = tpu.memref_slice %arg7[%dma_wait3A_49] : memref<640xf32, #tpu.memory_space<vmem>> -> memref<640xf32, #tpu.memory_space<vmem>>
        %dma_wait3A_51 = tpu.memref_slice %arg8[%mul3A_35] : memref<10000xf32, #tpu.memory_space<vmem_shared>> -> memref<640xf32, #tpu.memory_space<vmem_shared>>
        tpu.wait_dma2 semaphore(%run_scoped3A_41 : memref<!tpu.dma_semaphore, #tpu.memory_space<semaphore_mem>>) src(%dma_wait3A_51 : memref<640xf32, #tpu.memory_space<vmem_shared>>) dst(%dma_wait3A_50 : memref<640xf32, #tpu.memory_space<vmem>>)
        tpu.yield
      }) : () -> ()
      %mul3A_36 = arith.constant 10000 : i32
      %mul3A_37 = arith.muli %arg0, %mul3A_36 : i32
      %mul3A_38 = arith.constant 624 : i32
      %mul3A_39 = arith.muli %arg1, %mul3A_38 : i32
      %add3A_40 = arith.addi %mul3A_37, %mul3A_39 : i32
      "tpu.region"() ({
        %run_scoped3A_41 = tpu.sem_alloc : memref<!tpu.dma_semaphore, #tpu.memory_space<semaphore_mem>>
        %dma_start3A = arith.constant 0 : i32
        %dma_start3A_42 = tpu.memref_slice %arg7[%dma_start3A] : memref<640xf32, #tpu.memory_space<vmem>> -> memref<640xf32, #tpu.memory_space<vmem>>
        %dma_start3A_43 = tpu.memref_slice %arg4[%add3A_40] : memref<20000xf32, #tpu.memory_space<hbm>> -> memref<640xf32, #tpu.memory_space<hbm>>
        %dma_start3A_44 = tpu.memref_slice %arg4[%add3A_40] : memref<20000xf32, #tpu.memory_space<hbm>> -> memref<640xf32, #tpu.memory_space<hbm>>
        %dma_start3A_45 = arith.constant 0 : i32
        %dma_start3A_46 = tpu.memref_slice %arg7[%dma_start3A_45] : memref<640xf32, #tpu.memory_space<vmem>> -> memref<640xf32, #tpu.memory_space<vmem>>
        tpu.enqueue_dma source(%dma_start3A_46 : memref<640xf32, #tpu.memory_space<vmem>>) target(%dma_start3A_44 : memref<640xf32, #tpu.memory_space<hbm>>) target_semaphore(%run_scoped3A_41 : memref<!tpu.dma_semaphore, #tpu.memory_space<semaphore_mem>>)
        %dma_wait3A = arith.constant 0 : i32
        %dma_wait3A_47 = tpu.memref_slice %arg7[%dma_wait3A] : memref<640xf32, #tpu.memory_space<vmem>> -> memref<640xf32, #tpu.memory_space<vmem>>
        %dma_wait3A_48 = tpu.memref_slice %arg4[%add3A_40] : memref<20000xf32, #tpu.memory_space<hbm>> -> memref<640xf32, #tpu.memory_space<hbm>>
        %dma_wait3A_49 = tpu.memref_slice %arg4[%add3A_40] : memref<20000xf32, #tpu.memory_space<hbm>> -> memref<640xf32, #tpu.memory_space<hbm>>
        %dma_wait3A_50 = arith.constant 0 : i32
        %dma_wait3A_51 = tpu.memref_slice %arg7[%dma_wait3A_50] : memref<640xf32, #tpu.memory_space<vmem>> -> memref<640xf32, #tpu.memory_space<vmem>>
        tpu.wait_dma2 semaphore(%run_scoped3A_41 : memref<!tpu.dma_semaphore, #tpu.memory_space<semaphore_mem>>) src(%dma_wait3A_51 : memref<640xf32, #tpu.memory_space<vmem>>) dst(%dma_wait3A_49 : memref<640xf32, #tpu.memory_space<hbm>>)
        tpu.yield
      }) : () -> ()
    } else {
    }
    return
  }
}

#map = affine_map<(d0, d1) -> (0, 0)>
#map1 = affine_map<(d0, d1) -> (0, 0, 0)>
module attributes {stable_mosaic.version = 14 : i64} {
  func.func @k(%arg0: i32, %arg1: i32, %arg2: memref<10000x128xf32, #tpu.memory_space<hbm>>, %arg3: memref<2x2560x125xi32, #tpu.memory_space<hbm>>, %arg4: memref<10000x128xf32, #tpu.memory_space<hbm>>, %arg5: memref<2x10000x128xf32, #tpu.memory_space<hbm>>, %arg6: memref<16x125xi32, #tpu.memory_space<vmem>>, %arg7: memref<16x125xi32, #tpu.memory_space<vmem>>, %arg8: memref<125x128xf32, #tpu.memory_space<vmem>>, %arg9: memref<125x128xf32, #tpu.memory_space<vmem>>, %arg10: memref<10000x128xf32, #tpu.memory_space<vmem_shared>>, %arg11: memref<!tpu.dma_semaphore, #tpu.memory_space<semaphore_mem>>, %arg12: memref<!tpu.dma_semaphore, #tpu.memory_space<semaphore_mem>>) attributes {dimension_semantics = [#tpu.dimension_semantics<core_parallel>, #tpu.dimension_semantics<subcore_parallel>], iteration_bounds = array<i64: 2, 16>, scalar_prefetch = 0 : i64, scratch_operands = 7 : i64, tpu.core_type = #tpu.core_type<sc_vector_subcore>, window_params = [{transform_indices = #map}, {transform_indices = #map1}, {transform_indices = #map}, {transform_indices = #map1}]} {
    %mul3A = arith.constant 16 : i32
    %mul3A_0 = arith.muli %arg0, %mul3A : i32
    %add3A = arith.addi %mul3A_0, %arg1 : i32
    %lt3A = arith.constant 15 : i32
    %lt3A_1 = arith.cmpi slt, %arg1, %lt3A : i32
    %convert_element_type3A = arith.extui %lt3A_1 : i1 to i32
    %cond3A = arith.constant 0 : i32
    %cond3A_2 = arith.cmpi ne, %convert_element_type3A, %cond3A : i32
    scf.if %cond3A_2 {
      %mul3A_24 = arith.constant 624 : i32
      %mul3A_25 = arith.muli %arg1, %mul3A_24 : i32
      %mul3A_26 = arith.constant 624 : i32
      %mul3A_27 = arith.muli %arg1, %mul3A_26 : i32
      "tpu.region"() ({
        %run_scoped3A = tpu.sem_alloc : memref<!tpu.dma_semaphore, #tpu.memory_space<semaphore_mem>>
        %dma_start3A = arith.constant 0 : i32
        %dma_start3A_28 = tpu.memref_slice %arg10[%mul3A_27, %dma_start3A] : memref<10000x128xf32, #tpu.memory_space<vmem_shared>> -> memref<624x128xf32, #tpu.memory_space<vmem_shared>>
        %dma_start3A_29 = arith.constant 0 : i32
        %dma_start3A_30 = tpu.memref_slice %arg4[%mul3A_25, %dma_start3A_29] : memref<10000x128xf32, #tpu.memory_space<hbm>> -> memref<624x128xf32, #tpu.memory_space<hbm>>
        tpu.enqueue_dma source(%dma_start3A_30 : memref<624x128xf32, #tpu.memory_space<hbm>>) target(%dma_start3A_28 : memref<624x128xf32, #tpu.memory_space<vmem_shared>>) target_semaphore(%run_scoped3A : memref<!tpu.dma_semaphore, #tpu.memory_space<semaphore_mem>>)
        %dma_wait3A = arith.constant 0 : i32
        %dma_wait3A_31 = tpu.memref_slice %arg10[%mul3A_27, %dma_wait3A] : memref<10000x128xf32, #tpu.memory_space<vmem_shared>> -> memref<624x128xf32, #tpu.memory_space<vmem_shared>>
        %dma_wait3A_32 = arith.constant 0 : i32
        %dma_wait3A_33 = tpu.memref_slice %arg4[%mul3A_25, %dma_wait3A_32] : memref<10000x128xf32, #tpu.memory_space<hbm>> -> memref<624x128xf32, #tpu.memory_space<hbm>>
        tpu.wait_dma2 semaphore(%run_scoped3A : memref<!tpu.dma_semaphore, #tpu.memory_space<semaphore_mem>>) src(%dma_wait3A_33 : memref<624x128xf32, #tpu.memory_space<hbm>>) dst(%dma_wait3A_31 : memref<624x128xf32, #tpu.memory_space<vmem_shared>>)
        tpu.yield
      }) : () -> ()
    } else {
    }
    %eq3A = arith.constant 15 : i32
    %eq3A_3 = arith.cmpi eq, %arg1, %eq3A : i32
    %convert_element_type3A_4 = arith.extui %eq3A_3 : i1 to i32
    %cond3A_5 = arith.constant 0 : i32
    %cond3A_6 = arith.cmpi ne, %convert_element_type3A_4, %cond3A_5 : i32
    scf.if %cond3A_6 {
      %mul3A_24 = arith.constant 624 : i32
      %mul3A_25 = arith.muli %arg1, %mul3A_24 : i32
      %mul3A_26 = arith.constant 624 : i32
      %mul3A_27 = arith.muli %arg1, %mul3A_26 : i32
      "tpu.region"() ({
        %run_scoped3A = tpu.sem_alloc : memref<!tpu.dma_semaphore, #tpu.memory_space<semaphore_mem>>
        %dma_start3A = arith.constant 0 : i32
        %dma_start3A_28 = tpu.memref_slice %arg10[%mul3A_27, %dma_start3A] : memref<10000x128xf32, #tpu.memory_space<vmem_shared>> -> memref<640x128xf32, #tpu.memory_space<vmem_shared>>
        %dma_start3A_29 = arith.constant 0 : i32
        %dma_start3A_30 = tpu.memref_slice %arg4[%mul3A_25, %dma_start3A_29] : memref<10000x128xf32, #tpu.memory_space<hbm>> -> memref<640x128xf32, #tpu.memory_space<hbm>>
        tpu.enqueue_dma source(%dma_start3A_30 : memref<640x128xf32, #tpu.memory_space<hbm>>) target(%dma_start3A_28 : memref<640x128xf32, #tpu.memory_space<vmem_shared>>) target_semaphore(%run_scoped3A : memref<!tpu.dma_semaphore, #tpu.memory_space<semaphore_mem>>)
        %dma_wait3A = arith.constant 0 : i32
        %dma_wait3A_31 = tpu.memref_slice %arg10[%mul3A_27, %dma_wait3A] : memref<10000x128xf32, #tpu.memory_space<vmem_shared>> -> memref<640x128xf32, #tpu.memory_space<vmem_shared>>
        %dma_wait3A_32 = arith.constant 0 : i32
        %dma_wait3A_33 = tpu.memref_slice %arg4[%mul3A_25, %dma_wait3A_32] : memref<10000x128xf32, #tpu.memory_space<hbm>> -> memref<640x128xf32, #tpu.memory_space<hbm>>
        tpu.wait_dma2 semaphore(%run_scoped3A : memref<!tpu.dma_semaphore, #tpu.memory_space<semaphore_mem>>) src(%dma_wait3A_33 : memref<640x128xf32, #tpu.memory_space<hbm>>) dst(%dma_wait3A_31 : memref<640x128xf32, #tpu.memory_space<vmem_shared>>)
        tpu.yield
      }) : () -> ()
    } else {
    }
    %barrier3A = arith.constant 0 : index
    tpu.barrier barrier_id(%barrier3A)
    %scan3A = arith.constant 0 : i32
    %scan3A_7 = arith.constant 1 : i32
    %scan3A_8 = arith.constant 0 : i32
    %scan3A_9 = arith.constant 5 : i32
    %scan3A_10 = arith.addi %scan3A_8, %scan3A_9 : i32
    %scan3A_11 = arith.constant 1 : i32
    scf.for %scan3A_24 = %scan3A_8 to %scan3A_10 step %scan3A_11  : i32 {
      %mul3A_25 = arith.constant 16 : i32
      %mul3A_26 = arith.muli %scan3A_24, %mul3A_25 : i32
      %add3A_27 = arith.constant 0 : i32
      %add3A_28 = arith.addi %add3A_27, %mul3A_26 : i32
      %mul3A_29 = arith.constant 80 : i32
      %mul3A_30 = arith.muli %add3A, %mul3A_29 : i32
      %add3A_31 = arith.addi %mul3A_30, %add3A_28 : i32
      "tpu.region"() ({
        %run_scoped3A = tpu.sem_alloc : memref<!tpu.dma_semaphore, #tpu.memory_space<semaphore_mem>>
        %dma_start3A_43 = arith.constant 0 : i32
        %dma_start3A_44 = arith.constant 0 : i32
        %dma_start3A_45 = tpu.memref_slice %arg3[%scan3A, %dma_start3A_43, %dma_start3A_44] : memref<2x2560x125xi32, #tpu.memory_space<hbm>> -> memref<1x2560x125xi32, #tpu.memory_space<hbm>>
        %dma_start3A_46 = tpu.memref_squeeze %dma_start3A_45 : memref<1x2560x125xi32, #tpu.memory_space<hbm>> -> memref<2560x125xi32, #tpu.memory_space<hbm>>
        %dma_start3A_47 = arith.constant 0 : i32
        %dma_start3A_48 = tpu.memref_slice %dma_start3A_46[%add3A_31, %dma_start3A_47] : memref<2560x125xi32, #tpu.memory_space<hbm>> -> memref<16x125xi32, #tpu.memory_space<hbm>>
        %dma_start3A_49 = arith.constant 0 : i32
        %dma_start3A_50 = arith.constant 0 : i32
        %dma_start3A_51 = tpu.memref_slice %arg3[%scan3A, %dma_start3A_49, %dma_start3A_50] : memref<2x2560x125xi32, #tpu.memory_space<hbm>> -> memref<1x2560x125xi32, #tpu.memory_space<hbm>>
        %dma_start3A_52 = tpu.memref_squeeze %dma_start3A_51 : memref<1x2560x125xi32, #tpu.memory_space<hbm>> -> memref<2560x125xi32, #tpu.memory_space<hbm>>
        %dma_start3A_53 = arith.constant 0 : i32
        %dma_start3A_54 = tpu.memref_slice %dma_start3A_52[%add3A_31, %dma_start3A_53] : memref<2560x125xi32, #tpu.memory_space<hbm>> -> memref<16x125xi32, #tpu.memory_space<hbm>>
        tpu.enqueue_dma source(%dma_start3A_54 : memref<16x125xi32, #tpu.memory_space<hbm>>) target(%arg6 : memref<16x125xi32, #tpu.memory_space<vmem>>) target_semaphore(%run_scoped3A : memref<!tpu.dma_semaphore, #tpu.memory_space<semaphore_mem>>)
        %dma_wait3A = arith.constant 0 : i32
        %dma_wait3A_55 = arith.constant 0 : i32
        %dma_wait3A_56 = tpu.memref_slice %arg3[%scan3A, %dma_wait3A, %dma_wait3A_55] : memref<2x2560x125xi32, #tpu.memory_space<hbm>> -> memref<1x2560x125xi32, #tpu.memory_space<hbm>>
        %dma_wait3A_57 = tpu.memref_squeeze %dma_wait3A_56 : memref<1x2560x125xi32, #tpu.memory_space<hbm>> -> memref<2560x125xi32, #tpu.memory_space<hbm>>
        %dma_wait3A_58 = arith.constant 0 : i32
        %dma_wait3A_59 = tpu.memref_slice %dma_wait3A_57[%add3A_31, %dma_wait3A_58] : memref<2560x125xi32, #tpu.memory_space<hbm>> -> memref<16x125xi32, #tpu.memory_space<hbm>>
        %dma_wait3A_60 = arith.constant 0 : i32
        %dma_wait3A_61 = arith.constant 0 : i32
        %dma_wait3A_62 = tpu.memref_slice %arg3[%scan3A, %dma_wait3A_60, %dma_wait3A_61] : memref<2x2560x125xi32, #tpu.memory_space<hbm>> -> memref<1x2560x125xi32, #tpu.memory_space<hbm>>
        %dma_wait3A_63 = tpu.memref_squeeze %dma_wait3A_62 : memref<1x2560x125xi32, #tpu.memory_space<hbm>> -> memref<2560x125xi32, #tpu.memory_space<hbm>>
        %dma_wait3A_64 = arith.constant 0 : i32
        %dma_wait3A_65 = tpu.memref_slice %dma_wait3A_63[%add3A_31, %dma_wait3A_64] : memref<2560x125xi32, #tpu.memory_space<hbm>> -> memref<16x125xi32, #tpu.memory_space<hbm>>
        tpu.wait_dma2 semaphore(%run_scoped3A : memref<!tpu.dma_semaphore, #tpu.memory_space<semaphore_mem>>) src(%dma_wait3A_65 : memref<16x125xi32, #tpu.memory_space<hbm>>) dst(%arg6 : memref<16x125xi32, #tpu.memory_space<vmem>>)
        tpu.yield
      }) : () -> ()
      "tpu.region"() ({
        %run_scoped3A = tpu.sem_alloc : memref<!tpu.dma_semaphore, #tpu.memory_space<semaphore_mem>>
        %dma_start3A_43 = arith.constant 0 : i32
        %dma_start3A_44 = arith.constant 0 : i32
        %dma_start3A_45 = tpu.memref_slice %arg3[%scan3A_7, %dma_start3A_43, %dma_start3A_44] : memref<2x2560x125xi32, #tpu.memory_space<hbm>> -> memref<1x2560x125xi32, #tpu.memory_space<hbm>>
        %dma_start3A_46 = tpu.memref_squeeze %dma_start3A_45 : memref<1x2560x125xi32, #tpu.memory_space<hbm>> -> memref<2560x125xi32, #tpu.memory_space<hbm>>
        %dma_start3A_47 = arith.constant 0 : i32
        %dma_start3A_48 = tpu.memref_slice %dma_start3A_46[%add3A_31, %dma_start3A_47] : memref<2560x125xi32, #tpu.memory_space<hbm>> -> memref<16x125xi32, #tpu.memory_space<hbm>>
        %dma_start3A_49 = arith.constant 0 : i32
        %dma_start3A_50 = arith.constant 0 : i32
        %dma_start3A_51 = tpu.memref_slice %arg3[%scan3A_7, %dma_start3A_49, %dma_start3A_50] : memref<2x2560x125xi32, #tpu.memory_space<hbm>> -> memref<1x2560x125xi32, #tpu.memory_space<hbm>>
        %dma_start3A_52 = tpu.memref_squeeze %dma_start3A_51 : memref<1x2560x125xi32, #tpu.memory_space<hbm>> -> memref<2560x125xi32, #tpu.memory_space<hbm>>
        %dma_start3A_53 = arith.constant 0 : i32
        %dma_start3A_54 = tpu.memref_slice %dma_start3A_52[%add3A_31, %dma_start3A_53] : memref<2560x125xi32, #tpu.memory_space<hbm>> -> memref<16x125xi32, #tpu.memory_space<hbm>>
        tpu.enqueue_dma source(%dma_start3A_54 : memref<16x125xi32, #tpu.memory_space<hbm>>) target(%arg7 : memref<16x125xi32, #tpu.memory_space<vmem>>) target_semaphore(%run_scoped3A : memref<!tpu.dma_semaphore, #tpu.memory_space<semaphore_mem>>)
        %dma_wait3A = arith.constant 0 : i32
        %dma_wait3A_55 = arith.constant 0 : i32
        %dma_wait3A_56 = tpu.memref_slice %arg3[%scan3A_7, %dma_wait3A, %dma_wait3A_55] : memref<2x2560x125xi32, #tpu.memory_space<hbm>> -> memref<1x2560x125xi32, #tpu.memory_space<hbm>>
        %dma_wait3A_57 = tpu.memref_squeeze %dma_wait3A_56 : memref<1x2560x125xi32, #tpu.memory_space<hbm>> -> memref<2560x125xi32, #tpu.memory_space<hbm>>
        %dma_wait3A_58 = arith.constant 0 : i32
        %dma_wait3A_59 = tpu.memref_slice %dma_wait3A_57[%add3A_31, %dma_wait3A_58] : memref<2560x125xi32, #tpu.memory_space<hbm>> -> memref<16x125xi32, #tpu.memory_space<hbm>>
        %dma_wait3A_60 = arith.constant 0 : i32
        %dma_wait3A_61 = arith.constant 0 : i32
        %dma_wait3A_62 = tpu.memref_slice %arg3[%scan3A_7, %dma_wait3A_60, %dma_wait3A_61] : memref<2x2560x125xi32, #tpu.memory_space<hbm>> -> memref<1x2560x125xi32, #tpu.memory_space<hbm>>
        %dma_wait3A_63 = tpu.memref_squeeze %dma_wait3A_62 : memref<1x2560x125xi32, #tpu.memory_space<hbm>> -> memref<2560x125xi32, #tpu.memory_space<hbm>>
        %dma_wait3A_64 = arith.constant 0 : i32
        %dma_wait3A_65 = tpu.memref_slice %dma_wait3A_63[%add3A_31, %dma_wait3A_64] : memref<2560x125xi32, #tpu.memory_space<hbm>> -> memref<16x125xi32, #tpu.memory_space<hbm>>
        tpu.wait_dma2 semaphore(%run_scoped3A : memref<!tpu.dma_semaphore, #tpu.memory_space<semaphore_mem>>) src(%dma_wait3A_65 : memref<16x125xi32, #tpu.memory_space<hbm>>) dst(%arg7 : memref<16x125xi32, #tpu.memory_space<vmem>>)
        tpu.yield
      }) : () -> ()
      %dma_start3A = arith.constant 0 : i32
      %dma_start3A_32 = arith.constant 0 : i32
      %dma_start3A_33 = tpu.memref_slice %arg6[%dma_start3A, %dma_start3A_32] : memref<16x125xi32, #tpu.memory_space<vmem>> -> memref<1x125xi32, #tpu.memory_space<vmem>>
      %dma_start3A_34 = tpu.memref_squeeze %dma_start3A_33 : memref<1x125xi32, #tpu.memory_space<vmem>> -> memref<125xi32, #tpu.memory_space<vmem>>
      %dma_start3A_35 = arith.constant 0 : i32
      %dma_start3A_36 = arith.constant 0 : i32
      %dma_start3A_37 = tpu.memref_slice %arg2[%dma_start3A_35, %dma_start3A_36] : memref<10000x128xf32, #tpu.memory_space<hbm>> -> memref<10000x128xf32, #tpu.memory_space<hbm>>
      tpu.enqueue_indirect_dma source(%dma_start3A_37 : memref<10000x128xf32, #tpu.memory_space<hbm>>) target(%arg8 : memref<125x128xf32, #tpu.memory_space<vmem>>) offsets(%dma_start3A_34 : memref<125xi32, #tpu.memory_space<vmem>>) semaphore(%arg11 : memref<!tpu.dma_semaphore, #tpu.memory_space<semaphore_mem>>)
      %scan3A_38 = arith.constant 0 : i32
      %scan3A_39 = arith.constant 8 : i32
      %scan3A_40 = arith.addi %scan3A_38, %scan3A_39 : i32
      %scan3A_41 = arith.constant 1 : i32
      scf.for %scan3A_43 = %scan3A_38 to %scan3A_40 step %scan3A_41  : i32 {
        %mul3A_44 = arith.constant 2 : i32
        %mul3A_45 = arith.muli %scan3A_43, %mul3A_44 : i32
        %add3A_46 = arith.constant 0 : i32
        %add3A_47 = arith.addi %add3A_46, %mul3A_45 : i32
        %add3A_48 = arith.constant 1 : i32
        %add3A_49 = arith.addi %add3A_47, %add3A_48 : i32
        %dma_start3A_50 = arith.constant 0 : i32
        %dma_start3A_51 = tpu.memref_slice %arg6[%add3A_49, %dma_start3A_50] : memref<16x125xi32, #tpu.memory_space<vmem>> -> memref<1x125xi32, #tpu.memory_space<vmem>>
        %dma_start3A_52 = tpu.memref_squeeze %dma_start3A_51 : memref<1x125xi32, #tpu.memory_space<vmem>> -> memref<125xi32, #tpu.memory_space<vmem>>
        %dma_start3A_53 = arith.constant 0 : i32
        %dma_start3A_54 = arith.constant 0 : i32
        %dma_start3A_55 = tpu.memref_slice %arg2[%dma_start3A_53, %dma_start3A_54] : memref<10000x128xf32, #tpu.memory_space<hbm>> -> memref<10000x128xf32, #tpu.memory_space<hbm>>
        tpu.enqueue_indirect_dma source(%dma_start3A_55 : memref<10000x128xf32, #tpu.memory_space<hbm>>) target(%arg9 : memref<125x128xf32, #tpu.memory_space<vmem>>) offsets(%dma_start3A_52 : memref<125xi32, #tpu.memory_space<vmem>>) semaphore(%arg12 : memref<!tpu.dma_semaphore, #tpu.memory_space<semaphore_mem>>)
        %dma_wait3A = arith.constant 0 : i32
        %dma_wait3A_56 = tpu.memref_slice %arg6[%add3A_47, %dma_wait3A] : memref<16x125xi32, #tpu.memory_space<vmem>> -> memref<1x125xi32, #tpu.memory_space<vmem>>
        %dma_wait3A_57 = tpu.memref_squeeze %dma_wait3A_56 : memref<1x125xi32, #tpu.memory_space<vmem>> -> memref<125xi32, #tpu.memory_space<vmem>>
        %dma_wait3A_58 = arith.constant 0 : i32
        %dma_wait3A_59 = arith.constant 0 : i32
        %dma_wait3A_60 = tpu.memref_slice %arg2[%dma_wait3A_58, %dma_wait3A_59] : memref<10000x128xf32, #tpu.memory_space<hbm>> -> memref<10000x128xf32, #tpu.memory_space<hbm>>
        tpu.wait_indirect_dma semaphore(%arg11 : memref<!tpu.dma_semaphore, #tpu.memory_space<semaphore_mem>>) src(%dma_wait3A_60 : memref<10000x128xf32, #tpu.memory_space<hbm>>) dst(%arg8 : memref<125x128xf32, #tpu.memory_space<vmem>>)
        "tpu.region"() ({
          %run_scoped3A = tpu.sem_alloc : memref<!tpu.dma_semaphore, #tpu.memory_space<semaphore_mem>>
          %dma_start3A_78 = arith.constant 0 : i32
          %dma_start3A_79 = tpu.memref_slice %arg7[%add3A_47, %dma_start3A_78] : memref<16x125xi32, #tpu.memory_space<vmem>> -> memref<1x125xi32, #tpu.memory_space<vmem>>
          %dma_start3A_80 = tpu.memref_squeeze %dma_start3A_79 : memref<1x125xi32, #tpu.memory_space<vmem>> -> memref<125xi32, #tpu.memory_space<vmem>>
          %dma_start3A_81 = arith.constant 0 : i32
          %dma_start3A_82 = arith.constant 0 : i32
          %dma_start3A_83 = tpu.memref_slice %arg10[%dma_start3A_81, %dma_start3A_82] : memref<10000x128xf32, #tpu.memory_space<vmem_shared>> -> memref<10000x128xf32, #tpu.memory_space<vmem_shared>>
          tpu.enqueue_indirect_dma source(%arg8 : memref<125x128xf32, #tpu.memory_space<vmem>>) target(%dma_start3A_83 : memref<10000x128xf32, #tpu.memory_space<vmem_shared>>) offsets(%dma_start3A_80 : memref<125xi32, #tpu.memory_space<vmem>>) semaphore(%run_scoped3A : memref<!tpu.dma_semaphore, #tpu.memory_space<semaphore_mem>>) {add = true}
          %dma_wait3A_84 = arith.constant 0 : i32
          %dma_wait3A_85 = tpu.memref_slice %arg7[%add3A_47, %dma_wait3A_84] : memref<16x125xi32, #tpu.memory_space<vmem>> -> memref<1x125xi32, #tpu.memory_space<vmem>>
          %dma_wait3A_86 = tpu.memref_squeeze %dma_wait3A_85 : memref<1x125xi32, #tpu.memory_space<vmem>> -> memref<125xi32, #tpu.memory_space<vmem>>
          %dma_wait3A_87 = arith.constant 0 : i32
          %dma_wait3A_88 = arith.constant 0 : i32
          %dma_wait3A_89 = tpu.memref_slice %arg10[%dma_wait3A_87, %dma_wait3A_88] : memref<10000x128xf32, #tpu.memory_space<vmem_shared>> -> memref<10000x128xf32, #tpu.memory_space<vmem_shared>>
          tpu.wait_indirect_dma semaphore(%run_scoped3A : memref<!tpu.dma_semaphore, #tpu.memory_space<semaphore_mem>>) src(%arg8 : memref<125x128xf32, #tpu.memory_space<vmem>>) dst(%dma_wait3A_89 : memref<10000x128xf32, #tpu.memory_space<vmem_shared>>)
          tpu.yield
        }) : () -> ()
        %add3A_61 = arith.constant 2 : i32
        %add3A_62 = arith.addi %add3A_47, %add3A_61 : i32
        %lt3A_63 = arith.constant 16 : i32
        %lt3A_64 = arith.cmpi slt, %add3A_62, %lt3A_63 : i32
        %convert_element_type3A_65 = arith.extui %lt3A_64 : i1 to i32
        %cond3A_66 = arith.constant 0 : i32
        %cond3A_67 = arith.cmpi ne, %convert_element_type3A_65, %cond3A_66 : i32
        scf.if %cond3A_67 {
          %add3A_78 = arith.constant 2 : i32
          %add3A_79 = arith.addi %add3A_47, %add3A_78 : i32
          %dma_start3A_80 = arith.constant 0 : i32
          %dma_start3A_81 = tpu.memref_slice %arg6[%add3A_79, %dma_start3A_80] : memref<16x125xi32, #tpu.memory_space<vmem>> -> memref<1x125xi32, #tpu.memory_space<vmem>>
          %dma_start3A_82 = tpu.memref_squeeze %dma_start3A_81 : memref<1x125xi32, #tpu.memory_space<vmem>> -> memref<125xi32, #tpu.memory_space<vmem>>
          %dma_start3A_83 = arith.constant 0 : i32
          %dma_start3A_84 = arith.constant 0 : i32
          %dma_start3A_85 = tpu.memref_slice %arg2[%dma_start3A_83, %dma_start3A_84] : memref<10000x128xf32, #tpu.memory_space<hbm>> -> memref<10000x128xf32, #tpu.memory_space<hbm>>
          tpu.enqueue_indirect_dma source(%dma_start3A_85 : memref<10000x128xf32, #tpu.memory_space<hbm>>) target(%arg8 : memref<125x128xf32, #tpu.memory_space<vmem>>) offsets(%dma_start3A_82 : memref<125xi32, #tpu.memory_space<vmem>>) semaphore(%arg11 : memref<!tpu.dma_semaphore, #tpu.memory_space<semaphore_mem>>)
        } else {
        }
        %add3A_68 = arith.constant 1 : i32
        %add3A_69 = arith.addi %add3A_47, %add3A_68 : i32
        %dma_wait3A_70 = arith.constant 0 : i32
        %dma_wait3A_71 = tpu.memref_slice %arg6[%add3A_69, %dma_wait3A_70] : memref<16x125xi32, #tpu.memory_space<vmem>> -> memref<1x125xi32, #tpu.memory_space<vmem>>
        %dma_wait3A_72 = tpu.memref_squeeze %dma_wait3A_71 : memref<1x125xi32, #tpu.memory_space<vmem>> -> memref<125xi32, #tpu.memory_space<vmem>>
        %dma_wait3A_73 = arith.constant 0 : i32
        %dma_wait3A_74 = arith.constant 0 : i32
        %dma_wait3A_75 = tpu.memref_slice %arg2[%dma_wait3A_73, %dma_wait3A_74] : memref<10000x128xf32, #tpu.memory_space<hbm>> -> memref<10000x128xf32, #tpu.memory_space<hbm>>
        tpu.wait_indirect_dma semaphore(%arg12 : memref<!tpu.dma_semaphore, #tpu.memory_space<semaphore_mem>>) src(%dma_wait3A_75 : memref<10000x128xf32, #tpu.memory_space<hbm>>) dst(%arg9 : memref<125x128xf32, #tpu.memory_space<vmem>>)
        %add3A_76 = arith.constant 1 : i32
        %add3A_77 = arith.addi %add3A_47, %add3A_76 : i32
        "tpu.region"() ({
          %run_scoped3A = tpu.sem_alloc : memref<!tpu.dma_semaphore, #tpu.memory_space<semaphore_mem>>
          %dma_start3A_78 = arith.constant 0 : i32
          %dma_start3A_79 = tpu.memref_slice %arg7[%add3A_77, %dma_start3A_78] : memref<16x125xi32, #tpu.memory_space<vmem>> -> memref<1x125xi32, #tpu.memory_space<vmem>>
          %dma_start3A_80 = tpu.memref_squeeze %dma_start3A_79 : memref<1x125xi32, #tpu.memory_space<vmem>> -> memref<125xi32, #tpu.memory_space<vmem>>
          %dma_start3A_81 = arith.constant 0 : i32
          %dma_start3A_82 = arith.constant 0 : i32
          %dma_start3A_83 = tpu.memref_slice %arg10[%dma_start3A_81, %dma_start3A_82] : memref<10000x128xf32, #tpu.memory_space<vmem_shared>> -> memref<10000x128xf32, #tpu.memory_space<vmem_shared>>
          tpu.enqueue_indirect_dma source(%arg9 : memref<125x128xf32, #tpu.memory_space<vmem>>) target(%dma_start3A_83 : memref<10000x128xf32, #tpu.memory_space<vmem_shared>>) offsets(%dma_start3A_80 : memref<125xi32, #tpu.memory_space<vmem>>) semaphore(%run_scoped3A : memref<!tpu.dma_semaphore, #tpu.memory_space<semaphore_mem>>) {add = true}
          %dma_wait3A_84 = arith.constant 0 : i32
          %dma_wait3A_85 = tpu.memref_slice %arg7[%add3A_77, %dma_wait3A_84] : memref<16x125xi32, #tpu.memory_space<vmem>> -> memref<1x125xi32, #tpu.memory_space<vmem>>
          %dma_wait3A_86 = tpu.memref_squeeze %dma_wait3A_85 : memref<1x125xi32, #tpu.memory_space<vmem>> -> memref<125xi32, #tpu.memory_space<vmem>>
          %dma_wait3A_87 = arith.constant 0 : i32
          %dma_wait3A_88 = arith.constant 0 : i32
          %dma_wait3A_89 = tpu.memref_slice %arg10[%dma_wait3A_87, %dma_wait3A_88] : memref<10000x128xf32, #tpu.memory_space<vmem_shared>> -> memref<10000x128xf32, #tpu.memory_space<vmem_shared>>
          tpu.wait_indirect_dma semaphore(%run_scoped3A : memref<!tpu.dma_semaphore, #tpu.memory_space<semaphore_mem>>) src(%arg9 : memref<125x128xf32, #tpu.memory_space<vmem>>) dst(%dma_wait3A_89 : memref<10000x128xf32, #tpu.memory_space<vmem_shared>>)
          tpu.yield
        }) : () -> ()
      }
      %scan3A_42 = arith.constant 8 : i32
    }
    %scan3A_12 = arith.constant 5 : i32
    %barrier3A_13 = arith.constant 0 : index
    tpu.barrier barrier_id(%barrier3A_13)
    %lt3A_14 = arith.constant 15 : i32
    %lt3A_15 = arith.cmpi slt, %arg1, %lt3A_14 : i32
    %convert_element_type3A_16 = arith.extui %lt3A_15 : i1 to i32
    %cond3A_17 = arith.constant 0 : i32
    %cond3A_18 = arith.cmpi ne, %convert_element_type3A_16, %cond3A_17 : i32
    scf.if %cond3A_18 {
      %mul3A_24 = arith.constant 624 : i32
      %mul3A_25 = arith.muli %arg1, %mul3A_24 : i32
      %mul3A_26 = arith.constant 624 : i32
      %mul3A_27 = arith.muli %arg1, %mul3A_26 : i32
      "tpu.region"() ({
        %run_scoped3A = tpu.sem_alloc : memref<!tpu.dma_semaphore, #tpu.memory_space<semaphore_mem>>
        %dma_start3A = arith.constant 0 : i32
        %dma_start3A_28 = tpu.memref_slice %arg5[%arg0, %mul3A_27, %dma_start3A] : memref<2x10000x128xf32, #tpu.memory_space<hbm>> -> memref<1x624x128xf32, #tpu.memory_space<hbm>>
        %dma_start3A_29 = tpu.memref_squeeze %dma_start3A_28 : memref<1x624x128xf32, #tpu.memory_space<hbm>> -> memref<624x128xf32, #tpu.memory_space<hbm>>
        %dma_start3A_30 = arith.constant 0 : i32
        %dma_start3A_31 = tpu.memref_slice %arg10[%mul3A_25, %dma_start3A_30] : memref<10000x128xf32, #tpu.memory_space<vmem_shared>> -> memref<624x128xf32, #tpu.memory_space<vmem_shared>>
        tpu.enqueue_dma source(%dma_start3A_31 : memref<624x128xf32, #tpu.memory_space<vmem_shared>>) target(%dma_start3A_29 : memref<624x128xf32, #tpu.memory_space<hbm>>) target_semaphore(%run_scoped3A : memref<!tpu.dma_semaphore, #tpu.memory_space<semaphore_mem>>)
        %dma_wait3A = arith.constant 0 : i32
        %dma_wait3A_32 = tpu.memref_slice %arg5[%arg0, %mul3A_27, %dma_wait3A] : memref<2x10000x128xf32, #tpu.memory_space<hbm>> -> memref<1x624x128xf32, #tpu.memory_space<hbm>>
        %dma_wait3A_33 = tpu.memref_squeeze %dma_wait3A_32 : memref<1x624x128xf32, #tpu.memory_space<hbm>> -> memref<624x128xf32, #tpu.memory_space<hbm>>
        %dma_wait3A_34 = arith.constant 0 : i32
        %dma_wait3A_35 = tpu.memref_slice %arg10[%mul3A_25, %dma_wait3A_34] : memref<10000x128xf32, #tpu.memory_space<vmem_shared>> -> memref<624x128xf32, #tpu.memory_space<vmem_shared>>
        tpu.wait_dma2 semaphore(%run_scoped3A : memref<!tpu.dma_semaphore, #tpu.memory_space<semaphore_mem>>) src(%dma_wait3A_35 : memref<624x128xf32, #tpu.memory_space<vmem_shared>>) dst(%dma_wait3A_33 : memref<624x128xf32, #tpu.memory_space<hbm>>)
        tpu.yield
      }) : () -> ()
    } else {
    }
    %eq3A_19 = arith.constant 15 : i32
    %eq3A_20 = arith.cmpi eq, %arg1, %eq3A_19 : i32
    %convert_element_type3A_21 = arith.extui %eq3A_20 : i1 to i32
    %cond3A_22 = arith.constant 0 : i32
    %cond3A_23 = arith.cmpi ne, %convert_element_type3A_21, %cond3A_22 : i32
    scf.if %cond3A_23 {
      %mul3A_24 = arith.constant 624 : i32
      %mul3A_25 = arith.muli %arg1, %mul3A_24 : i32
      %mul3A_26 = arith.constant 624 : i32
      %mul3A_27 = arith.muli %arg1, %mul3A_26 : i32
      "tpu.region"() ({
        %run_scoped3A = tpu.sem_alloc : memref<!tpu.dma_semaphore, #tpu.memory_space<semaphore_mem>>
        %dma_start3A = arith.constant 0 : i32
        %dma_start3A_28 = tpu.memref_slice %arg5[%arg0, %mul3A_27, %dma_start3A] : memref<2x10000x128xf32, #tpu.memory_space<hbm>> -> memref<1x640x128xf32, #tpu.memory_space<hbm>>
        %dma_start3A_29 = tpu.memref_squeeze %dma_start3A_28 : memref<1x640x128xf32, #tpu.memory_space<hbm>> -> memref<640x128xf32, #tpu.memory_space<hbm>>
        %dma_start3A_30 = arith.constant 0 : i32
        %dma_start3A_31 = tpu.memref_slice %arg10[%mul3A_25, %dma_start3A_30] : memref<10000x128xf32, #tpu.memory_space<vmem_shared>> -> memref<640x128xf32, #tpu.memory_space<vmem_shared>>
        tpu.enqueue_dma source(%dma_start3A_31 : memref<640x128xf32, #tpu.memory_space<vmem_shared>>) target(%dma_start3A_29 : memref<640x128xf32, #tpu.memory_space<hbm>>) target_semaphore(%run_scoped3A : memref<!tpu.dma_semaphore, #tpu.memory_space<semaphore_mem>>)
        %dma_wait3A = arith.constant 0 : i32
        %dma_wait3A_32 = tpu.memref_slice %arg5[%arg0, %mul3A_27, %dma_wait3A] : memref<2x10000x128xf32, #tpu.memory_space<hbm>> -> memref<1x640x128xf32, #tpu.memory_space<hbm>>
        %dma_wait3A_33 = tpu.memref_squeeze %dma_wait3A_32 : memref<1x640x128xf32, #tpu.memory_space<hbm>> -> memref<640x128xf32, #tpu.memory_space<hbm>>
        %dma_wait3A_34 = arith.constant 0 : i32
        %dma_wait3A_35 = tpu.memref_slice %arg10[%mul3A_25, %dma_wait3A_34] : memref<10000x128xf32, #tpu.memory_space<vmem_shared>> -> memref<640x128xf32, #tpu.memory_space<vmem_shared>>
        tpu.wait_dma2 semaphore(%run_scoped3A : memref<!tpu.dma_semaphore, #tpu.memory_space<semaphore_mem>>) src(%dma_wait3A_35 : memref<640x128xf32, #tpu.memory_space<vmem_shared>>) dst(%dma_wait3A_33 : memref<640x128xf32, #tpu.memory_space<hbm>>)
        tpu.yield
      }) : () -> ()
    } else {
    }
    return
  }
}

#map = affine_map<(d0, d1) -> (0, 0)>
#map1 = affine_map<(d0, d1) -> (0, 0, 0)>
module attributes {stable_mosaic.version = 14 : i64} {
  func.func @k(%arg0: i32, %arg1: i32, %arg2: memref<10000x128xf32, #tpu.memory_space<hbm>>, %arg3: memref<2x2560x125xi32, #tpu.memory_space<hbm>>, %arg4: memref<10000x128xf32, #tpu.memory_space<hbm>>, %arg5: memref<2x10000x128xf32, #tpu.memory_space<hbm>>, %arg6: memref<16x125xi32, #tpu.memory_space<vmem>>, %arg7: memref<16x125xi32, #tpu.memory_space<vmem>>, %arg8: memref<125x128xf32, #tpu.memory_space<vmem>>, %arg9: memref<125x128xf32, #tpu.memory_space<vmem>>, %arg10: memref<10000x128xf32, #tpu.memory_space<vmem_shared>>, %arg11: memref<!tpu.dma_semaphore, #tpu.memory_space<semaphore_mem>>, %arg12: memref<!tpu.dma_semaphore, #tpu.memory_space<semaphore_mem>>) attributes {dimension_semantics = [#tpu.dimension_semantics<core_parallel>, #tpu.dimension_semantics<subcore_parallel>], iteration_bounds = array<i64: 2, 16>, scalar_prefetch = 0 : i64, scratch_operands = 7 : i64, tpu.core_type = #tpu.core_type<sc_vector_subcore>, window_params = [{transform_indices = #map}, {transform_indices = #map1}, {transform_indices = #map}, {transform_indices = #map1}]} {
    %mul3A = arith.constant 16 : i32
    %mul3A_0 = arith.muli %arg0, %mul3A : i32
    %add3A = arith.addi %mul3A_0, %arg1 : i32
    %lt3A = arith.constant 15 : i32
    %lt3A_1 = arith.cmpi slt, %arg1, %lt3A : i32
    %convert_element_type3A = arith.extui %lt3A_1 : i1 to i32
    %cond3A = arith.constant 0 : i32
    %cond3A_2 = arith.cmpi ne, %convert_element_type3A, %cond3A : i32
    scf.if %cond3A_2 {
      %mul3A_24 = arith.constant 624 : i32
      %mul3A_25 = arith.muli %arg1, %mul3A_24 : i32
      %mul3A_26 = arith.constant 624 : i32
      %mul3A_27 = arith.muli %arg1, %mul3A_26 : i32
      "tpu.region"() ({
        %run_scoped3A = tpu.sem_alloc : memref<!tpu.dma_semaphore, #tpu.memory_space<semaphore_mem>>
        %dma_start3A = arith.constant 0 : i32
        %dma_start3A_28 = tpu.memref_slice %arg10[%mul3A_27, %dma_start3A] : memref<10000x128xf32, #tpu.memory_space<vmem_shared>> -> memref<624x128xf32, #tpu.memory_space<vmem_shared>>
        %dma_start3A_29 = arith.constant 0 : i32
        %dma_start3A_30 = tpu.memref_slice %arg4[%mul3A_25, %dma_start3A_29] : memref<10000x128xf32, #tpu.memory_space<hbm>> -> memref<624x128xf32, #tpu.memory_space<hbm>>
        tpu.enqueue_dma source(%dma_start3A_30 : memref<624x128xf32, #tpu.memory_space<hbm>>) target(%dma_start3A_28 : memref<624x128xf32, #tpu.memory_space<vmem_shared>>) target_semaphore(%run_scoped3A : memref<!tpu.dma_semaphore, #tpu.memory_space<semaphore_mem>>)
        %dma_wait3A = arith.constant 0 : i32
        %dma_wait3A_31 = tpu.memref_slice %arg10[%mul3A_27, %dma_wait3A] : memref<10000x128xf32, #tpu.memory_space<vmem_shared>> -> memref<624x128xf32, #tpu.memory_space<vmem_shared>>
        %dma_wait3A_32 = arith.constant 0 : i32
        %dma_wait3A_33 = tpu.memref_slice %arg4[%mul3A_25, %dma_wait3A_32] : memref<10000x128xf32, #tpu.memory_space<hbm>> -> memref<624x128xf32, #tpu.memory_space<hbm>>
        tpu.wait_dma2 semaphore(%run_scoped3A : memref<!tpu.dma_semaphore, #tpu.memory_space<semaphore_mem>>) src(%dma_wait3A_33 : memref<624x128xf32, #tpu.memory_space<hbm>>) dst(%dma_wait3A_31 : memref<624x128xf32, #tpu.memory_space<vmem_shared>>)
        tpu.yield
      }) : () -> ()
    } else {
    }
    %eq3A = arith.constant 15 : i32
    %eq3A_3 = arith.cmpi eq, %arg1, %eq3A : i32
    %convert_element_type3A_4 = arith.extui %eq3A_3 : i1 to i32
    %cond3A_5 = arith.constant 0 : i32
    %cond3A_6 = arith.cmpi ne, %convert_element_type3A_4, %cond3A_5 : i32
    scf.if %cond3A_6 {
      %mul3A_24 = arith.constant 624 : i32
      %mul3A_25 = arith.muli %arg1, %mul3A_24 : i32
      %mul3A_26 = arith.constant 624 : i32
      %mul3A_27 = arith.muli %arg1, %mul3A_26 : i32
      "tpu.region"() ({
        %run_scoped3A = tpu.sem_alloc : memref<!tpu.dma_semaphore, #tpu.memory_space<semaphore_mem>>
        %dma_start3A = arith.constant 0 : i32
        %dma_start3A_28 = tpu.memref_slice %arg10[%mul3A_27, %dma_start3A] : memref<10000x128xf32, #tpu.memory_space<vmem_shared>> -> memref<640x128xf32, #tpu.memory_space<vmem_shared>>
        %dma_start3A_29 = arith.constant 0 : i32
        %dma_start3A_30 = tpu.memref_slice %arg4[%mul3A_25, %dma_start3A_29] : memref<10000x128xf32, #tpu.memory_space<hbm>> -> memref<640x128xf32, #tpu.memory_space<hbm>>
        tpu.enqueue_dma source(%dma_start3A_30 : memref<640x128xf32, #tpu.memory_space<hbm>>) target(%dma_start3A_28 : memref<640x128xf32, #tpu.memory_space<vmem_shared>>) target_semaphore(%run_scoped3A : memref<!tpu.dma_semaphore, #tpu.memory_space<semaphore_mem>>)
        %dma_wait3A = arith.constant 0 : i32
        %dma_wait3A_31 = tpu.memref_slice %arg10[%mul3A_27, %dma_wait3A] : memref<10000x128xf32, #tpu.memory_space<vmem_shared>> -> memref<640x128xf32, #tpu.memory_space<vmem_shared>>
        %dma_wait3A_32 = arith.constant 0 : i32
        %dma_wait3A_33 = tpu.memref_slice %arg4[%mul3A_25, %dma_wait3A_32] : memref<10000x128xf32, #tpu.memory_space<hbm>> -> memref<640x128xf32, #tpu.memory_space<hbm>>
        tpu.wait_dma2 semaphore(%run_scoped3A : memref<!tpu.dma_semaphore, #tpu.memory_space<semaphore_mem>>) src(%dma_wait3A_33 : memref<640x128xf32, #tpu.memory_space<hbm>>) dst(%dma_wait3A_31 : memref<640x128xf32, #tpu.memory_space<vmem_shared>>)
        tpu.yield
      }) : () -> ()
    } else {
    }
    %barrier3A = arith.constant 0 : index
    tpu.barrier barrier_id(%barrier3A)
    %scan3A = arith.constant 0 : i32
    %scan3A_7 = arith.constant 1 : i32
    %scan3A_8 = arith.constant 0 : i32
    %scan3A_9 = arith.constant 5 : i32
    %scan3A_10 = arith.addi %scan3A_8, %scan3A_9 : i32
    %scan3A_11 = arith.constant 1 : i32
    scf.for %scan3A_24 = %scan3A_8 to %scan3A_10 step %scan3A_11  : i32 {
      %mul3A_25 = arith.constant 16 : i32
      %mul3A_26 = arith.muli %scan3A_24, %mul3A_25 : i32
      %add3A_27 = arith.constant 0 : i32
      %add3A_28 = arith.addi %add3A_27, %mul3A_26 : i32
      %mul3A_29 = arith.constant 80 : i32
      %mul3A_30 = arith.muli %add3A, %mul3A_29 : i32
      %add3A_31 = arith.addi %mul3A_30, %add3A_28 : i32
      "tpu.region"() ({
        %run_scoped3A = tpu.sem_alloc : memref<!tpu.dma_semaphore, #tpu.memory_space<semaphore_mem>>
        %dma_start3A_43 = arith.constant 0 : i32
        %dma_start3A_44 = arith.constant 0 : i32
        %dma_start3A_45 = tpu.memref_slice %arg3[%scan3A, %dma_start3A_43, %dma_start3A_44] : memref<2x2560x125xi32, #tpu.memory_space<hbm>> -> memref<1x2560x125xi32, #tpu.memory_space<hbm>>
        %dma_start3A_46 = tpu.memref_squeeze %dma_start3A_45 : memref<1x2560x125xi32, #tpu.memory_space<hbm>> -> memref<2560x125xi32, #tpu.memory_space<hbm>>
        %dma_start3A_47 = arith.constant 0 : i32
        %dma_start3A_48 = tpu.memref_slice %dma_start3A_46[%add3A_31, %dma_start3A_47] : memref<2560x125xi32, #tpu.memory_space<hbm>> -> memref<16x125xi32, #tpu.memory_space<hbm>>
        %dma_start3A_49 = arith.constant 0 : i32
        %dma_start3A_50 = arith.constant 0 : i32
        %dma_start3A_51 = tpu.memref_slice %arg3[%scan3A, %dma_start3A_49, %dma_start3A_50] : memref<2x2560x125xi32, #tpu.memory_space<hbm>> -> memref<1x2560x125xi32, #tpu.memory_space<hbm>>
        %dma_start3A_52 = tpu.memref_squeeze %dma_start3A_51 : memref<1x2560x125xi32, #tpu.memory_space<hbm>> -> memref<2560x125xi32, #tpu.memory_space<hbm>>
        %dma_start3A_53 = arith.constant 0 : i32
        %dma_start3A_54 = tpu.memref_slice %dma_start3A_52[%add3A_31, %dma_start3A_53] : memref<2560x125xi32, #tpu.memory_space<hbm>> -> memref<16x125xi32, #tpu.memory_space<hbm>>
        tpu.enqueue_dma source(%dma_start3A_54 : memref<16x125xi32, #tpu.memory_space<hbm>>) target(%arg6 : memref<16x125xi32, #tpu.memory_space<vmem>>) target_semaphore(%run_scoped3A : memref<!tpu.dma_semaphore, #tpu.memory_space<semaphore_mem>>)
        %dma_wait3A = arith.constant 0 : i32
        %dma_wait3A_55 = arith.constant 0 : i32
        %dma_wait3A_56 = tpu.memref_slice %arg3[%scan3A, %dma_wait3A, %dma_wait3A_55] : memref<2x2560x125xi32, #tpu.memory_space<hbm>> -> memref<1x2560x125xi32, #tpu.memory_space<hbm>>
        %dma_wait3A_57 = tpu.memref_squeeze %dma_wait3A_56 : memref<1x2560x125xi32, #tpu.memory_space<hbm>> -> memref<2560x125xi32, #tpu.memory_space<hbm>>
        %dma_wait3A_58 = arith.constant 0 : i32
        %dma_wait3A_59 = tpu.memref_slice %dma_wait3A_57[%add3A_31, %dma_wait3A_58] : memref<2560x125xi32, #tpu.memory_space<hbm>> -> memref<16x125xi32, #tpu.memory_space<hbm>>
        %dma_wait3A_60 = arith.constant 0 : i32
        %dma_wait3A_61 = arith.constant 0 : i32
        %dma_wait3A_62 = tpu.memref_slice %arg3[%scan3A, %dma_wait3A_60, %dma_wait3A_61] : memref<2x2560x125xi32, #tpu.memory_space<hbm>> -> memref<1x2560x125xi32, #tpu.memory_space<hbm>>
        %dma_wait3A_63 = tpu.memref_squeeze %dma_wait3A_62 : memref<1x2560x125xi32, #tpu.memory_space<hbm>> -> memref<2560x125xi32, #tpu.memory_space<hbm>>
        %dma_wait3A_64 = arith.constant 0 : i32
        %dma_wait3A_65 = tpu.memref_slice %dma_wait3A_63[%add3A_31, %dma_wait3A_64] : memref<2560x125xi32, #tpu.memory_space<hbm>> -> memref<16x125xi32, #tpu.memory_space<hbm>>
        tpu.wait_dma2 semaphore(%run_scoped3A : memref<!tpu.dma_semaphore, #tpu.memory_space<semaphore_mem>>) src(%dma_wait3A_65 : memref<16x125xi32, #tpu.memory_space<hbm>>) dst(%arg6 : memref<16x125xi32, #tpu.memory_space<vmem>>)
        tpu.yield
      }) : () -> ()
      "tpu.region"() ({
        %run_scoped3A = tpu.sem_alloc : memref<!tpu.dma_semaphore, #tpu.memory_space<semaphore_mem>>
        %dma_start3A_43 = arith.constant 0 : i32
        %dma_start3A_44 = arith.constant 0 : i32
        %dma_start3A_45 = tpu.memref_slice %arg3[%scan3A_7, %dma_start3A_43, %dma_start3A_44] : memref<2x2560x125xi32, #tpu.memory_space<hbm>> -> memref<1x2560x125xi32, #tpu.memory_space<hbm>>
        %dma_start3A_46 = tpu.memref_squeeze %dma_start3A_45 : memref<1x2560x125xi32, #tpu.memory_space<hbm>> -> memref<2560x125xi32, #tpu.memory_space<hbm>>
        %dma_start3A_47 = arith.constant 0 : i32
        %dma_start3A_48 = tpu.memref_slice %dma_start3A_46[%add3A_31, %dma_start3A_47] : memref<2560x125xi32, #tpu.memory_space<hbm>> -> memref<16x125xi32, #tpu.memory_space<hbm>>
        %dma_start3A_49 = arith.constant 0 : i32
        %dma_start3A_50 = arith.constant 0 : i32
        %dma_start3A_51 = tpu.memref_slice %arg3[%scan3A_7, %dma_start3A_49, %dma_start3A_50] : memref<2x2560x125xi32, #tpu.memory_space<hbm>> -> memref<1x2560x125xi32, #tpu.memory_space<hbm>>
        %dma_start3A_52 = tpu.memref_squeeze %dma_start3A_51 : memref<1x2560x125xi32, #tpu.memory_space<hbm>> -> memref<2560x125xi32, #tpu.memory_space<hbm>>
        %dma_start3A_53 = arith.constant 0 : i32
        %dma_start3A_54 = tpu.memref_slice %dma_start3A_52[%add3A_31, %dma_start3A_53] : memref<2560x125xi32, #tpu.memory_space<hbm>> -> memref<16x125xi32, #tpu.memory_space<hbm>>
        tpu.enqueue_dma source(%dma_start3A_54 : memref<16x125xi32, #tpu.memory_space<hbm>>) target(%arg7 : memref<16x125xi32, #tpu.memory_space<vmem>>) target_semaphore(%run_scoped3A : memref<!tpu.dma_semaphore, #tpu.memory_space<semaphore_mem>>)
        %dma_wait3A = arith.constant 0 : i32
        %dma_wait3A_55 = arith.constant 0 : i32
        %dma_wait3A_56 = tpu.memref_slice %arg3[%scan3A_7, %dma_wait3A, %dma_wait3A_55] : memref<2x2560x125xi32, #tpu.memory_space<hbm>> -> memref<1x2560x125xi32, #tpu.memory_space<hbm>>
        %dma_wait3A_57 = tpu.memref_squeeze %dma_wait3A_56 : memref<1x2560x125xi32, #tpu.memory_space<hbm>> -> memref<2560x125xi32, #tpu.memory_space<hbm>>
        %dma_wait3A_58 = arith.constant 0 : i32
        %dma_wait3A_59 = tpu.memref_slice %dma_wait3A_57[%add3A_31, %dma_wait3A_58] : memref<2560x125xi32, #tpu.memory_space<hbm>> -> memref<16x125xi32, #tpu.memory_space<hbm>>
        %dma_wait3A_60 = arith.constant 0 : i32
        %dma_wait3A_61 = arith.constant 0 : i32
        %dma_wait3A_62 = tpu.memref_slice %arg3[%scan3A_7, %dma_wait3A_60, %dma_wait3A_61] : memref<2x2560x125xi32, #tpu.memory_space<hbm>> -> memref<1x2560x125xi32, #tpu.memory_space<hbm>>
        %dma_wait3A_63 = tpu.memref_squeeze %dma_wait3A_62 : memref<1x2560x125xi32, #tpu.memory_space<hbm>> -> memref<2560x125xi32, #tpu.memory_space<hbm>>
        %dma_wait3A_64 = arith.constant 0 : i32
        %dma_wait3A_65 = tpu.memref_slice %dma_wait3A_63[%add3A_31, %dma_wait3A_64] : memref<2560x125xi32, #tpu.memory_space<hbm>> -> memref<16x125xi32, #tpu.memory_space<hbm>>
        tpu.wait_dma2 semaphore(%run_scoped3A : memref<!tpu.dma_semaphore, #tpu.memory_space<semaphore_mem>>) src(%dma_wait3A_65 : memref<16x125xi32, #tpu.memory_space<hbm>>) dst(%arg7 : memref<16x125xi32, #tpu.memory_space<vmem>>)
        tpu.yield
      }) : () -> ()
      %dma_start3A = arith.constant 0 : i32
      %dma_start3A_32 = arith.constant 0 : i32
      %dma_start3A_33 = tpu.memref_slice %arg6[%dma_start3A, %dma_start3A_32] : memref<16x125xi32, #tpu.memory_space<vmem>> -> memref<1x125xi32, #tpu.memory_space<vmem>>
      %dma_start3A_34 = tpu.memref_squeeze %dma_start3A_33 : memref<1x125xi32, #tpu.memory_space<vmem>> -> memref<125xi32, #tpu.memory_space<vmem>>
      %dma_start3A_35 = arith.constant 0 : i32
      %dma_start3A_36 = arith.constant 0 : i32
      %dma_start3A_37 = tpu.memref_slice %arg2[%dma_start3A_35, %dma_start3A_36] : memref<10000x128xf32, #tpu.memory_space<hbm>> -> memref<10000x128xf32, #tpu.memory_space<hbm>>
      tpu.enqueue_indirect_dma source(%dma_start3A_37 : memref<10000x128xf32, #tpu.memory_space<hbm>>) target(%arg8 : memref<125x128xf32, #tpu.memory_space<vmem>>) offsets(%dma_start3A_34 : memref<125xi32, #tpu.memory_space<vmem>>) semaphore(%arg11 : memref<!tpu.dma_semaphore, #tpu.memory_space<semaphore_mem>>)
      %scan3A_38 = arith.constant 0 : i32
      %scan3A_39 = arith.constant 8 : i32
      %scan3A_40 = arith.addi %scan3A_38, %scan3A_39 : i32
      %scan3A_41 = arith.constant 1 : i32
      scf.for %scan3A_43 = %scan3A_38 to %scan3A_40 step %scan3A_41  : i32 {
        %mul3A_44 = arith.constant 2 : i32
        %mul3A_45 = arith.muli %scan3A_43, %mul3A_44 : i32
        %add3A_46 = arith.constant 0 : i32
        %add3A_47 = arith.addi %add3A_46, %mul3A_45 : i32
        %add3A_48 = arith.constant 1 : i32
        %add3A_49 = arith.addi %add3A_47, %add3A_48 : i32
        %dma_start3A_50 = arith.constant 0 : i32
        %dma_start3A_51 = tpu.memref_slice %arg6[%add3A_49, %dma_start3A_50] : memref<16x125xi32, #tpu.memory_space<vmem>> -> memref<1x125xi32, #tpu.memory_space<vmem>>
        %dma_start3A_52 = tpu.memref_squeeze %dma_start3A_51 : memref<1x125xi32, #tpu.memory_space<vmem>> -> memref<125xi32, #tpu.memory_space<vmem>>
        %dma_start3A_53 = arith.constant 0 : i32
        %dma_start3A_54 = arith.constant 0 : i32
        %dma_start3A_55 = tpu.memref_slice %arg2[%dma_start3A_53, %dma_start3A_54] : memref<10000x128xf32, #tpu.memory_space<hbm>> -> memref<10000x128xf32, #tpu.memory_space<hbm>>
        tpu.enqueue_indirect_dma source(%dma_start3A_55 : memref<10000x128xf32, #tpu.memory_space<hbm>>) target(%arg9 : memref<125x128xf32, #tpu.memory_space<vmem>>) offsets(%dma_start3A_52 : memref<125xi32, #tpu.memory_space<vmem>>) semaphore(%arg12 : memref<!tpu.dma_semaphore, #tpu.memory_space<semaphore_mem>>)
        %dma_wait3A = arith.constant 0 : i32
        %dma_wait3A_56 = tpu.memref_slice %arg6[%add3A_47, %dma_wait3A] : memref<16x125xi32, #tpu.memory_space<vmem>> -> memref<1x125xi32, #tpu.memory_space<vmem>>
        %dma_wait3A_57 = tpu.memref_squeeze %dma_wait3A_56 : memref<1x125xi32, #tpu.memory_space<vmem>> -> memref<125xi32, #tpu.memory_space<vmem>>
        %dma_wait3A_58 = arith.constant 0 : i32
        %dma_wait3A_59 = arith.constant 0 : i32
        %dma_wait3A_60 = tpu.memref_slice %arg2[%dma_wait3A_58, %dma_wait3A_59] : memref<10000x128xf32, #tpu.memory_space<hbm>> -> memref<10000x128xf32, #tpu.memory_space<hbm>>
        tpu.wait_indirect_dma semaphore(%arg11 : memref<!tpu.dma_semaphore, #tpu.memory_space<semaphore_mem>>) src(%dma_wait3A_60 : memref<10000x128xf32, #tpu.memory_space<hbm>>) dst(%arg8 : memref<125x128xf32, #tpu.memory_space<vmem>>)
        "tpu.region"() ({
          %run_scoped3A = tpu.sem_alloc : memref<!tpu.dma_semaphore, #tpu.memory_space<semaphore_mem>>
          %dma_start3A_78 = arith.constant 0 : i32
          %dma_start3A_79 = tpu.memref_slice %arg7[%add3A_47, %dma_start3A_78] : memref<16x125xi32, #tpu.memory_space<vmem>> -> memref<1x125xi32, #tpu.memory_space<vmem>>
          %dma_start3A_80 = tpu.memref_squeeze %dma_start3A_79 : memref<1x125xi32, #tpu.memory_space<vmem>> -> memref<125xi32, #tpu.memory_space<vmem>>
          %dma_start3A_81 = arith.constant 0 : i32
          %dma_start3A_82 = arith.constant 0 : i32
          %dma_start3A_83 = tpu.memref_slice %arg10[%dma_start3A_81, %dma_start3A_82] : memref<10000x128xf32, #tpu.memory_space<vmem_shared>> -> memref<10000x128xf32, #tpu.memory_space<vmem_shared>>
          tpu.enqueue_indirect_dma source(%arg8 : memref<125x128xf32, #tpu.memory_space<vmem>>) target(%dma_start3A_83 : memref<10000x128xf32, #tpu.memory_space<vmem_shared>>) offsets(%dma_start3A_80 : memref<125xi32, #tpu.memory_space<vmem>>) semaphore(%run_scoped3A : memref<!tpu.dma_semaphore, #tpu.memory_space<semaphore_mem>>) {add = true}
          %dma_wait3A_84 = arith.constant 0 : i32
          %dma_wait3A_85 = tpu.memref_slice %arg7[%add3A_47, %dma_wait3A_84] : memref<16x125xi32, #tpu.memory_space<vmem>> -> memref<1x125xi32, #tpu.memory_space<vmem>>
          %dma_wait3A_86 = tpu.memref_squeeze %dma_wait3A_85 : memref<1x125xi32, #tpu.memory_space<vmem>> -> memref<125xi32, #tpu.memory_space<vmem>>
          %dma_wait3A_87 = arith.constant 0 : i32
          %dma_wait3A_88 = arith.constant 0 : i32
          %dma_wait3A_89 = tpu.memref_slice %arg10[%dma_wait3A_87, %dma_wait3A_88] : memref<10000x128xf32, #tpu.memory_space<vmem_shared>> -> memref<10000x128xf32, #tpu.memory_space<vmem_shared>>
          tpu.wait_indirect_dma semaphore(%run_scoped3A : memref<!tpu.dma_semaphore, #tpu.memory_space<semaphore_mem>>) src(%arg8 : memref<125x128xf32, #tpu.memory_space<vmem>>) dst(%dma_wait3A_89 : memref<10000x128xf32, #tpu.memory_space<vmem_shared>>)
          tpu.yield
        }) : () -> ()
        %add3A_61 = arith.constant 2 : i32
        %add3A_62 = arith.addi %add3A_47, %add3A_61 : i32
        %lt3A_63 = arith.constant 16 : i32
        %lt3A_64 = arith.cmpi slt, %add3A_62, %lt3A_63 : i32
        %convert_element_type3A_65 = arith.extui %lt3A_64 : i1 to i32
        %cond3A_66 = arith.constant 0 : i32
        %cond3A_67 = arith.cmpi ne, %convert_element_type3A_65, %cond3A_66 : i32
        scf.if %cond3A_67 {
          %add3A_78 = arith.constant 2 : i32
          %add3A_79 = arith.addi %add3A_47, %add3A_78 : i32
          %dma_start3A_80 = arith.constant 0 : i32
          %dma_start3A_81 = tpu.memref_slice %arg6[%add3A_79, %dma_start3A_80] : memref<16x125xi32, #tpu.memory_space<vmem>> -> memref<1x125xi32, #tpu.memory_space<vmem>>
          %dma_start3A_82 = tpu.memref_squeeze %dma_start3A_81 : memref<1x125xi32, #tpu.memory_space<vmem>> -> memref<125xi32, #tpu.memory_space<vmem>>
          %dma_start3A_83 = arith.constant 0 : i32
          %dma_start3A_84 = arith.constant 0 : i32
          %dma_start3A_85 = tpu.memref_slice %arg2[%dma_start3A_83, %dma_start3A_84] : memref<10000x128xf32, #tpu.memory_space<hbm>> -> memref<10000x128xf32, #tpu.memory_space<hbm>>
          tpu.enqueue_indirect_dma source(%dma_start3A_85 : memref<10000x128xf32, #tpu.memory_space<hbm>>) target(%arg8 : memref<125x128xf32, #tpu.memory_space<vmem>>) offsets(%dma_start3A_82 : memref<125xi32, #tpu.memory_space<vmem>>) semaphore(%arg11 : memref<!tpu.dma_semaphore, #tpu.memory_space<semaphore_mem>>)
        } else {
        }
        %add3A_68 = arith.constant 1 : i32
        %add3A_69 = arith.addi %add3A_47, %add3A_68 : i32
        %dma_wait3A_70 = arith.constant 0 : i32
        %dma_wait3A_71 = tpu.memref_slice %arg6[%add3A_69, %dma_wait3A_70] : memref<16x125xi32, #tpu.memory_space<vmem>> -> memref<1x125xi32, #tpu.memory_space<vmem>>
        %dma_wait3A_72 = tpu.memref_squeeze %dma_wait3A_71 : memref<1x125xi32, #tpu.memory_space<vmem>> -> memref<125xi32, #tpu.memory_space<vmem>>
        %dma_wait3A_73 = arith.constant 0 : i32
        %dma_wait3A_74 = arith.constant 0 : i32
        %dma_wait3A_75 = tpu.memref_slice %arg2[%dma_wait3A_73, %dma_wait3A_74] : memref<10000x128xf32, #tpu.memory_space<hbm>> -> memref<10000x128xf32, #tpu.memory_space<hbm>>
        tpu.wait_indirect_dma semaphore(%arg12 : memref<!tpu.dma_semaphore, #tpu.memory_space<semaphore_mem>>) src(%dma_wait3A_75 : memref<10000x128xf32, #tpu.memory_space<hbm>>) dst(%arg9 : memref<125x128xf32, #tpu.memory_space<vmem>>)
        %add3A_76 = arith.constant 1 : i32
        %add3A_77 = arith.addi %add3A_47, %add3A_76 : i32
        "tpu.region"() ({
          %run_scoped3A = tpu.sem_alloc : memref<!tpu.dma_semaphore, #tpu.memory_space<semaphore_mem>>
          %dma_start3A_78 = arith.constant 0 : i32
          %dma_start3A_79 = tpu.memref_slice %arg7[%add3A_77, %dma_start3A_78] : memref<16x125xi32, #tpu.memory_space<vmem>> -> memref<1x125xi32, #tpu.memory_space<vmem>>
          %dma_start3A_80 = tpu.memref_squeeze %dma_start3A_79 : memref<1x125xi32, #tpu.memory_space<vmem>> -> memref<125xi32, #tpu.memory_space<vmem>>
          %dma_start3A_81 = arith.constant 0 : i32
          %dma_start3A_82 = arith.constant 0 : i32
          %dma_start3A_83 = tpu.memref_slice %arg10[%dma_start3A_81, %dma_start3A_82] : memref<10000x128xf32, #tpu.memory_space<vmem_shared>> -> memref<10000x128xf32, #tpu.memory_space<vmem_shared>>
          tpu.enqueue_indirect_dma source(%arg9 : memref<125x128xf32, #tpu.memory_space<vmem>>) target(%dma_start3A_83 : memref<10000x128xf32, #tpu.memory_space<vmem_shared>>) offsets(%dma_start3A_80 : memref<125xi32, #tpu.memory_space<vmem>>) semaphore(%run_scoped3A : memref<!tpu.dma_semaphore, #tpu.memory_space<semaphore_mem>>) {add = true}
          %dma_wait3A_84 = arith.constant 0 : i32
          %dma_wait3A_85 = tpu.memref_slice %arg7[%add3A_77, %dma_wait3A_84] : memref<16x125xi32, #tpu.memory_space<vmem>> -> memref<1x125xi32, #tpu.memory_space<vmem>>
          %dma_wait3A_86 = tpu.memref_squeeze %dma_wait3A_85 : memref<1x125xi32, #tpu.memory_space<vmem>> -> memref<125xi32, #tpu.memory_space<vmem>>
          %dma_wait3A_87 = arith.constant 0 : i32
          %dma_wait3A_88 = arith.constant 0 : i32
          %dma_wait3A_89 = tpu.memref_slice %arg10[%dma_wait3A_87, %dma_wait3A_88] : memref<10000x128xf32, #tpu.memory_space<vmem_shared>> -> memref<10000x128xf32, #tpu.memory_space<vmem_shared>>
          tpu.wait_indirect_dma semaphore(%run_scoped3A : memref<!tpu.dma_semaphore, #tpu.memory_space<semaphore_mem>>) src(%arg9 : memref<125x128xf32, #tpu.memory_space<vmem>>) dst(%dma_wait3A_89 : memref<10000x128xf32, #tpu.memory_space<vmem_shared>>)
          tpu.yield
        }) : () -> ()
      }
      %scan3A_42 = arith.constant 8 : i32
    }
    %scan3A_12 = arith.constant 5 : i32
    %barrier3A_13 = arith.constant 0 : index
    tpu.barrier barrier_id(%barrier3A_13)
    %lt3A_14 = arith.constant 15 : i32
    %lt3A_15 = arith.cmpi slt, %arg1, %lt3A_14 : i32
    %convert_element_type3A_16 = arith.extui %lt3A_15 : i1 to i32
    %cond3A_17 = arith.constant 0 : i32
    %cond3A_18 = arith.cmpi ne, %convert_element_type3A_16, %cond3A_17 : i32
    scf.if %cond3A_18 {
      %mul3A_24 = arith.constant 624 : i32
      %mul3A_25 = arith.muli %arg1, %mul3A_24 : i32
      %mul3A_26 = arith.constant 624 : i32
      %mul3A_27 = arith.muli %arg1, %mul3A_26 : i32
      "tpu.region"() ({
        %run_scoped3A = tpu.sem_alloc : memref<!tpu.dma_semaphore, #tpu.memory_space<semaphore_mem>>
        %dma_start3A = arith.constant 0 : i32
        %dma_start3A_28 = tpu.memref_slice %arg5[%arg0, %mul3A_27, %dma_start3A] : memref<2x10000x128xf32, #tpu.memory_space<hbm>> -> memref<1x624x128xf32, #tpu.memory_space<hbm>>
        %dma_start3A_29 = tpu.memref_squeeze %dma_start3A_28 : memref<1x624x128xf32, #tpu.memory_space<hbm>> -> memref<624x128xf32, #tpu.memory_space<hbm>>
        %dma_start3A_30 = arith.constant 0 : i32
        %dma_start3A_31 = tpu.memref_slice %arg10[%mul3A_25, %dma_start3A_30] : memref<10000x128xf32, #tpu.memory_space<vmem_shared>> -> memref<624x128xf32, #tpu.memory_space<vmem_shared>>
        tpu.enqueue_dma source(%dma_start3A_31 : memref<624x128xf32, #tpu.memory_space<vmem_shared>>) target(%dma_start3A_29 : memref<624x128xf32, #tpu.memory_space<hbm>>) target_semaphore(%run_scoped3A : memref<!tpu.dma_semaphore, #tpu.memory_space<semaphore_mem>>)
        %dma_wait3A = arith.constant 0 : i32
        %dma_wait3A_32 = tpu.memref_slice %arg5[%arg0, %mul3A_27, %dma_wait3A] : memref<2x10000x128xf32, #tpu.memory_space<hbm>> -> memref<1x624x128xf32, #tpu.memory_space<hbm>>
        %dma_wait3A_33 = tpu.memref_squeeze %dma_wait3A_32 : memref<1x624x128xf32, #tpu.memory_space<hbm>> -> memref<624x128xf32, #tpu.memory_space<hbm>>
        %dma_wait3A_34 = arith.constant 0 : i32
        %dma_wait3A_35 = tpu.memref_slice %arg10[%mul3A_25, %dma_wait3A_34] : memref<10000x128xf32, #tpu.memory_space<vmem_shared>> -> memref<624x128xf32, #tpu.memory_space<vmem_shared>>
        tpu.wait_dma2 semaphore(%run_scoped3A : memref<!tpu.dma_semaphore, #tpu.memory_space<semaphore_mem>>) src(%dma_wait3A_35 : memref<624x128xf32, #tpu.memory_space<vmem_shared>>) dst(%dma_wait3A_33 : memref<624x128xf32, #tpu.memory_space<hbm>>)
        tpu.yield
      }) : () -> ()
    } else {
    }
    %eq3A_19 = arith.constant 15 : i32
    %eq3A_20 = arith.cmpi eq, %arg1, %eq3A_19 : i32
    %convert_element_type3A_21 = arith.extui %eq3A_20 : i1 to i32
    %cond3A_22 = arith.constant 0 : i32
    %cond3A_23 = arith.cmpi ne, %convert_element_type3A_21, %cond3A_22 : i32
    scf.if %cond3A_23 {
      %mul3A_24 = arith.constant 624 : i32
      %mul3A_25 = arith.muli %arg1, %mul3A_24 : i32
      %mul3A_26 = arith.constant 624 : i32
      %mul3A_27 = arith.muli %arg1, %mul3A_26 : i32
      "tpu.region"() ({
        %run_scoped3A = tpu.sem_alloc : memref<!tpu.dma_semaphore, #tpu.memory_space<semaphore_mem>>
        %dma_start3A = arith.constant 0 : i32
        %dma_start3A_28 = tpu.memref_slice %arg5[%arg0, %mul3A_27, %dma_start3A] : memref<2x10000x128xf32, #tpu.memory_space<hbm>> -> memref<1x640x128xf32, #tpu.memory_space<hbm>>
        %dma_start3A_29 = tpu.memref_squeeze %dma_start3A_28 : memref<1x640x128xf32, #tpu.memory_space<hbm>> -> memref<640x128xf32, #tpu.memory_space<hbm>>
        %dma_start3A_30 = arith.constant 0 : i32
        %dma_start3A_31 = tpu.memref_slice %arg10[%mul3A_25, %dma_start3A_30] : memref<10000x128xf32, #tpu.memory_space<vmem_shared>> -> memref<640x128xf32, #tpu.memory_space<vmem_shared>>
        tpu.enqueue_dma source(%dma_start3A_31 : memref<640x128xf32, #tpu.memory_space<vmem_shared>>) target(%dma_start3A_29 : memref<640x128xf32, #tpu.memory_space<hbm>>) target_semaphore(%run_scoped3A : memref<!tpu.dma_semaphore, #tpu.memory_space<semaphore_mem>>)
        %dma_wait3A = arith.constant 0 : i32
        %dma_wait3A_32 = tpu.memref_slice %arg5[%arg0, %mul3A_27, %dma_wait3A] : memref<2x10000x128xf32, #tpu.memory_space<hbm>> -> memref<1x640x128xf32, #tpu.memory_space<hbm>>
        %dma_wait3A_33 = tpu.memref_squeeze %dma_wait3A_32 : memref<1x640x128xf32, #tpu.memory_space<hbm>> -> memref<640x128xf32, #tpu.memory_space<hbm>>
        %dma_wait3A_34 = arith.constant 0 : i32
        %dma_wait3A_35 = tpu.memref_slice %arg10[%mul3A_25, %dma_wait3A_34] : memref<10000x128xf32, #tpu.memory_space<vmem_shared>> -> memref<640x128xf32, #tpu.memory_space<vmem_shared>>
        tpu.wait_dma2 semaphore(%run_scoped3A : memref<!tpu.dma_semaphore, #tpu.memory_space<semaphore_mem>>) src(%dma_wait3A_35 : memref<640x128xf32, #tpu.memory_space<vmem_shared>>) dst(%dma_wait3A_33 : memref<640x128xf32, #tpu.memory_space<hbm>>)
        tpu.yield
      }) : () -> ()
    } else {
    }
    return
  }
}

module attributes {stable_mosaic.version = 14 : i64} {
  func.func @_k1_body(%arg0: i32, %arg1: memref<2000x128xf32, #tpu.memory_space<vmem>>, %arg2: memref<128x128xf32, #tpu.memory_space<vmem>>, %arg3: memref<1x128xf32, #tpu.memory_space<vmem>>, %arg4: memref<2000x1xf32, #tpu.memory_space<vmem>>, %arg5: memref<2000x128xf32, #tpu.memory_space<vmem>>) attributes {dimension_semantics = [#tpu.dimension_semantics<parallel>], iteration_bounds = array<i64: 5>, scalar_prefetch = 0 : i64, scratch_operands = 0 : i64, tpu.core_type = #tpu.core_type<tc>, window_params = [{transform_indices = @transform_0, window_bounds = array<i64: 2000, 128>}, {pipeline_mode = #tpu.pipeline_mode<synchronous>, transform_indices = @transform_1, window_bounds = array<i64: 128, 128>}, {pipeline_mode = #tpu.pipeline_mode<synchronous>, transform_indices = @transform_2, window_bounds = array<i64: 1, 128>}, {transform_indices = @transform_3, window_bounds = array<i64: 2000, 1>}, {transform_indices = @transform_4, window_bounds = array<i64: 2000, 128>}]} {
    %get3A = arith.constant 0 : index
    %get3A_0 = arith.constant 0 : index
    %get3A_1 = vector.load %arg1[%get3A, %get3A_0] : memref<2000x128xf32, #tpu.memory_space<vmem>>, vector<2000x128xf32>
    %get3A_2 = arith.constant 0 : index
    %get3A_3 = arith.constant 0 : index
    %get3A_4 = vector.load %arg2[%get3A_2, %get3A_3] : memref<128x128xf32, #tpu.memory_space<vmem>>, vector<128x128xf32>
    %dot_general3A = arith.constant dense<0.000000e+00> : vector<2000x128xf32>
    %dot_general3A_5 = tpu.matmul %get3A_1, %get3A_4, %dot_general3A {dimension_numbers = #tpu.dot_dimension_numbers<[1], [0], [0], [1], [0, 0, 1, 1], [], []>, transpose_lhs_hint = false} : vector<2000x128xf32>, vector<128x128xf32>, vector<2000x128xf32> -> vector<2000x128xf32>
    %get3A_6 = arith.constant 0 : index
    %get3A_7 = arith.constant 0 : index
    %get3A_8 = vector.load %arg3[%get3A_6, %get3A_7] : memref<1x128xf32, #tpu.memory_space<vmem>>, vector<1x128xf32>
    %add3A = vector.broadcast %get3A_8 : vector<1x128xf32> to vector<2000x128xf32>
    %add3A_9 = arith.addf %dot_general3A_5, %add3A : vector<2000x128xf32>
    %get3A_10 = arith.constant 0 : index
    %get3A_11 = arith.constant 0 : index
    %get3A_12 = vector.load %arg4[%get3A_10, %get3A_11] : memref<2000x1xf32, #tpu.memory_space<vmem>>, vector<2000x1xf32>
    %mul3A = vector.broadcast %get3A_12 : vector<2000x1xf32> to vector<2000x128xf32>
    %mul3A_13 = arith.mulf %add3A_9, %mul3A : vector<2000x128xf32>
    %swap3A = arith.constant 0 : index
    %swap3A_14 = arith.constant 0 : index
    %swap3A_15 = vector.load %arg5[%swap3A, %swap3A_14] : memref<2000x128xf32, #tpu.memory_space<vmem>>, vector<2000x128xf32>
    tpu.vector_store %arg5[%swap3A, %swap3A_14], %mul3A_13 {strides = array<i32>} : memref<2000x128xf32, #tpu.memory_space<vmem>>, vector<2000x128xf32>,
    return
  }
  func.func @transform_0(%arg0: i32) -> (i32, i32) {
    %c0_i32 = arith.constant 0 : i32
    %c0_i32_0 = arith.constant 0 : i32
    return %arg0, %c0_i32 : i32, i32
  }
  func.func @transform_1(%arg0: i32) -> (i32, i32) {
    %c0_i32 = arith.constant 0 : i32
    %c0_i32_0 = arith.constant 0 : i32
    %c0_i32_1 = arith.constant 0 : i32
    return %c0_i32, %c0_i32_0 : i32, i32
  }
  func.func @transform_2(%arg0: i32) -> (i32, i32) {
    %c0_i32 = arith.constant 0 : i32
    %c0_i32_0 = arith.constant 0 : i32
    %c0_i32_1 = arith.constant 0 : i32
    return %c0_i32, %c0_i32_0 : i32, i32
  }
  func.func @transform_3(%arg0: i32) -> (i32, i32) {
    %c0_i32 = arith.constant 0 : i32
    %c0_i32_0 = arith.constant 0 : i32
    return %arg0, %c0_i32 : i32, i32
  }
  func.func @transform_4(%arg0: i32) -> (i32, i32) {
    %c0_i32 = arith.constant 0 : i32
    %c0_i32_0 = arith.constant 0 : i32
    return %arg0, %c0_i32 : i32, i32
  }
}

module attributes {stable_mosaic.version = 14 : i64} {
  func.func @_k2_body(%arg0: i32, %arg1: memref<2x2000x128xf32, #tpu.memory_space<vmem>>, %arg2: memref<2000x128xf32, #tpu.memory_space<vmem>>, %arg3: memref<2000x1xf32, #tpu.memory_space<vmem>>, %arg4: memref<128x128xf32, #tpu.memory_space<vmem>>, %arg5: memref<1x128xf32, #tpu.memory_space<vmem>>, %arg6: memref<2000x128xf32, #tpu.memory_space<vmem>>, %arg7: memref<2000x128xf32, #tpu.memory_space<vmem>>) attributes {dimension_semantics = [#tpu.dimension_semantics<parallel>], iteration_bounds = array<i64: 5>, scalar_prefetch = 0 : i64, scratch_operands = 0 : i64, tpu.core_type = #tpu.core_type<tc>, window_params = [{transform_indices = @transform_0, window_bounds = array<i64: 2, 2000, 128>}, {transform_indices = @transform_1, window_bounds = array<i64: 2000, 128>}, {transform_indices = @transform_2, window_bounds = array<i64: 2000, 1>}, {pipeline_mode = #tpu.pipeline_mode<synchronous>, transform_indices = @transform_3, window_bounds = array<i64: 128, 128>}, {pipeline_mode = #tpu.pipeline_mode<synchronous>, transform_indices = @transform_4, window_bounds = array<i64: 1, 128>}, {transform_indices = @transform_5, window_bounds = array<i64: 2000, 128>}, {transform_indices = @transform_6, window_bounds = array<i64: 2000, 128>}]} {
    %get3A = arith.constant 0 : index
    %get3A_0 = arith.constant 0 : index
    %get3A_1 = arith.constant 0 : index
    %get3A_2 = vector.load %arg1[%get3A, %get3A_0, %get3A_1] : memref<2x2000x128xf32, #tpu.memory_space<vmem>>, vector<1x2000x128xf32>
    %get3A_3 = vector.shape_cast %get3A_2 : vector<1x2000x128xf32> to vector<2000x128xf32>
    %get3A_4 = arith.constant 1 : index
    %get3A_5 = arith.constant 0 : index
    %get3A_6 = arith.constant 0 : index
    %get3A_7 = vector.load %arg1[%get3A_4, %get3A_5, %get3A_6] : memref<2x2000x128xf32, #tpu.memory_space<vmem>>, vector<1x2000x128xf32>
    %get3A_8 = vector.shape_cast %get3A_7 : vector<1x2000x128xf32> to vector<2000x128xf32>
    %add3A = arith.addf %get3A_3, %get3A_8 : vector<2000x128xf32>
    %get3A_9 = arith.constant 0 : index
    %get3A_10 = arith.constant 0 : index
    %get3A_11 = vector.load %arg2[%get3A_9, %get3A_10] : memref<2000x128xf32, #tpu.memory_space<vmem>>, vector<2000x128xf32>
    %add3A_12 = arith.addf %add3A, %get3A_11 : vector<2000x128xf32>
    %get3A_13 = arith.constant 0 : index
    %get3A_14 = arith.constant 0 : index
    %get3A_15 = vector.load %arg3[%get3A_13, %get3A_14] : memref<2000x1xf32, #tpu.memory_space<vmem>>, vector<2000x1xf32>
    %mul3A = vector.broadcast %get3A_15 : vector<2000x1xf32> to vector<2000x128xf32>
    %mul3A_16 = arith.mulf %add3A_12, %mul3A : vector<2000x128xf32>
    %max3A = arith.constant 0.000000e+00 : f32
    %max3A_17 = vector.broadcast %max3A : f32 to vector<2000x128xf32>
    %max3A_18 = arith.maximumf %mul3A_16, %max3A_17 : vector<2000x128xf32>
    %swap3A = arith.constant 0 : index
    %swap3A_19 = arith.constant 0 : index
    %swap3A_20 = vector.load %arg6[%swap3A, %swap3A_19] : memref<2000x128xf32, #tpu.memory_space<vmem>>, vector<2000x128xf32>
    tpu.vector_store %arg6[%swap3A, %swap3A_19], %max3A_18 {strides = array<i32>} : memref<2000x128xf32, #tpu.memory_space<vmem>>, vector<2000x128xf32>,
    %get3A_21 = arith.constant 0 : index
    %get3A_22 = arith.constant 0 : index
    %get3A_23 = vector.load %arg4[%get3A_21, %get3A_22] : memref<128x128xf32, #tpu.memory_space<vmem>>, vector<128x128xf32>
    %dot_general3A = arith.constant dense<0.000000e+00> : vector<2000x128xf32>
    %dot_general3A_24 = tpu.matmul %max3A_18, %get3A_23, %dot_general3A {dimension_numbers = #tpu.dot_dimension_numbers<[1], [0], [0], [1], [0, 0, 1, 1], [], []>, transpose_lhs_hint = false} : vector<2000x128xf32>, vector<128x128xf32>, vector<2000x128xf32> -> vector<2000x128xf32>
    %get3A_25 = arith.constant 0 : index
    %get3A_26 = arith.constant 0 : index
    %get3A_27 = vector.load %arg5[%get3A_25, %get3A_26] : memref<1x128xf32, #tpu.memory_space<vmem>>, vector<1x128xf32>
    %add3A_28 = vector.broadcast %get3A_27 : vector<1x128xf32> to vector<2000x128xf32>
    %add3A_29 = arith.addf %dot_general3A_24, %add3A_28 : vector<2000x128xf32>
    %get3A_30 = arith.constant 0 : index
    %get3A_31 = arith.constant 0 : index
    %get3A_32 = vector.load %arg3[%get3A_30, %get3A_31] : memref<2000x1xf32, #tpu.memory_space<vmem>>, vector<2000x1xf32>
    %mul3A_33 = vector.broadcast %get3A_32 : vector<2000x1xf32> to vector<2000x128xf32>
    %mul3A_34 = arith.mulf %add3A_29, %mul3A_33 : vector<2000x128xf32>
    %swap3A_35 = arith.constant 0 : index
    %swap3A_36 = arith.constant 0 : index
    %swap3A_37 = vector.load %arg7[%swap3A_35, %swap3A_36] : memref<2000x128xf32, #tpu.memory_space<vmem>>, vector<2000x128xf32>
    tpu.vector_store %arg7[%swap3A_35, %swap3A_36], %mul3A_34 {strides = array<i32>} : memref<2000x128xf32, #tpu.memory_space<vmem>>, vector<2000x128xf32>,
    return
  }
  func.func @transform_0(%arg0: i32) -> (i32, i32, i32) {
    %c0_i32 = arith.constant 0 : i32
    %c0_i32_0 = arith.constant 0 : i32
    %c0_i32_1 = arith.constant 0 : i32
    return %c0_i32, %arg0, %c0_i32_0 : i32, i32, i32
  }
  func.func @transform_1(%arg0: i32) -> (i32, i32) {
    %c0_i32 = arith.constant 0 : i32
    %c0_i32_0 = arith.constant 0 : i32
    return %arg0, %c0_i32 : i32, i32
  }
  func.func @transform_2(%arg0: i32) -> (i32, i32) {
    %c0_i32 = arith.constant 0 : i32
    %c0_i32_0 = arith.constant 0 : i32
    return %arg0, %c0_i32 : i32, i32
  }
  func.func @transform_3(%arg0: i32) -> (i32, i32) {
    %c0_i32 = arith.constant 0 : i32
    %c0_i32_0 = arith.constant 0 : i32
    %c0_i32_1 = arith.constant 0 : i32
    return %c0_i32, %c0_i32_0 : i32, i32
  }
  func.func @transform_4(%arg0: i32) -> (i32, i32) {
    %c0_i32 = arith.constant 0 : i32
    %c0_i32_0 = arith.constant 0 : i32
    %c0_i32_1 = arith.constant 0 : i32
    return %c0_i32, %c0_i32_0 : i32, i32
  }
  func.func @transform_5(%arg0: i32) -> (i32, i32) {
    %c0_i32 = arith.constant 0 : i32
    %c0_i32_0 = arith.constant 0 : i32
    return %arg0, %c0_i32 : i32, i32
  }
  func.func @transform_6(%arg0: i32) -> (i32, i32) {
    %c0_i32 = arith.constant 0 : i32
    %c0_i32_0 = arith.constant 0 : i32
    return %arg0, %c0_i32 : i32, i32
  }
}

module attributes {stable_mosaic.version = 14 : i64} {
  func.func @_k3_body(%arg0: i32, %arg1: memref<2x2000x128xf32, #tpu.memory_space<vmem>>, %arg2: memref<2000x128xf32, #tpu.memory_space<vmem>>, %arg3: memref<2000x1xf32, #tpu.memory_space<vmem>>, %arg4: memref<2000x128xf32, #tpu.memory_space<vmem>>, %arg5: memref<2000x128xf32, #tpu.memory_space<vmem>>) attributes {dimension_semantics = [#tpu.dimension_semantics<parallel>], iteration_bounds = array<i64: 5>, scalar_prefetch = 0 : i64, scratch_operands = 0 : i64, tpu.core_type = #tpu.core_type<tc>, window_params = [{transform_indices = @transform_0, window_bounds = array<i64: 2, 2000, 128>}, {transform_indices = @transform_1, window_bounds = array<i64: 2000, 128>}, {transform_indices = @transform_2, window_bounds = array<i64: 2000, 1>}, {transform_indices = @transform_3, window_bounds = array<i64: 2000, 128>}, {transform_indices = @transform_4, window_bounds = array<i64: 2000, 128>}]} {
    %get3A = arith.constant 0 : index
    %get3A_0 = arith.constant 0 : index
    %get3A_1 = arith.constant 0 : index
    %get3A_2 = vector.load %arg1[%get3A, %get3A_0, %get3A_1] : memref<2x2000x128xf32, #tpu.memory_space<vmem>>, vector<1x2000x128xf32>
    %get3A_3 = vector.shape_cast %get3A_2 : vector<1x2000x128xf32> to vector<2000x128xf32>
    %get3A_4 = arith.constant 1 : index
    %get3A_5 = arith.constant 0 : index
    %get3A_6 = arith.constant 0 : index
    %get3A_7 = vector.load %arg1[%get3A_4, %get3A_5, %get3A_6] : memref<2x2000x128xf32, #tpu.memory_space<vmem>>, vector<1x2000x128xf32>
    %get3A_8 = vector.shape_cast %get3A_7 : vector<1x2000x128xf32> to vector<2000x128xf32>
    %add3A = arith.addf %get3A_3, %get3A_8 : vector<2000x128xf32>
    %get3A_9 = arith.constant 0 : index
    %get3A_10 = arith.constant 0 : index
    %get3A_11 = vector.load %arg2[%get3A_9, %get3A_10] : memref<2000x128xf32, #tpu.memory_space<vmem>>, vector<2000x128xf32>
    %add3A_12 = arith.addf %add3A, %get3A_11 : vector<2000x128xf32>
    %get3A_13 = arith.constant 0 : index
    %get3A_14 = arith.constant 0 : index
    %get3A_15 = vector.load %arg3[%get3A_13, %get3A_14] : memref<2000x1xf32, #tpu.memory_space<vmem>>, vector<2000x1xf32>
    %mul3A = vector.broadcast %get3A_15 : vector<2000x1xf32> to vector<2000x128xf32>
    %mul3A_16 = arith.mulf %add3A_12, %mul3A : vector<2000x128xf32>
    %max3A = arith.constant 0.000000e+00 : f32
    %max3A_17 = vector.broadcast %max3A : f32 to vector<2000x128xf32>
    %max3A_18 = arith.maximumf %mul3A_16, %max3A_17 : vector<2000x128xf32>
    %get3A_19 = arith.constant 0 : index
    %get3A_20 = arith.constant 0 : index
    %get3A_21 = vector.load %arg4[%get3A_19, %get3A_20] : memref<2000x128xf32, #tpu.memory_space<vmem>>, vector<2000x128xf32>
    %add3A_22 = arith.addf %max3A_18, %get3A_21 : vector<2000x128xf32>
    %swap3A = arith.constant 0 : index
    %swap3A_23 = arith.constant 0 : index
    %swap3A_24 = vector.load %arg5[%swap3A, %swap3A_23] : memref<2000x128xf32, #tpu.memory_space<vmem>>, vector<2000x128xf32>
    tpu.vector_store %arg5[%swap3A, %swap3A_23], %add3A_22 {strides = array<i32>} : memref<2000x128xf32, #tpu.memory_space<vmem>>, vector<2000x128xf32>,
    return
  }
  func.func @transform_0(%arg0: i32) -> (i32, i32, i32) {
    %c0_i32 = arith.constant 0 : i32
    %c0_i32_0 = arith.constant 0 : i32
    %c0_i32_1 = arith.constant 0 : i32
    return %c0_i32, %arg0, %c0_i32_0 : i32, i32, i32
  }
  func.func @transform_1(%arg0: i32) -> (i32, i32) {
    %c0_i32 = arith.constant 0 : i32
    %c0_i32_0 = arith.constant 0 : i32
    return %arg0, %c0_i32 : i32, i32
  }
  func.func @transform_2(%arg0: i32) -> (i32, i32) {
    %c0_i32 = arith.constant 0 : i32
    %c0_i32_0 = arith.constant 0 : i32
    return %arg0, %c0_i32 : i32, i32
  }
  func.func @transform_3(%arg0: i32) -> (i32, i32) {
    %c0_i32 = arith.constant 0 : i32
    %c0_i32_0 = arith.constant 0 : i32
    return %arg0, %c0_i32 : i32, i32
  }
  func.func @transform_4(%arg0: i32) -> (i32, i32) {
    %c0_i32 = arith.constant 0 : i32
    %c0_i32_0 = arith.constant 0 : i32
    return %arg0, %c0_i32 : i32, i32
  }
}

module attributes {stable_mosaic.version = 14 : i64} {
  func.func @_head_body(%arg0: i32, %arg1: memref<5120x128xf32, #tpu.memory_space<vmem>>, %arg2: memref<5120x128xf32, #tpu.memory_space<vmem>>, %arg3: memref<5120x1xf32, #tpu.memory_space<vmem>>, %arg4: memref<5120x1xf32, #tpu.memory_space<vmem>>, %arg5: memref<128x256xbf16, #tpu.memory_space<vmem>>, %arg6: memref<1x256xf32, #tpu.memory_space<vmem>>, %arg7: memref<1x256xf32, #tpu.memory_space<vmem>>, %arg8: memref<256x64xbf16, #tpu.memory_space<vmem>>, %arg9: memref<1x64xf32, #tpu.memory_space<vmem>>, %arg10: memref<1x4xf32, #tpu.memory_space<vmem>>, %arg11: memref<4x64xf32, #tpu.memory_space<vmem>>, %arg12: memref<4x1xf32, #tpu.memory_space<vmem>>, %arg13: memref<64x1xf32, #tpu.memory_space<vmem>>, %arg14: memref<5120xf32, #tpu.memory_space<vmem>>) attributes {dimension_semantics = [#tpu.dimension_semantics<parallel>], iteration_bounds = array<i64: 20>, scalar_prefetch = 0 : i64, scratch_operands = 0 : i64, tpu.core_type = #tpu.core_type<tc>, window_params = [{transform_indices = @transform_0, window_bounds = array<i64: 5120, 128>}, {transform_indices = @transform_1, window_bounds = array<i64: 5120, 128>}, {transform_indices = @transform_2, window_bounds = array<i64: 5120, 1>}, {transform_indices = @transform_3, window_bounds = array<i64: 5120, 1>}, {pipeline_mode = #tpu.pipeline_mode<synchronous>, transform_indices = @transform_4, window_bounds = array<i64: 128, 256>}, {pipeline_mode = #tpu.pipeline_mode<synchronous>, transform_indices = @transform_5, window_bounds = array<i64: 1, 256>}, {pipeline_mode = #tpu.pipeline_mode<synchronous>, transform_indices = @transform_6, window_bounds = array<i64: 1, 256>}, {pipeline_mode = #tpu.pipeline_mode<synchronous>, transform_indices = @transform_7, window_bounds = array<i64: 256, 64>}, {pipeline_mode = #tpu.pipeline_mode<synchronous>, transform_indices = @transform_8, window_bounds = array<i64: 1, 64>}, {pipeline_mode = #tpu.pipeline_mode<synchronous>, transform_indices = @transform_9, window_bounds = array<i64: 1, 4>}, {pipeline_mode = #tpu.pipeline_mode<synchronous>, transform_indices = @transform_10, window_bounds = array<i64: 4, 64>}, {pipeline_mode = #tpu.pipeline_mode<synchronous>, transform_indices = @transform_11, window_bounds = array<i64: 4, 1>}, {pipeline_mode = #tpu.pipeline_mode<synchronous>, transform_indices = @transform_12, window_bounds = array<i64: 64, 1>}, {transform_indices = @transform_13, window_bounds = array<i64: 5120>}]} {
    %get3A = arith.constant 0 : index
    %get3A_0 = arith.constant 0 : index
    %get3A_1 = vector.load %arg1[%get3A, %get3A_0] : memref<5120x128xf32, #tpu.memory_space<vmem>>, vector<5120x128xf32>
    %get3A_2 = arith.constant 0 : index
    %get3A_3 = arith.constant 0 : index
    %get3A_4 = vector.load %arg2[%get3A_2, %get3A_3] : memref<5120x128xf32, #tpu.memory_space<vmem>>, vector<5120x128xf32>
    %mul3A = arith.mulf %get3A_1, %get3A_4 : vector<5120x128xf32>
    %convert_element_type3A = arith.truncf %mul3A : vector<5120x128xf32> to vector<5120x128xbf16>
    %get3A_5 = arith.constant 0 : index
    %get3A_6 = arith.constant 0 : index
    %get3A_7 = vector.load %arg3[%get3A_5, %get3A_6] : memref<5120x1xf32, #tpu.memory_space<vmem>>, vector<5120x1xf32>
    %get3A_8 = arith.constant 0 : index
    %get3A_9 = arith.constant 0 : index
    %get3A_10 = vector.load %arg5[%get3A_8, %get3A_9] : memref<128x256xbf16, #tpu.memory_space<vmem>>, vector<128x256xbf16>
    %dot_general3A = arith.constant dense<0.000000e+00> : vector<5120x256xf32>
    %dot_general3A_11 = tpu.matmul %convert_element_type3A, %get3A_10, %dot_general3A {dimension_numbers = #tpu.dot_dimension_numbers<[1], [0], [0], [1], [0, 0, 1, 1], [], []>, transpose_lhs_hint = false} : vector<5120x128xbf16>, vector<128x256xbf16>, vector<5120x256xf32> -> vector<5120x256xf32>
    %get3A_12 = arith.constant 0 : index
    %get3A_13 = arith.constant 0 : index
    %get3A_14 = vector.load %arg6[%get3A_12, %get3A_13] : memref<1x256xf32, #tpu.memory_space<vmem>>, vector<1x256xf32>
    %mul3A_15 = vector.broadcast %get3A_7 : vector<5120x1xf32> to vector<5120x256xf32>
    %mul3A_16 = vector.broadcast %get3A_14 : vector<1x256xf32> to vector<5120x256xf32>
    %mul3A_17 = arith.mulf %mul3A_15, %mul3A_16 : vector<5120x256xf32>
    %add3A = arith.addf %dot_general3A_11, %mul3A_17 : vector<5120x256xf32>
    %get3A_18 = arith.constant 0 : index
    %get3A_19 = arith.constant 0 : index
    %get3A_20 = vector.load %arg7[%get3A_18, %get3A_19] : memref<1x256xf32, #tpu.memory_space<vmem>>, vector<1x256xf32>
    %add3A_21 = vector.broadcast %get3A_20 : vector<1x256xf32> to vector<5120x256xf32>
    %add3A_22 = arith.addf %add3A, %add3A_21 : vector<5120x256xf32>
    %max3A = arith.constant 0.000000e+00 : f32
    %max3A_23 = vector.broadcast %max3A : f32 to vector<5120x256xf32>
    %max3A_24 = arith.maximumf %add3A_22, %max3A_23 : vector<5120x256xf32>
    %convert_element_type3A_25 = arith.truncf %max3A_24 : vector<5120x256xf32> to vector<5120x256xbf16>
    %get3A_26 = arith.constant 0 : index
    %get3A_27 = arith.constant 0 : index
    %get3A_28 = vector.load %arg8[%get3A_26, %get3A_27] : memref<256x64xbf16, #tpu.memory_space<vmem>>, vector<256x64xbf16>
    %dot_general3A_29 = arith.constant dense<0.000000e+00> : vector<5120x64xf32>
    %dot_general3A_30 = tpu.matmul %convert_element_type3A_25, %get3A_28, %dot_general3A_29 {dimension_numbers = #tpu.dot_dimension_numbers<[1], [0], [0], [1], [0, 0, 1, 1], [], []>, transpose_lhs_hint = false} : vector<5120x256xbf16>, vector<256x64xbf16>, vector<5120x64xf32> -> vector<5120x64xf32>
    %get3A_31 = arith.constant 0 : index
    %get3A_32 = arith.constant 0 : index
    %get3A_33 = vector.load %arg9[%get3A_31, %get3A_32] : memref<1x64xf32, #tpu.memory_space<vmem>>, vector<1x64xf32>
    %add3A_34 = vector.broadcast %get3A_33 : vector<1x64xf32> to vector<5120x64xf32>
    %add3A_35 = arith.addf %dot_general3A_30, %add3A_34 : vector<5120x64xf32>
    %max3A_36 = arith.constant 0.000000e+00 : f32
    %max3A_37 = vector.broadcast %max3A_36 : f32 to vector<5120x64xf32>
    %max3A_38 = arith.maximumf %add3A_35, %max3A_37 : vector<5120x64xf32>
    %get3A_39 = arith.constant 0 : index
    %get3A_40 = arith.constant 0 : index
    %get3A_41 = vector.load %arg4[%get3A_39, %get3A_40] : memref<5120x1xf32, #tpu.memory_space<vmem>>, vector<5120x1xf32>
    %get3A_42 = arith.constant 0 : index
    %get3A_43 = arith.constant 0 : index
    %get3A_44 = vector.load %arg10[%get3A_42, %get3A_43] : memref<1x4xf32, #tpu.memory_space<vmem>>, vector<1x4xf32>
    %eq3A = vector.broadcast %get3A_41 : vector<5120x1xf32> to vector<5120x4xf32>
    %eq3A_45 = vector.broadcast %get3A_44 : vector<1x4xf32> to vector<5120x4xf32>
    %eq3A_46 = arith.cmpf oeq, %eq3A, %eq3A_45 : vector<5120x4xf32>
    %jit3A = arith.constant 1.000000e+00 : f32
    %jit3A_47 = arith.constant 0.000000e+00 : f32
    %broadcast_in_dim3A = vector.broadcast %jit3A : f32 to vector<5120x4xf32>
    %broadcast_in_dim3A_48 = vector.broadcast %jit3A_47 : f32 to vector<5120x4xf32>
    %select_n3A = arith.select %eq3A_46, %broadcast_in_dim3A, %broadcast_in_dim3A_48 : vector<5120x4xi1>, vector<5120x4xf32>
    %get3A_49 = arith.constant 0 : index
    %get3A_50 = arith.constant 0 : index
    %get3A_51 = vector.load %arg11[%get3A_49, %get3A_50] : memref<4x64xf32, #tpu.memory_space<vmem>>, vector<4x64xf32>
    %dot_general3A_52 = arith.constant dense<0.000000e+00> : vector<5120x64xf32>
    %dot_general3A_53 = tpu.matmul %select_n3A, %get3A_51, %dot_general3A_52 {dimension_numbers = #tpu.dot_dimension_numbers<[1], [0], [0], [1], [0, 0, 1, 1], [], []>, transpose_lhs_hint = false} : vector<5120x4xf32>, vector<4x64xf32>, vector<5120x64xf32> -> vector<5120x64xf32>
    %mul3A_54 = arith.mulf %max3A_38, %dot_general3A_53 : vector<5120x64xf32>
    %get3A_55 = arith.constant 0 : index
    %get3A_56 = arith.constant 0 : index
    %get3A_57 = vector.load %arg13[%get3A_55, %get3A_56] : memref<64x1xf32, #tpu.memory_space<vmem>>, vector<64x1xf32>
    %dot_general3A_58 = arith.constant dense<0.000000e+00> : vector<5120x1xf32>
    %dot_general3A_59 = tpu.matmul %mul3A_54, %get3A_57, %dot_general3A_58 {dimension_numbers = #tpu.dot_dimension_numbers<[1], [0], [0], [1], [0, 0, 1, 1], [], []>, transpose_lhs_hint = false} : vector<5120x64xf32>, vector<64x1xf32>, vector<5120x1xf32> -> vector<5120x1xf32>
    %get3A_60 = arith.constant 0 : index
    %get3A_61 = arith.constant 0 : index
    %get3A_62 = vector.load %arg12[%get3A_60, %get3A_61] : memref<4x1xf32, #tpu.memory_space<vmem>>, vector<4x1xf32>
    %dot_general3A_63 = arith.constant dense<0.000000e+00> : vector<5120x1xf32>
    %dot_general3A_64 = tpu.matmul %select_n3A, %get3A_62, %dot_general3A_63 {dimension_numbers = #tpu.dot_dimension_numbers<[1], [0], [0], [1], [0, 0, 1, 1], [], []>, transpose_lhs_hint = false} : vector<5120x4xf32>, vector<4x1xf32>, vector<5120x1xf32> -> vector<5120x1xf32>
    %add3A_65 = arith.addf %dot_general3A_59, %dot_general3A_64 : vector<5120x1xf32>
    %squeeze3A = vector.shape_cast %add3A_65 : vector<5120x1xf32> to vector<5120xf32>
    %swap3A = arith.constant 0 : index
    %swap3A_66 = vector.load %arg14[%swap3A] : memref<5120xf32, #tpu.memory_space<vmem>>, vector<5120xf32>
    tpu.vector_store %arg14[%swap3A], %squeeze3A {strides = array<i32>} : memref<5120xf32, #tpu.memory_space<vmem>>, vector<5120xf32>,
    return
  }
  func.func @transform_0(%arg0: i32) -> (i32, i32) {
    %c0_i32 = arith.constant 0 : i32
    %c0_i32_0 = arith.constant 0 : i32
    return %arg0, %c0_i32 : i32, i32
  }
  func.func @transform_1(%arg0: i32) -> (i32, i32) {
    %c0_i32 = arith.constant 0 : i32
    %c0_i32_0 = arith.constant 0 : i32
    return %arg0, %c0_i32 : i32, i32
  }
  func.func @transform_2(%arg0: i32) -> (i32, i32) {
    %c0_i32 = arith.constant 0 : i32
    %c0_i32_0 = arith.constant 0 : i32
    return %arg0, %c0_i32 : i32, i32
  }
  func.func @transform_3(%arg0: i32) -> (i32, i32) {
    %c0_i32 = arith.constant 0 : i32
    %c0_i32_0 = arith.constant 0 : i32
    return %arg0, %c0_i32 : i32, i32
  }
  func.func @transform_4(%arg0: i32) -> (i32, i32) {
    %c0_i32 = arith.constant 0 : i32
    %c0_i32_0 = arith.constant 0 : i32
    %c0_i32_1 = arith.constant 0 : i32
    return %c0_i32, %c0_i32_0 : i32, i32
  }
  func.func @transform_5(%arg0: i32) -> (i32, i32) {
    %c0_i32 = arith.constant 0 : i32
    %c0_i32_0 = arith.constant 0 : i32
    %c0_i32_1 = arith.constant 0 : i32
    return %c0_i32, %c0_i32_0 : i32, i32
  }
  func.func @transform_6(%arg0: i32) -> (i32, i32) {
    %c0_i32 = arith.constant 0 : i32
    %c0_i32_0 = arith.constant 0 : i32
    %c0_i32_1 = arith.constant 0 : i32
    return %c0_i32, %c0_i32_0 : i32, i32
  }
  func.func @transform_7(%arg0: i32) -> (i32, i32) {
    %c0_i32 = arith.constant 0 : i32
    %c0_i32_0 = arith.constant 0 : i32
    %c0_i32_1 = arith.constant 0 : i32
    return %c0_i32, %c0_i32_0 : i32, i32
  }
  func.func @transform_8(%arg0: i32) -> (i32, i32) {
    %c0_i32 = arith.constant 0 : i32
    %c0_i32_0 = arith.constant 0 : i32
    %c0_i32_1 = arith.constant 0 : i32
    return %c0_i32, %c0_i32_0 : i32, i32
  }
  func.func @transform_9(%arg0: i32) -> (i32, i32) {
    %c0_i32 = arith.constant 0 : i32
    %c0_i32_0 = arith.constant 0 : i32
    %c0_i32_1 = arith.constant 0 : i32
    return %c0_i32, %c0_i32_0 : i32, i32
  }
  func.func @transform_10(%arg0: i32) -> (i32, i32) {
    %c0_i32 = arith.constant 0 : i32
    %c0_i32_0 = arith.constant 0 : i32
    %c0_i32_1 = arith.constant 0 : i32
    return %c0_i32, %c0_i32_0 : i32, i32
  }
  func.func @transform_11(%arg0: i32) -> (i32, i32) {
    %c0_i32 = arith.constant 0 : i32
    %c0_i32_0 = arith.constant 0 : i32
    %c0_i32_1 = arith.constant 0 : i32
    return %c0_i32, %c0_i32_0 : i32, i32
  }
  func.func @transform_12(%arg0: i32) -> (i32, i32) {
    %c0_i32 = arith.constant 0 : i32
    %c0_i32_0 = arith.constant 0 : i32
    %c0_i32_1 = arith.constant 0 : i32
    return %c0_i32, %c0_i32_0 : i32, i32
  }
  func.func @transform_13(%arg0: i32) -> i32 {
    %c0_i32 = arith.constant 0 : i32
    return %arg0 : i32
  }
}

</mosaic_0001>

<sc_bundles>
// kernel: kernel.10.cloned.1.call-start
scs
__scs_entry_jumppad:
0x0: {  	(pc) =	sbr.rel $0x88, $3  }
0x1: {  	(tag) =	ssettag $0x0;
	lr =	simm.s32 $0x1  }
0x2: {  	[smem:$0x3F92] =	sst lr;
	_ =	strace $0xD0000000  }
0x3: {  	_ = 	snop  }
0x4: {  	_ = 	snop  }
0x5: {  	_ = 	snop  }
0x6: {  	_ = 	snop  }
0x7: {  	_ = 	snop  }
__scs_overlays_trampoline_lowered:
0x8: {  	[smem:$0x3FA1] =	sst s0  }
0x9: {  	[smem:$0x3FA2] =	sst s1  }
0xa: {  	[smem:$0x3FA3] =	sst s2  }
0xb: {  	[smem:$0x3FA4] =	sst s3  }
0xc: {  	[smem:$0x3FA5] =	sst s4  }
0xd: {  	[smem:$0x3FA6] =	sst s5  }
0xe: {  	[smem:$0x3FA7] =	sst s6  }
0xf: {  	[smem:$0x3FA8] =	sst s7  }
0x10: {  	[smem:$0x3FA9] =	sst s8  }
0x11: {  	[smem:$0x3FAA] =	sst s9;
	s0 =	simm.s32 @!p0 $0x0  }
0x12: {  	s1 =	sld [smem:$0x3F90];
	s0 =	simm.s32 @p0 $0x1  }
0x13: {  	[smem:$0x3FAB] =	sst s0;
	s0 =	simm.s32 @!p1 $0x0  }
0x14: {  	s2 =	sld [smem:$0x3F8F];
	s0 =	simm.s32 @p1 $0x1  }
0x15: {  	[smem:$0x3FAC] =	sst s0;
	s0 =	simm.s32 @!p2 $0x0  }
0x16: {  	s3 =	sld [smem:$0x3FDB];
	s0 =	simm.s32 @p2 $0x1  }
0x17: {  	s4 =	simm.s32 $0x1BF5;
	[smem:$0x3FAE] =	sst s0  }
0x18: {  	s0 =	sld [smem:$0x3F91];
	_ =	swait.ge [sflag:s4], $0x0  }
0x19: {  	s7 =	sld [smem:$0x3F92]  }
0x1a: {  	s8 =	sadd.s32 $0xFFFFE003, lr  }
0x1b: {  	s9 =	sadd.s32 $0xFFFFFEF7, lr;
	s5 =	simm.s32 $0xFFFFFFFF;
	p2 =	slt.u32 s8, $0xFFFFF086  }
0x1c: {  	p1 =	slt.u32 s9, $0xF7A;
	s5 =	simm.s32 @!p2 $0x0  }
0x1d: {  	s5 =	simm.s32 @p1 $0x1;
	p0 =	seq.s32 s7, s2  }
0x1e: {  	s7 =	smul.u32 @!p0 $0xF7A, s2;
	p2 =	seq.s32 @!p0 s5, $0x0  }
0x1f: {  	s9 =	smul.u32 $0xF7A, s1;
	s8 =	simm.s32 @!p0 $0x1BF5;
	p2 =	por !p2, p0  }
0x20: {  	[sflag:s8] =	ssyncset.s32 @!p0 $0xFFFFF086;
	s6 =	sadd.s32 @!p0 s3, s7;
	s7 =	simm.s32 @!p0 $0x108  }
0x21: {  	s3 =	sadd.s32 s3, s9;
	s6 =	sadd.s32 @!p0 $0x88, s6;
	s7 =	simm.s32 @p2 $0x1082  }
0x22: {  	[simem:s7], [sflag:s8] =	dma.local @!p0 [hbm:s6], $0xF7A  }
0x23: {  	s9 =	sor.u32 $0xD0000000, s2;
	s6 =	simm.s32 $0x108;
	_ =	swait.ge @!p0 [sflag:s8], $0x0  }
0x24: {  	s3 =	sadd.s32 $0x88, s3;
	s6 =	simm.s32 @!p1 $0x1082;
	[sflag:s4] =	ssyncset.s32 $0xFFFFF086  }
0x25: {  	[simem:s6], [sflag:s4] =	dma.local [hbm:s3], $0xF7A  }
0x26: {  	[smem:$0x3F92] =	sst s1;
	(tag) =	ssettag s2;
	_ =	strace s9  }
0x27: {  	s1 =	sld [smem:$0x3FA2]  }
0x28: {  	s2 =	sld [smem:$0x3FA3]  }
0x29: {  	s4 =	sld [smem:$0x3FA5]  }
0x2a: {  	p0 =	seq.s32 s5, $0x0;
	s5 =	sld [smem:$0x3FA6]  }
0x2b: {  	s6 =	sld [smem:$0x3FA7]  }
0x2c: {  	s7 =	sld [smem:$0x3FA8]  }
0x2d: {  	s3 =	simm.s32 $0x108;
	s8 =	sld [smem:$0x3FA9]  }
0x2e: {  	s3 =	simm.s32 @!p0 $0x1082;
	s9 =	sld [smem:$0x3FAA]  }
0x2f: {  	lr =	sadd.s32 s0, s3;
	s0 =	sld [smem:$0x3FA1]  }
0x30: {  	s3 =	sld [smem:$0x3FA4]  }
0x31: {  	[smem:$0x3FAD] =	sst s10  }
0x32: {  	s10 =	sld [smem:$0x3FAB];
	_ =	sdelay $0x3  }
0x33: {  	p0 =	seq.s32 s10, $0x1;
	s10 =	sld [smem:$0x3FAD];
	_ =	sdelay $0x3  }
0x34: {  	[smem:$0x3FAD] =	sst s10  }
0x35: {  	s10 =	sld [smem:$0x3FAC];
	_ =	sdelay $0x3  }
0x36: {  	p1 =	seq.s32 s10, $0x1;
	s10 =	sld [smem:$0x3FAD];
	_ =	sdelay $0x3  }
0x37: {  	[smem:$0x3FAD] =	sst s10  }
0x38: {  	s10 =	sld [smem:$0x3FAE]  }
0x39: {  	_ = 	snop;
	(pc) =	sbr.ind lr, $3  }
0x3a: {  	_ = 	snop  }
0x3b: {  	_ = 	snop  }
0x3c: {  	p2 =	seq.s32 s10, $0x1;
	s10 =	sld [smem:$0x3FAD]  }
0x3d: {  	_ =	shalt  }
0x3e: {  	_ =	shalt  }
0x3f: {  	_ =	shalt  }
0x40: {  	_ =	shalt  }
0x41: {  	_ =	shalt  }
0x42: {  	_ =	shalt  }
0x43: {  	_ =	shalt  }
0x44: {  	_ =	shalt  }
0x45: {  	_ =	shalt  }
0x46: {  	_ =	shalt  }
0x47: {  	_ =	shalt  }
0x48: {  	_ =	shalt  }
0x49: {  	_ =	shalt  }
0x4a: {  	_ =	shalt  }
0x4b: {  	_ =	shalt  }
0x4c: {  	_ =	shalt  }
0x4d: {  	_ =	shalt  }
0x4e: {  	_ =	shalt  }
0x4f: {  	_ =	shalt  }
0x50: {  	_ =	shalt  }
0x51: {  	_ =	shalt  }
0x52: {  	_ =	shalt  }
0x53: {  	_ =	shalt  }
0x54: {  	_ =	shalt  }
0x55: {  	_ =	shalt  }
0x56: {  	_ =	shalt  }
0x57: {  	_ =	shalt  }
0x58: {  	_ =	shalt  }
0x59: {  	_ =	shalt  }
0x5a: {  	_ =	shalt  }
0x5b: {  	_ =	shalt  }
0x5c: {  	_ =	shalt  }
0x5d: {  	_ =	shalt  }
0x5e: {  	_ =	shalt  }
0x5f: {  	_ =	shalt  }
0x60: {  	_ =	shalt  }
0x61: {  	_ =	shalt  }
0x62: {  	_ =	shalt  }
0x63: {  	_ =	shalt  }
0x64: {  	_ =	shalt  }
0x65: {  	_ =	shalt  }
0x66: {  	_ =	shalt  }
0x67: {  	_ =	shalt  }
0x68: {  	_ =	shalt  }
0x69: {  	_ =	shalt  }
0x6a: {  	_ =	shalt  }
0x6b: {  	_ =	shalt  }
0x6c: {  	_ =	shalt  }
0x6d: {  	_ =	shalt  }
0x6e: {  	_ =	shalt  }
0x6f: {  	_ =	shalt  }
0x70: {  	_ =	shalt  }
0x71: {  	_ =	shalt  }
0x72: {  	_ =	shalt  }
0x73: {  	_ =	shalt  }
0x74: {  	_ =	shalt  }
0x75: {  	_ =	shalt  }
0x76: {  	_ =	shalt  }
0x77: {  	_ =	shalt  }
0x78: {  	_ =	shalt  }
0x79: {  	_ =	shalt  }
0x7a: {  	_ =	shalt  }
0x7b: {  	_ =	shalt  }
0x7c: {  	_ =	shalt  }
0x7d: {  	_ =	shalt  }
0x7e: {  	_ =	shalt  }
0x7f: {  	_ =	shalt  }
0x80: {  	_ =	shalt  }
0x81: {  	_ =	shalt  }
0x82: {  	_ =	shalt  }
0x83: {  	_ =	shalt  }
0x84: {  	_ =	shalt  }
0x85: {  	_ =	shalt  }
0x86: {  	_ =	shalt  }
0x87: {  	_ =	shalt  }
.Lfunc_end0:
.L_simem_size_0:
called_computation_lowered:
.L_overlay_start_0:
0x88: {  	s2 =	sld [smem:$0x3FD9]  }
0x89: {  	s3 =	sld [smem:$0x3FFE];
	_ =	sdelay $0x1  }
0x8a: {  	s1 =	srdreg.scid  }
0x8b: {  	s0 =	sand.u32 $0x1, s1  }
0x8c: {  	s17 =	sshll.u32 s0, $0xA;
	s2 =	sadd.s32 s3, s2  }
0x8d: {  	s2 =	sadd.s32 s2, s17  }
0x8e: {  	[smem:$0x3FB9] =	sst s2  }
0x8f: {  	_ = 	snop  }
0x90: {  	s2 =	sld [smem:$0x3FD0];
	(tm) =	ssettm $0x1  }
0x91: {  	s18 =	sld [smem:$0x3FFB];
	_ =	sdelay $0x3  }
0x92: {  	_ =	strace s18  }
0x93: {  	s3 =	sld [smem:$0x3FFC];
	_ =	sdelay $0x3  }
0x94: {  	_ =	strace s3  }
0x95: {  	s3 =	sld [smem:$0x3FFD];
	_ =	sdelay $0x3  }
0x96: {  	_ =	strace s3  }
0x97: {  	_ =	strace $0x8FFFFFFF  }
0x98: {  	s19 =	sld [smem:$0x3FDB];
	_ =	sdelay $0x1  }
0x99: {  	s4 =	simm.s32 $_scs_section_size  }
0x9a: {  	s5 =	simm.s32 $_size__tile_overlayer_lowered;
	s6 =	simm.s32 $_tile_overlayer_lowered  }
0x9b: {  	s22 =	simm.s32 $0x1BFF;
	s21 =	sshll.u32 s6, $0x1;
	s3 =	sadd.s32 s4, s19  }
0x9c: {  	s7 =	simm.s32 $0x0;
	s20 =	sshll.u32 s5, $0x1;
	s5 =	sadd.s32 s21, s3  }
0x9d: {  	[timem:s7], [sflag:s22] =	dma.local [hbm:s5], s20  }
0x9e: {  	_ =	swait.ge [sflag:s22], s20  }
0x9f: {  	s4 =	ssub.s32 $0x0, s20;
	[sflag:s22] =	ssyncset.done $0x0  }
0xa0: {  	[sflag:s22] =	ssyncadd.s32 s4;
	_ =	sdelay $0x1  }
0xa1: {  	s23 =	simm.s32 $0x1B8B  }
0xa2: {  	_ =	swait.ge [sflag:s23], $0x1  }
0xa3: {  	[sflag:s23] =	ssyncset.done $0x0  }
0xa4: {  	s25 =	simm.s32 $0x1B8E;
	s24 =	sld [smem:$0x3FFE];
	[sflag:s23] =	ssyncadd.s32 $0xFFFFFFFF  }
0xa5: {  	s26 =	simm.s32 $execute0_lowered;
	[smem:$0x3FD2] =	sst s25  }
0xa6: {  	s5 =	sshll.u32 s26, $0x1;
	_ =	strace $0x80000046;
	[dreg:$0x1] =	wrdreg $0xFFFFFFFF  }
0xa7: {  	s28 =	simm.s32 $_size_execute0_lowered;
	s3 =	sadd.s32 s3, s5;
	[dreg:$0x0] =	wrdreg $0x0  }
0xa8: {  	s5 =	sshll.u32 s28, $0x1;
	[dreg:$0x2] =	wrdreg s3  }
0xa9: {  	[dreg:$0x3] =	wrdreg s5  }
0xaa: {  	[dreg:$0x4] =	wrdreg $0xC0  }
0xab: {  	_ =	task [dreg:s7], $0x5FFFF  }
0xac: {  	[dreg:$0x1] =	wrdreg $0xFFFFFFFF  }
0xad: {  	[dreg:$0x0] =	wrdreg $0x60  }
0xae: {  	[dreg:$0x2] =	wrdreg s24  }
0xaf: {  	[dreg:$0x3] =	wrdreg s2  }
0xb0: {  	[dreg:$0x4] =	wrdreg $0x2B000  }
0xb1: {  	[dreg:$0x5] =	wrdreg $0x9  }
0xb2: {  	_ =	task.clear_ibuf [dreg:s7], $0x6FFFF;
	_ =	strace $0x90000046  }
0xb3: {  	s29 =	simm.s32 $0x9;
	_ =	strace $0x80000048  }
0xb4: {  	_ =	swait.ge [sflag:s29], $0x1  }
0xb5: {  	[sflag:s29] =	ssyncadd.s32 $0xFFFFFFFF  }
0xb6: {  	_ =	strace $0x90000048  }
0xb7: {  	_ =	sfence  }
0xb8: {  	s30 =	sld [smem:$0x0];
	_ =	sdelay $0x2  }
0xb9: {  	s31 =	sshll.u32 s1, $0xD;
	s1 =	sshrl.u32 s1, $0x2  }
0xba: {  	s3 =	sand.u32 $0x4000, s31;
	s1 =	sadd.s32 s1, s30  }
0xbb: {  	s0 =	sor.u32 s3, s0;
	s1 =	sshll.u32 s1, $0x11  }
0xbc: {  	s0 =	sor.u32 s1, s0  }
0xbd: {  	s0 =	sadd.s32 $0x8F2B, s0  }
0xbe: {  	[sflag:s0] =	ssyncadd.remote.s32 $0x1  }
0xbf: {  	_ =	sfence.sel $0xFFFF  }
0xc0: {  	[dreg:$0x0] =	wrdreg $0xFFFFFFFF;
	(pc) =	sbr.abs _section_cstart, $3  }
0xc1: {  	[dreg:$0x1] =	wrdreg $0xFFFFFFFF  }
0xc2: {  	_ =	task.clear_ibuf [dreg:s7], $0x2FFFF;
	_ =	strace $0x9FFFFFFF  }
0xc3: {  	(tm) =	ssettm $0x7FFFFFFF  }
tec
execute0_lowered:
.L_overlay_start_1:
0x0: {  	(tag) =	ssettag $0x1  }
0x1: {  	s6 =	rddreg [dreg:$0x0]  }
0x2: {  	s7 =	rddreg [dreg:$0x1]  }
0x3: {  	s1 =	rddreg [dreg:$0x2];
	s2 =	srdreg.scid  }
0x4: {  	s0 =	rddreg [dreg:$0x3];
	s3 =	simm.s32 $0x0;
	s14 =	simm.s32 $0x0  }
0x5: {  	s4 =	sand.u32 $0x1, s2;
	[smem:$0x7FF] =	sst s3;
	s2 =	stileid.u32  }
0x6: {  	s12 =	sadd.s32 $0xDA00, s6;
	s5 =	ssub.s32 $0x2, s4;
	s9 =	smul.u32 $0x9C0, s2  }
0x7: {  	_ =	strace $0x80000047;
	s26 =	sshll.u32 s4, $0x4;
	s28 =	smul.u32 $0x270, s2  }
0x8: {  	s30 =	smul.u32 $0x2710, s4;
	p0 =	seq.s32 s2, $0xF;
	s8 =	sshrl.u32 s5, $0x1  }
0x9: {  	s11 =	sor.u32 s2, s26;
	s10 =	ssub.s32 s5, s8;
	s29 =	sshrl.u32 s9, $0x2  }
0xa: {  	s5 =	sadd.s32 $0x2490, s1;
	s11 =	smul.u32 $0x500, s11;
	s13 =	sadd.s32 s28, s30  }
0xb: {  	s9 =	sshrl.u32 s30, $0x3;
	s6 =	sadd.s32 s28, s1;
	s4 =	sadd.s32 s29, s1  }
0xc: {  	s31 =	sshrl.u32 s13, $0x3;
	s9 =	sadd.s32 s7, s9;
	s13 =	simm.s32 $0x2800  }
0xd: {  	s7 =	sadd.s32 s7, s31;
	s8 =	sadd.s32 $0x492, s9;
	s9 =	smax.u32 s10, $0x1  }
0xe: {  	v0 =	vimm.f32 $1.000000000e+00;
	v1 =	vimm.f32 $0.0e+00;
	s10 =	sadd.s32 s11, s12;
	s11 =	simm.s32 $0x1;
	s12 =	simm.s32 $0x7D  }
.LBB2_1:
0xf: {  	[tilespmem:$0x2800] =	vst v0  }
0x10: {  	[tilespmem:$0x2810] =	vst v0  }
0x11: {  	[tilespmem:$0x2820] =	vst v0  }
0x12: {  	[tilespmem:$0x2830] =	vst v0  }
0x13: {  	[tilespmem:$0x2840] =	vst v0  }
0x14: {  	[tilespmem:$0x2850] =	vst v0  }
0x15: {  	[tilespmem:$0x2860] =	vst v0  }
0x16: {  	[tilespmem:$0x2870] =	vst v0  }
0x17: {  	[tilespmem:$0x2880] =	vst v1  }
0x18: {  	[tilespmem:$0x2890] =	vst v1  }
0x19: {  	[tilespmem:$0x28A0] =	vst v1  }
0x1a: {  	[tilespmem:$0x28B0] =	vst v1  }
0x1b: {  	[tilespmem:$0x28C0] =	vst v1  }
0x1c: {  	[tilespmem:$0x28D0] =	vst v1  }
0x1d: {  	[tilespmem:$0x28E0] =	vst v1  }
0x1e: {  	[tilespmem:$0x28F0] =	vst v1  }
0x1f: {  	[tilespmem:$0x2900] =	vst v1  }
0x20: {  	[tilespmem:$0x2910] =	vst v1  }
0x21: {  	[tilespmem:$0x2920] =	vst v1  }
0x22: {  	[tilespmem:$0x2930] =	vst v1  }
0x23: {  	[tilespmem:$0x2940] =	vst v1  }
0x24: {  	[tilespmem:$0x2950] =	vst v1  }
0x25: {  	[tilespmem:$0x2960] =	vst v1  }
0x26: {  	[tilespmem:$0x2970] =	vst v1  }
0x27: {  	[tilespmem:$0x2980] =	vst v1  }
0x28: {  	[tilespmem:$0x2990] =	vst v1  }
0x29: {  	[tilespmem:$0x29A0] =	vst v1  }
0x2a: {  	[tilespmem:$0x29B0] =	vst v1  }
0x2b: {  	[tilespmem:$0x29C0] =	vst v1  }
0x2c: {  	[tilespmem:$0x29D0] =	vst v1  }
0x2d: {  	[tilespmem:$0x29E0] =	vst v1  }
0x2e: {  	[tilespmem:$0x29F0] =	vst v1  }
0x2f: {  	[tilespmem:$0x2A00] =	vst v1  }
0x30: {  	[tilespmem:$0x2A10] =	vst v1  }
0x31: {  	[tilespmem:$0x2A20] =	vst v1  }
0x32: {  	[tilespmem:$0x2A30] =	vst v1  }
0x33: {  	[tilespmem:$0x2A40] =	vst v1  }
0x34: {  	[tilespmem:$0x2A50] =	vst v1  }
0x35: {  	[tilespmem:$0x2A60] =	vst v1  }
0x36: {  	[tilespmem:$0x2A70] =	vst v1  }
0x37: {  	[tilespmem:$0x2A80] =	vst v1  }
0x38: {  	[tilespmem:$0x2A90] =	vst v1  }
0x39: {  	[tilespmem:$0x2AA0] =	vst v1  }
0x3a: {  	[tilespmem:$0x2AB0] =	vst v1  }
0x3b: {  	[tilespmem:$0x2AC0] =	vst v1  }
0x3c: {  	[tilespmem:$0x2AD0] =	vst v1  }
0x3d: {  	[tilespmem:$0x2AE0] =	vst v1  }
0x3e: {  	[tilespmem:$0x2AF0] =	vst v1;
	s15 =	simm.s32 @p0 $0x2880  }
0x3f: {  	[spmem:s5] =	stream.linear.scatter @p0 [tilespmem:s15], [sflag:$0x1], $0x280, $0x38;
	[tilespmem:$0x2D78] =	vst v63  }
0x40: {  	s15 =	simm.s32 @p0 $0x1  }
0x41: {  	_ =	swait.ge @p0 [sflag:s15], $0x280  }
0x42: {  	[sflag:s15] =	ssyncset.done @p0 $0x0  }
0x43: {  	[sflag:s15] =	ssyncadd.s32 @p0 $0xFFFFFD80;
	s15 =	simm.s32 @!p0 $0x2880  }
0x44: {  	[spmem:s4] =	stream.linear.scatter @!p0 [tilespmem:s15], [sflag:$0x1], $0x270, $0x38;
	[tilespmem:$0x2D78] =	vst v63  }
0x45: {  	s15 =	simm.s32 @!p0 $0x1  }
0x46: {  	_ =	swait.ge @!p0 [sflag:s15], $0x270  }
0x47: {  	[sflag:s15] =	ssyncset.done @!p0 $0x0  }
0x48: {  	[sflag:s15] =	ssyncadd.s32 @!p0 $0xFFFFFD90  }
0x49: {  	[tilespmem:s3], [sflag:$0x1] =	stream.linear.gather [hbm4b:s10+s3], $0x2800, $0x38;
	[tilespmem:$0x2D78] =	vst v63  }
0x4a: {  	_ =	swait.ge [sflag:s11], $0x2800  }
0x4b: {  	[sflag:s11] =	ssyncset.done $0x0  }
0x4c: {  	[sflag:s11] =	ssyncadd.s32 $0xFFFFD800  }
0x4d: {  	s31 =	simm.s32 $0x0;
	[bflag:$0x0] =	sbarrier.arrive $0xFFFF  }
0x4e: {  	[spmem:s1] =	stream.indirect.scatter.add.f32 [tilespmem:s13], [sflag:$0x1], $0x1, s31, s12, $0xb8;
	[tilespmem:$0x2D78] =	vst v63  }
0x4f: {  	_ =	swait.ge [sflag:s11], $0x7D  }
0x50: {  	s15 =	simm.s32 $0x200;
	[sflag:s11] =	ssyncset.done $0x0  }
.LBB2_2:
0x51: {  	s16 =	sshra.s32 s15, $0x2;
	[sflag:s11] =	ssyncadd.s32 $0xFFFFFF83;
	p1 =	sne.s32 s15, $0x9E00  }
0x52: {  	[spmem:s1] =	stream.indirect.scatter.add.f32 [tilespmem:s13], [sflag:$0x1], $0x1, s16, s12, $0xb8;
	[tilespmem:$0x2D78] =	vst v63  }
.Ltmp0:
0x53: {  	_ = 	snop;
	(pc) =	sbr.rel @p1 .LBB2_2-.Ltmp0, $4  }
0x54: {  	_ = 	snop  }
0x55: {  	s15 =	sadd.s32 $0x200, s15  }
0x56: {  	_ =	swait.ge [sflag:s11], $0x7D  }
0x57: {  	[sflag:s11] =	ssyncset.done $0x0  }
0x58: {  	[sflag:s11] =	ssyncadd.s32 $0xFFFFFF83  }
0x59: {  	s15 =	simm.s32 @p0 $0x2880;
	s16 =	simm.s32 @p0 $0x1;
	[bflag:$0x0] =	sbarrier.arrive $0xFFFF  }
0x5a: {  	[tilespmem:s15], [sflag:$0x1] =	stream.linear.gather @p0 [spmem:s5], $0x280, $0x38;
	[tilespmem:$0x2D78] =	vst v63  }
0x5b: {  	_ =	swait.ge @p0 [sflag:s16], $0x280  }
0x5c: {  	[sflag:s16] =	ssyncset.done @p0 $0x0  }
0x5d: {  	s17 =	simm.s32 @p0 $0x0;
	[sflag:s16] =	ssyncadd.s32 @p0 $0xFFFFFD80  }
0x5e: {  	[hbm4b:s8+s17] =	stream.linear.scatter @p0 [tilespmem:s15], [sflag:$0x1], $0x280, $0x38;
	[tilespmem:$0x2D78] =	vst v63  }
0x5f: {  	_ =	swait.ge @p0 [sflag:s16], $0x280  }
0x60: {  	[sflag:s16] =	ssyncset.done @p0 $0x0  }
0x61: {  	s15 =	simm.s32 @!p0 $0x2880;
	[sflag:s16] =	ssyncadd.s32 @p0 $0xFFFFFD80;
	s16 =	simm.s32 @!p0 $0x1  }
0x62: {  	[tilespmem:s15], [sflag:$0x1] =	stream.linear.gather @!p0 [spmem:s6], $0x270, $0x38;
	[tilespmem:$0x2D78] =	vst v63  }
0x63: {  	s14 =	sadd.s32 $0x1, s14;
	_ =	swait.ge @!p0 [sflag:s16], $0x270  }
0x64: {  	p1 =	sne.s32 s14, s9;
	[sflag:s16] =	ssyncset.done @!p0 $0x0  }
.Ltmp1:
0x65: {  	s17 =	simm.s32 @!p0 $0x0;
	[sflag:s16] =	ssyncadd.s32 @!p0 $0xFFFFFD90;
	(pc) =	sbr.rel @p1 .LBB2_1-.Ltmp1, $4  }
0x66: {  	[hbm4b:s7+s17] =	stream.linear.scatter @!p0 [tilespmem:s15], [sflag:$0x1], $0x270, $0x38;
	[tilespmem:$0x2D78] =	vst v63  }
0x67: {  	_ =	swait.ge @!p0 [sflag:s16], $0x270  }
0x68: {  	[sflag:s16] =	ssyncset.done @!p0 $0x0  }
0x69: {  	[sflag:s16] =	ssyncadd.s32 @!p0 $0xFFFFFD90  }
0x6a: {  	_ =	sfence.sel $0x180000  }
0x6b: {  	[bflag:$0x0] =	sbarrier.arrive $0xFFFF  }
0x6c: {  	p0 =	sne.s32 s2, $0x0;
	_ =	strace $0x90000047  }
0x6d: {  	s0 =	sadd.s32 @!p0 $0x100000, s0;
	[bflag:$0x2] =	sbarrier.arrive $0xFFFF  }
0x6e: {  	[sflag:s0] =	ssyncadd.tile.s32 @!p0 $0x1;
	_ =	shalt  }
.Lfunc_end2:
_tile_overlayer_lowered:
.L_overlay_start_2:
0x6f: {  	(tag) =	ssettag $0x2  }
0x70: {  	s0 =	rddreg [dreg:$0x0];
	s2 =	stileid.u32  }
0x71: {  	s1 =	rddreg [dreg:$0x1];
	p0 =	sne.s32 s2, $0x0  }
0x72: {  	s3 =	rddreg [dreg:$0x2];
	[bflag:$0x3] =	sbarrier.arrive $0xFFFF;
	s2 =	simm.s32 @!p0 $0x1C01  }
0x73: {  	[timem:s3], [sflag:s2] =	dma.local @!p0 [hbm:s0], s1  }
0x74: {  	s0 =	simm.s32 @!p0 $0x1  }
0x75: {  	_ =	swait.ge @!p0 [sflag:s0], s1  }
0x76: {  	s1 =	ssub.s32 @!p0 $0x0, s1;
	[sflag:s0] =	ssyncset.done @!p0 $0x0  }
0x77: {  	[sflag:s0] =	ssyncadd.s32 @!p0 s1  }
0x78: {  	[bflag:$0x3] =	sbarrier.arrive $0xFFFF  }
0x79: {  	_ =	shalt  }

// kernel: kernel.13.cloned.1.call-start
scs
__scs_entry_jumppad:
0x0: {  	(pc) =	sbr.rel $0x88, $3  }
0x1: {  	(tag) =	ssettag $0x0;
	lr =	simm.s32 $0x1  }
0x2: {  	[smem:$0x3F92] =	sst lr;
	_ =	strace $0xD0000000  }
0x3: {  	_ = 	snop  }
0x4: {  	_ = 	snop  }
0x5: {  	_ = 	snop  }
0x6: {  	_ = 	snop  }
0x7: {  	_ = 	snop  }
__scs_overlays_trampoline_lowered:
0x8: {  	[smem:$0x3FA1] =	sst s0  }
0x9: {  	[smem:$0x3FA2] =	sst s1  }
0xa: {  	[smem:$0x3FA3] =	sst s2  }
0xb: {  	[smem:$0x3FA4] =	sst s3  }
0xc: {  	[smem:$0x3FA5] =	sst s4  }
0xd: {  	[smem:$0x3FA6] =	sst s5  }
0xe: {  	[smem:$0x3FA7] =	sst s6  }
0xf: {  	[smem:$0x3FA8] =	sst s7  }
0x10: {  	[smem:$0x3FA9] =	sst s8  }
0x11: {  	[smem:$0x3FAA] =	sst s9;
	s0 =	simm.s32 @!p0 $0x0  }
0x12: {  	s1 =	sld [smem:$0x3F90];
	s0 =	simm.s32 @p0 $0x1  }
0x13: {  	[smem:$0x3FAB] =	sst s0;
	s0 =	simm.s32 @!p1 $0x0  }
0x14: {  	s2 =	sld [smem:$0x3F8F];
	s0 =	simm.s32 @p1 $0x1  }
0x15: {  	[smem:$0x3FAC] =	sst s0;
	s0 =	simm.s32 @!p2 $0x0  }
0x16: {  	s3 =	sld [smem:$0x3FDB];
	s0 =	simm.s32 @p2 $0x1  }
0x17: {  	s4 =	simm.s32 $0x1BF5;
	[smem:$0x3FAE] =	sst s0  }
0x18: {  	s0 =	sld [smem:$0x3F91];
	_ =	swait.ge [sflag:s4], $0x0  }
0x19: {  	s7 =	sld [smem:$0x3F92]  }
0x1a: {  	s8 =	sadd.s32 $0xFFFFE003, lr  }
0x1b: {  	s9 =	sadd.s32 $0xFFFFFEF7, lr;
	s5 =	simm.s32 $0xFFFFFFFF;
	p2 =	slt.u32 s8, $0xFFFFF086  }
0x1c: {  	p1 =	slt.u32 s9, $0xF7A;
	s5 =	simm.s32 @!p2 $0x0  }
0x1d: {  	s5 =	simm.s32 @p1 $0x1;
	p0 =	seq.s32 s7, s2  }
0x1e: {  	s7 =	smul.u32 @!p0 $0xF7A, s2;
	p2 =	seq.s32 @!p0 s5, $0x0  }
0x1f: {  	s9 =	smul.u32 $0xF7A, s1;
	s8 =	simm.s32 @!p0 $0x1BF5;
	p2 =	por !p2, p0  }
0x20: {  	[sflag:s8] =	ssyncset.s32 @!p0 $0xFFFFF086;
	s6 =	sadd.s32 @!p0 s3, s7;
	s7 =	simm.s32 @!p0 $0x108  }
0x21: {  	s3 =	sadd.s32 s3, s9;
	s6 =	sadd.s32 @!p0 $0x88, s6;
	s7 =	simm.s32 @p2 $0x1082  }
0x22: {  	[simem:s7], [sflag:s8] =	dma.local @!p0 [hbm:s6], $0xF7A  }
0x23: {  	s9 =	sor.u32 $0xD0000000, s2;
	s6 =	simm.s32 $0x108;
	_ =	swait.ge @!p0 [sflag:s8], $0x0  }
0x24: {  	s3 =	sadd.s32 $0x88, s3;
	s6 =	simm.s32 @!p1 $0x1082;
	[sflag:s4] =	ssyncset.s32 $0xFFFFF086  }
0x25: {  	[simem:s6], [sflag:s4] =	dma.local [hbm:s3], $0xF7A  }
0x26: {  	[smem:$0x3F92] =	sst s1;
	(tag) =	ssettag s2;
	_ =	strace s9  }
0x27: {  	s1 =	sld [smem:$0x3FA2]  }
0x28: {  	s2 =	sld [smem:$0x3FA3]  }
0x29: {  	s4 =	sld [smem:$0x3FA5]  }
0x2a: {  	p0 =	seq.s32 s5, $0x0;
	s5 =	sld [smem:$0x3FA6]  }
0x2b: {  	s6 =	sld [smem:$0x3FA7]  }
0x2c: {  	s7 =	sld [smem:$0x3FA8]  }
0x2d: {  	s3 =	simm.s32 $0x108;
	s8 =	sld [smem:$0x3FA9]  }
0x2e: {  	s3 =	simm.s32 @!p0 $0x1082;
	s9 =	sld [smem:$0x3FAA]  }
0x2f: {  	lr =	sadd.s32 s0, s3;
	s0 =	sld [smem:$0x3FA1]  }
0x30: {  	s3 =	sld [smem:$0x3FA4]  }
0x31: {  	[smem:$0x3FAD] =	sst s10  }
0x32: {  	s10 =	sld [smem:$0x3FAB];
	_ =	sdelay $0x3  }
0x33: {  	p0 =	seq.s32 s10, $0x1;
	s10 =	sld [smem:$0x3FAD];
	_ =	sdelay $0x3  }
0x34: {  	[smem:$0x3FAD] =	sst s10  }
0x35: {  	s10 =	sld [smem:$0x3FAC];
	_ =	sdelay $0x3  }
0x36: {  	p1 =	seq.s32 s10, $0x1;
	s10 =	sld [smem:$0x3FAD];
	_ =	sdelay $0x3  }
0x37: {  	[smem:$0x3FAD] =	sst s10  }
0x38: {  	s10 =	sld [smem:$0x3FAE]  }
0x39: {  	_ = 	snop;
	(pc) =	sbr.ind lr, $3  }
0x3a: {  	_ = 	snop  }
0x3b: {  	_ = 	snop  }
0x3c: {  	p2 =	seq.s32 s10, $0x1;
	s10 =	sld [smem:$0x3FAD]  }
0x3d: {  	_ =	shalt  }
0x3e: {  	_ =	shalt  }
0x3f: {  	_ =	shalt  }
0x40: {  	_ =	shalt  }
0x41: {  	_ =	shalt  }
0x42: {  	_ =	shalt  }
0x43: {  	_ =	shalt  }
0x44: {  	_ =	shalt  }
0x45: {  	_ =	shalt  }
0x46: {  	_ =	shalt  }
0x47: {  	_ =	shalt  }
0x48: {  	_ =	shalt  }
0x49: {  	_ =	shalt  }
0x4a: {  	_ =	shalt  }
0x4b: {  	_ =	shalt  }
0x4c: {  	_ =	shalt  }
0x4d: {  	_ =	shalt  }
0x4e: {  	_ =	shalt  }
0x4f: {  	_ =	shalt  }
0x50: {  	_ =	shalt  }
0x51: {  	_ =	shalt  }
0x52: {  	_ =	shalt  }
0x53: {  	_ =	shalt  }
0x54: {  	_ =	shalt  }
0x55: {  	_ =	shalt  }
0x56: {  	_ =	shalt  }
0x57: {  	_ =	shalt  }
0x58: {  	_ =	shalt  }
0x59: {  	_ =	shalt  }
0x5a: {  	_ =	shalt  }
0x5b: {  	_ =	shalt  }
0x5c: {  	_ =	shalt  }
0x5d: {  	_ =	shalt  }
0x5e: {  	_ =	shalt  }
0x5f: {  	_ =	shalt  }
0x60: {  	_ =	shalt  }
0x61: {  	_ =	shalt  }
0x62: {  	_ =	shalt  }
0x63: {  	_ =	shalt  }
0x64: {  	_ =	shalt  }
0x65: {  	_ =	shalt  }
0x66: {  	_ =	shalt  }
0x67: {  	_ =	shalt  }
0x68: {  	_ =	shalt  }
0x69: {  	_ =	shalt  }
0x6a: {  	_ =	shalt  }
0x6b: {  	_ =	shalt  }
0x6c: {  	_ =	shalt  }
0x6d: {  	_ =	shalt  }
0x6e: {  	_ =	shalt  }
0x6f: {  	_ =	shalt  }
0x70: {  	_ =	shalt  }
0x71: {  	_ =	shalt  }
0x72: {  	_ =	shalt  }
0x73: {  	_ =	shalt  }
0x74: {  	_ =	shalt  }
0x75: {  	_ =	shalt  }
0x76: {  	_ =	shalt  }
0x77: {  	_ =	shalt  }
0x78: {  	_ =	shalt  }
0x79: {  	_ =	shalt  }
0x7a: {  	_ =	shalt  }
0x7b: {  	_ =	shalt  }
0x7c: {  	_ =	shalt  }
0x7d: {  	_ =	shalt  }
0x7e: {  	_ =	shalt  }
0x7f: {  	_ =	shalt  }
0x80: {  	_ =	shalt  }
0x81: {  	_ =	shalt  }
0x82: {  	_ =	shalt  }
0x83: {  	_ =	shalt  }
0x84: {  	_ =	shalt  }
0x85: {  	_ =	shalt  }
0x86: {  	_ =	shalt  }
0x87: {  	_ =	shalt  }
.Lfunc_end0:
.L_simem_size_0:
called_computation.1_lowered:
.L_overlay_start_0:
0x88: {  	s2 =	sld [smem:$0x3FD9]  }
0x89: {  	s3 =	sld [smem:$0x3FFE];
	_ =	sdelay $0x1  }
0x8a: {  	s1 =	srdreg.scid  }
0x8b: {  	s0 =	sand.u32 $0x1, s1  }
0x8c: {  	s16 =	sshll.u32 s0, $0xA;
	s2 =	sadd.s32 s3, s2  }
0x8d: {  	s2 =	sadd.s32 s2, s16  }
0x8e: {  	[smem:$0x3FB9] =	sst s2  }
0x8f: {  	_ = 	snop  }
0x90: {  	(tm) =	ssettm $0x1  }
0x91: {  	s17 =	sld [smem:$0x3FFB];
	_ =	sdelay $0x3  }
0x92: {  	_ =	strace s17  }
0x93: {  	s2 =	sld [smem:$0x3FFC];
	_ =	sdelay $0x3  }
0x94: {  	_ =	strace s2  }
0x95: {  	s2 =	sld [smem:$0x3FFD];
	_ =	sdelay $0x3  }
0x96: {  	_ =	strace s2  }
0x97: {  	_ =	strace $0x8FFFFFFF  }
0x98: {  	s18 =	sld [smem:$0x3FDB];
	_ =	sdelay $0x1  }
0x99: {  	s19 =	simm.s32 $_scs_section_size  }
0x9a: {  	s4 =	simm.s32 $_size__tile_overlayer_lowered;
	s5 =	simm.s32 $_tile_overlayer_lowered  }
0x9b: {  	s22 =	simm.s32 $0x1BFF;
	s21 =	sshll.u32 s5, $0x1;
	s2 =	sadd.s32 s19, s18  }
0x9c: {  	s6 =	simm.s32 $0x0;
	s20 =	sshll.u32 s4, $0x1;
	s4 =	sadd.s32 s21, s2  }
0x9d: {  	[timem:s6], [sflag:s22] =	dma.local [hbm:s4], s20  }
0x9e: {  	_ =	swait.ge [sflag:s22], s20  }
0x9f: {  	s3 =	ssub.s32 $0x0, s20;
	[sflag:s22] =	ssyncset.done $0x0  }
0xa0: {  	[sflag:s22] =	ssyncadd.s32 s3;
	_ =	sdelay $0x1  }
0xa1: {  	s23 =	simm.s32 $0x1B8B  }
0xa2: {  	_ =	swait.ge [sflag:s23], $0x1  }
0xa3: {  	[sflag:s23] =	ssyncset.done $0x0  }
0xa4: {  	s25 =	simm.s32 $0x1B8E;
	s24 =	sld [smem:$0x3FFE];
	[sflag:s23] =	ssyncadd.s32 $0xFFFFFFFF  }
0xa5: {  	s26 =	simm.s32 $execute0_lowered;
	[smem:$0x3FD2] =	sst s25  }
0xa6: {  	s4 =	sshll.u32 s26, $0x1;
	_ =	strace $0x80000049;
	[dreg:$0x1] =	wrdreg $0xFFFFFFFF  }
0xa7: {  	s28 =	simm.s32 $_size_execute0_lowered;
	s2 =	sadd.s32 s2, s4;
	[dreg:$0x0] =	wrdreg $0x0  }
0xa8: {  	s4 =	sshll.u32 s28, $0x1;
	[dreg:$0x2] =	wrdreg s2  }
0xa9: {  	[dreg:$0x3] =	wrdreg s4  }
0xaa: {  	[dreg:$0x4] =	wrdreg $0xC0  }
0xab: {  	_ =	task [dreg:s6], $0x5FFFF  }
0xac: {  	[dreg:$0x1] =	wrdreg $0xFFFFFFFF  }
0xad: {  	[dreg:$0x0] =	wrdreg $0x60  }
0xae: {  	[dreg:$0x2] =	wrdreg s24  }
0xaf: {  	[dreg:$0x3] =	wrdreg $0x90000  }
0xb0: {  	[dreg:$0x4] =	wrdreg $0x9  }
0xb1: {  	_ =	task.clear_ibuf [dreg:s6], $0x5FFFF;
	_ =	strace $0x90000049  }
0xb2: {  	s29 =	simm.s32 $0x9;
	_ =	strace $0x8000004B  }
0xb3: {  	_ =	swait.ge [sflag:s29], $0x1  }
0xb4: {  	[sflag:s29] =	ssyncadd.s32 $0xFFFFFFFF  }
0xb5: {  	_ =	strace $0x9000004B  }
0xb6: {  	_ =	sfence  }
0xb7: {  	s30 =	sld [smem:$0x0];
	_ =	sdelay $0x2  }
0xb8: {  	s31 =	sshll.u32 s1, $0xD;
	s1 =	sshrl.u32 s1, $0x2  }
0xb9: {  	s3 =	sand.u32 $0x4000, s31;
	s1 =	sadd.s32 s1, s30  }
0xba: {  	s0 =	sor.u32 s3, s0;
	s1 =	sshll.u32 s1, $0x11  }
0xbb: {  	s0 =	sor.u32 s1, s0  }
0xbc: {  	s0 =	sadd.s32 $0x8F2B, s0  }
0xbd: {  	[sflag:s0] =	ssyncadd.remote.s32 $0x1  }
0xbe: {  	_ =	sfence.sel $0xFFFF  }
0xbf: {  	[dreg:$0x0] =	wrdreg $0xFFFFFFFF;
	(pc) =	sbr.abs _section_cstart, $3  }
0xc0: {  	[dreg:$0x1] =	wrdreg $0xFFFFFFFF  }
0xc1: {  	_ =	task.clear_ibuf [dreg:s6], $0x2FFFF;
	_ =	strace $0x9FFFFFFF  }
0xc2: {  	(tm) =	ssettm $0x7FFFFFFF  }
0xc3: {  	_ =	shalt  }
tec
execute0_lowered:
.L_overlay_start_1:
0x0: {  	(tag) =	ssettag $0x1  }
0x1: {  	s0 =	rddreg [dreg:$0x0]  }
0x2: {  	s1 =	srdreg.scid;
	s2 =	rddreg [dreg:$0x1]  }
0x3: {  	s13 =	stileid.u32;
	s3 =	simm.s32 $0x0;
	s19 =	simm.s32 $0x80  }
0x4: {  	s20 =	simm.s32 $0x100;
	s22 =	simm.s32 $0x880;
	s23 =	simm.s32 $0x180  }
0x5: {  	s24 =	simm.s32 $0x900;
	s25 =	simm.s32 $0x200;
	s26 =	simm.s32 $0x980  }
0x6: {  	s14 =	simm.s32 $0x800;
	[smem:$0x7FF] =	sst s3;
	s17 =	sadd.s32 $0x63500, s0  }
0x7: {  	s15 =	simm.s32 $0x7D;
	_ =	strace $0x8000004A;
	[dreg:$0x13] =	wrdreg s17  }
0x8: {  	s28 =	simm.s32 $0xD00;
	s29 =	simm.s32 $0x600;
	[dreg:$0x5] =	wrdreg s19  }
0x9: {  	s30 =	simm.s32 $0xD80;
	s5 =	smul.u32 $0x2800, s13;
	[dreg:$0x6] =	wrdreg s20  }
0xa: {  	s31 =	simm.s32 $0x680;
	s6 =	smul.u32 $0x2700, s13;
	[dreg:$0x7] =	wrdreg s22  }
0xb: {  	s1 =	sand.u32 $0x1, s1;
	s7 =	smul.u32 $0x4E000, s13;
	[dreg:$0x8] =	wrdreg s23  }
0xc: {  	s11 =	smul.u32 $0x13800, s13;
	s12 =	sadd.s32 $0x65E00, s0;
	[dreg:$0x9] =	wrdreg s24  }
0xd: {  	p0 =	seq.s32 s13, $0xF;
	s4 =	smul.u32 $0x28000, s1;
	[dreg:$0xa] =	wrdreg s25  }
0xe: {  	s9 =	ssub.s32 $0x2, s1;
	s1 =	smul.u32 $0x138800, s1;
	[dreg:$0xb] =	wrdreg s26  }
0xf: {  	s17 =	simm.s32 $0x5000;
	s19 =	simm.s32 $0x2;
	s20 =	simm.s32 $0x400  }
0x10: {  	s22 =	simm.s32 $0x480;
	s23 =	simm.s32 $0xC00;
	s24 =	simm.s32 $0x500  }
0x11: {  	s25 =	simm.s32 $0xC80;
	s26 =	simm.s32 $0x580;
	s6 =	sadd.s32 s6, s0  }
0x12: {  	s10 =	sshrl.u32 s9, $0x1;
	s7 =	sshrl.u32 s7, $0x2;
	s5 =	sadd.s32 s5, s4  }
0x13: {  	s4 =	sadd.s32 $0x17A00, s0;
	s9 =	ssub.s32 s9, s10;
	s7 =	sadd.s32 s7, s2  }
0x14: {  	s6 =	sadd.s32 $0x3EC00, s6;
	s16 =	sadd.s32 s11, s1;
	s10 =	sadd.s32 $0x124800, s2  }
0x15: {  	s1 =	sshrl.u32 s1, $0x3;
	[dreg:$0x12] =	wrdreg s6;
	s21 =	smax.u32 s9, $0x1  }
0x16: {  	s11 =	sshrl.u32 @!p0 s7, $0x3;
	s7 =	simm.s32 $0xA80;
	[dreg:$0x16] =	wrdreg s21  }
0x17: {  	s5 =	sshrl.u32 s5, $0x3;
	s9 =	simm.s32 $0xB00;
	[dreg:$0xf] =	wrdreg s7  }
0x18: {  	s6 =	sshrl.u32 s16, $0x3;
	s1 =	sadd.s32 s12, s1;
	[dreg:$0x11] =	wrdreg s9  }
0x19: {  	s16 =	simm.s32 $0x1000;
	s6 =	sadd.s32 s12, s6;
	[dreg:$0x19] =	wrdreg s11  }
0x1a: {  	s8 =	sadd.s32 s5, s0;
	s1 =	sadd.s32 $0x24900, s1;
	[dreg:$0x14] =	wrdreg s6  }
0x1b: {  	s0 =	sadd.s32 $0xDA00, s0;
	s18 =	sadd.s32 $0x3A00, s8;
	[dreg:$0x15] =	wrdreg s1  }
0x1c: {  	s21 =	simm.s32 $0xB80;
	s0 =	sadd.s32 s0, s5;
	[dreg:$0x3] =	wrdreg s18  }
0x1d: {  	s7 =	simm.s32 $0xF00;
	s1 =	sshrl.u32 @p0 s10, $0x3;
	[dreg:$0x4] =	wrdreg s0  }
0x1e: {  	s5 =	simm.s32 $0xA00;
	s6 =	simm.s32 $0x300;
	[dreg:$0x17] =	wrdreg s1  }
0x1f: {  	s8 =	simm.s32 $0x380;
	s10 =	simm.s32 $0x0;
	[dreg:$0xd] =	wrdreg s5  }
0x20: {  	s1 =	sshll.u32 @!p0 s13, $0x6;
	s13 =	simm.s32 $0x3;
	[dreg:$0xe] =	wrdreg s6  }
0x21: {  	[dreg:$0x10] =	wrdreg s8;
	s18 =	simm.s32 $0x1;
	s0 =	simm.s32 $0xE00  }
0x22: {  	[dreg:$0x1a] =	wrdreg s10;
	s12 =	sor.u32 @!p0 $0x1C03, s1;
	s1 =	simm.s32 $0x280  }
0x23: {  	s5 =	simm.s32 $0xE80;
	s6 =	simm.s32 $0x780;
	[dreg:$0xc] =	wrdreg s1  }
0x24: {  	s8 =	simm.s32 $0xF80;
	s1 =	simm.s32 $0x700;
	[dreg:$0x18] =	wrdreg s12  }
.LBB2_1:
0x25: {  	s9 =	rddreg [dreg:$0x13]  }
0x26: {  	s10 =	simm.s32 @p0 $0x1FC3;
	s12 =	rddreg [dreg:$0x17]  }
0x27: {  	[spmem:s12], [sflag:s10] =	dma.local @p0 [hbm:s9], $0x2800  }
0x28: {  	s10 =	simm.s32 @p0 $0x3  }
0x29: {  	_ =	swait.ge @p0 [sflag:s10], $0x2800  }
0x2a: {  	[sflag:s10] =	ssyncset.done @p0 $0x0;
	s9 =	rddreg [dreg:$0x12]  }
0x2b: {  	[sflag:s10] =	ssyncadd.s32 @p0 $0xFFFFD800;
	s10 =	rddreg [dreg:$0x18]  }
0x2c: {  	[spmem:s11], [sflag:s10] =	dma.local @!p0 [hbm:s9], $0x2700  }
0x2d: {  	s10 =	simm.s32 @!p0 $0x3  }
0x2e: {  	_ =	swait.ge @!p0 [sflag:s10], $0x2700  }
0x2f: {  	[sflag:s10] =	ssyncset.done @!p0 $0x0  }
0x30: {  	[sflag:s10] =	ssyncadd.s32 @!p0 $0xFFFFD900  }
0x31: {  	[bflag:$0x0] =	sbarrier.arrive $0xFFFF  }
0x32: {  	s9 =	rddreg [dreg:$0x3]  }
0x33: {  	s10 =	sadd.s32 $0x0, s9  }
0x34: {  	[tilespmem:s3], [sflag:$0x3] =	stream.linear.gather [hbm4b:s10+s3], $0x800, $0x38;
	[tilespmem:$0x1C880] =	vst v63  }
0x35: {  	_ =	swait.ge [sflag:s13], $0x800  }
0x36: {  	s11 =	rddreg [dreg:$0x4];
	[sflag:s13] =	ssyncset.done $0x0  }
0x37: {  	[sflag:s13] =	ssyncadd.s32 $0xFFFFF800;
	s10 =	sadd.s32 $0x0, s11  }
0x38: {  	[tilespmem:s14], [sflag:$0x3] =	stream.linear.gather [hbm4b:s10+s3], $0x800, $0x38;
	[tilespmem:$0x1C880] =	vst v63  }
0x39: {  	_ =	swait.ge [sflag:s13], $0x800  }
0x3a: {  	[sflag:s13] =	ssyncset.done $0x0  }
0x3b: {  	[sflag:s13] =	ssyncadd.s32 $0xFFFFF800  }
0x3c: {  	[tilespmem:s16], [sflag:$0x1] =	stream.indirect.gather [hbm4b:s4+s15], $0x80, s3, s15, $0xb8;
	[tilespmem:$0x1C880] =	vst v63  }
0x3d: {  	s12 =	rddreg [dreg:$0x5]  }
0x3e: {  	[tilespmem:s17], [sflag:$0x2] =	stream.indirect.gather [hbm4b:s4+s15], $0x80, s12, s15, $0xb8;
	[tilespmem:$0x1C880] =	vst v63  }
0x3f: {  	_ =	swait.ge [sflag:s18], $0x3E80  }
0x40: {  	[sflag:s18] =	ssyncset.done $0x0  }
0x41: {  	[sflag:s18] =	ssyncadd.s32 $0xFFFFC180  }
0x42: {  	[spmem:s2] =	stream.indirect.scatter.add.f32 [tilespmem:s16], [sflag:$0x3], $0x80, s14, s15, $0xb8;
	[tilespmem:$0x1C880] =	vst v63  }
0x43: {  	_ =	swait.ge [sflag:s13], $0x3E80  }
0x44: {  	[sflag:s13] =	ssyncset.done $0x0  }
0x45: {  	s9 =	rddreg [dreg:$0x6];
	[sflag:s13] =	ssyncadd.s32 $0xFFFFC180  }
0x46: {  	[tilespmem:s16], [sflag:$0x1] =	stream.indirect.gather [hbm4b:s4+s15], $0x80, s9, s15, $0xb8;
	[tilespmem:$0x1C880] =	vst v63  }
0x47: {  	_ =	swait.ge [sflag:s19], $0x3E80  }
0x48: {  	[sflag:s19] =	ssyncset.done $0x0  }
0x49: {  	s11 =	rddreg [dreg:$0x7];
	[sflag:s19] =	ssyncadd.s32 $0xFFFFC180  }
0x4a: {  	[spmem:s2] =	stream.indirect.scatter.add.f32 [tilespmem:s17], [sflag:$0x3], $0x80, s11, s15, $0xb8;
	[tilespmem:$0x1C880] =	vst v63  }
0x4b: {  	_ =	swait.ge [sflag:s13], $0x3E80  }
0x4c: {  	[sflag:s13] =	ssyncset.done $0x0  }
0x4d: {  	s12 =	rddreg [dreg:$0x8];
	[sflag:s13] =	ssyncadd.s32 $0xFFFFC180  }
0x4e: {  	[tilespmem:s17], [sflag:$0x2] =	stream.indirect.gather [hbm4b:s4+s15], $0x80, s12, s15, $0xb8;
	[tilespmem:$0x1C880] =	vst v63  }
0x4f: {  	_ =	swait.ge [sflag:s18], $0x3E80  }
0x50: {  	[sflag:s18] =	ssyncset.done $0x0  }
0x51: {  	s9 =	rddreg [dreg:$0x9];
	[sflag:s18] =	ssyncadd.s32 $0xFFFFC180  }
0x52: {  	[spmem:s2] =	stream.indirect.scatter.add.f32 [tilespmem:s16], [sflag:$0x3], $0x80, s9, s15, $0xb8;
	[tilespmem:$0x1C880] =	vst v63  }
0x53: {  	_ =	swait.ge [sflag:s13], $0x3E80  }
0x54: {  	[sflag:s13] =	ssyncset.done $0x0  }
0x55: {  	s11 =	rddreg [dreg:$0xa];
	[sflag:s13] =	ssyncadd.s32 $0xFFFFC180  }
0x56: {  	[tilespmem:s16], [sflag:$0x1] =	stream.indirect.gather [hbm4b:s4+s15], $0x80, s11, s15, $0xb8;
	[tilespmem:$0x1C880] =	vst v63  }
0x57: {  	_ =	swait.ge [sflag:s19], $0x3E80  }
0x58: {  	[sflag:s19] =	ssyncset.done $0x0  }
0x59: {  	s12 =	rddreg [dreg:$0xb];
	[sflag:s19] =	ssyncadd.s32 $0xFFFFC180  }
0x5a: {  	[spmem:s2] =	stream.indirect.scatter.add.f32 [tilespmem:s17], [sflag:$0x3], $0x80, s12, s15, $0xb8;
	[tilespmem:$0x1C880] =	vst v63  }
0x5b: {  	_ =	swait.ge [sflag:s13], $0x3E80  }
0x5c: {  	[sflag:s13] =	ssyncset.done $0x0  }
0x5d: {  	s9 =	rddreg [dreg:$0xc];
	[sflag:s13] =	ssyncadd.s32 $0xFFFFC180  }
0x5e: {  	[tilespmem:s17], [sflag:$0x2] =	stream.indirect.gather [hbm4b:s4+s15], $0x80, s9, s15, $0xb8;
	[tilespmem:$0x1C880] =	vst v63  }
0x5f: {  	_ =	swait.ge [sflag:s18], $0x3E80  }
0x60: {  	[sflag:s18] =	ssyncset.done $0x0  }
0x61: {  	s11 =	rddreg [dreg:$0xd];
	[sflag:s18] =	ssyncadd.s32 $0xFFFFC180  }
0x62: {  	[spmem:s2] =	stream.indirect.scatter.add.f32 [tilespmem:s16], [sflag:$0x3], $0x80, s11, s15, $0xb8;
	[tilespmem:$0x1C880] =	vst v63  }
0x63: {  	_ =	swait.ge [sflag:s13], $0x3E80  }
0x64: {  	[sflag:s13] =	ssyncset.done $0x0  }
0x65: {  	s12 =	rddreg [dreg:$0xe];
	[sflag:s13] =	ssyncadd.s32 $0xFFFFC180  }
0x66: {  	[tilespmem:s16], [sflag:$0x1] =	stream.indirect.gather [hbm4b:s4+s15], $0x80, s12, s15, $0xb8;
	[tilespmem:$0x1C880] =	vst v63  }
0x67: {  	_ =	swait.ge [sflag:s19], $0x3E80  }
0x68: {  	[sflag:s19] =	ssyncset.done $0x0  }
0x69: {  	s9 =	rddreg [dreg:$0xf];
	[sflag:s19] =	ssyncadd.s32 $0xFFFFC180  }
0x6a: {  	[spmem:s2] =	stream.indirect.scatter.add.f32 [tilespmem:s17], [sflag:$0x3], $0x80, s9, s15, $0xb8;
	[tilespmem:$0x1C880] =	vst v63  }
0x6b: {  	_ =	swait.ge [sflag:s13], $0x3E80  }
0x6c: {  	[sflag:s13] =	ssyncset.done $0x0  }
0x6d: {  	s11 =	rddreg [dreg:$0x10];
	[sflag:s13] =	ssyncadd.s32 $0xFFFFC180  }
0x6e: {  	[tilespmem:s17], [sflag:$0x2] =	stream.indirect.gather [hbm4b:s4+s15], $0x80, s11, s15, $0xb8;
	[tilespmem:$0x1C880] =	vst v63  }
0x6f: {  	_ =	swait.ge [sflag:s18], $0x3E80  }
0x70: {  	[sflag:s18] =	ssyncset.done $0x0  }
0x71: {  	s12 =	rddreg [dreg:$0x11];
	[sflag:s18] =	ssyncadd.s32 $0xFFFFC180  }
0x72: {  	[spmem:s2] =	stream.indirect.scatter.add.f32 [tilespmem:s16], [sflag:$0x3], $0x80, s12, s15, $0xb8;
	[tilespmem:$0x1C880] =	vst v63  }
0x73: {  	_ =	swait.ge [sflag:s13], $0x3E80  }
0x74: {  	[sflag:s13] =	ssyncset.done $0x0  }
0x75: {  	[sflag:s13] =	ssyncadd.s32 $0xFFFFC180  }
0x76: {  	[tilespmem:s16], [sflag:$0x1] =	stream.indirect.gather [hbm4b:s4+s15], $0x80, s20, s15, $0xb8;
	[tilespmem:$0x1C880] =	vst v63  }
0x77: {  	_ =	swait.ge [sflag:s19], $0x3E80  }
0x78: {  	[sflag:s19] =	ssyncset.done $0x0  }
0x79: {  	[sflag:s19] =	ssyncadd.s32 $0xFFFFC180  }
0x7a: {  	[spmem:s2] =	stream.indirect.scatter.add.f32 [tilespmem:s17], [sflag:$0x3], $0x80, s21, s15, $0xb8;
	[tilespmem:$0x1C880] =	vst v63  }
0x7b: {  	_ =	swait.ge [sflag:s13], $0x3E80  }
0x7c: {  	[sflag:s13] =	ssyncset.done $0x0  }
0x7d: {  	[sflag:s13] =	ssyncadd.s32 $0xFFFFC180  }
0x7e: {  	[tilespmem:s17], [sflag:$0x2] =	stream.indirect.gather [hbm4b:s4+s15], $0x80, s22, s15, $0xb8;
	[tilespmem:$0x1C880] =	vst v63  }
0x7f: {  	_ =	swait.ge [sflag:s18], $0x3E80  }
0x80: {  	[sflag:s18] =	ssyncset.done $0x0  }
0x81: {  	[sflag:s18] =	ssyncadd.s32 $0xFFFFC180  }
0x82: {  	[spmem:s2] =	stream.indirect.scatter.add.f32 [tilespmem:s16], [sflag:$0x3], $0x80, s23, s15, $0xb8;
	[tilespmem:$0x1C880] =	vst v63  }
0x83: {  	_ =	swait.ge [sflag:s13], $0x3E80  }
0x84: {  	[sflag:s13] =	ssyncset.done $0x0  }
0x85: {  	[sflag:s13] =	ssyncadd.s32 $0xFFFFC180  }
0x86: {  	[tilespmem:s16], [sflag:$0x1] =	stream.indirect.gather [hbm4b:s4+s15], $0x80, s24, s15, $0xb8;
	[tilespmem:$0x1C880] =	vst v63  }
0x87: {  	_ =	swait.ge [sflag:s19], $0x3E80  }
0x88: {  	[sflag:s19] =	ssyncset.done $0x0  }
0x89: {  	[sflag:s19] =	ssyncadd.s32 $0xFFFFC180  }
0x8a: {  	[spmem:s2] =	stream.indirect.scatter.add.f32 [tilespmem:s17], [sflag:$0x3], $0x80, s25, s15, $0xb8;
	[tilespmem:$0x1C880] =	vst v63  }
0x8b: {  	_ =	swait.ge [sflag:s13], $0x3E80  }
0x8c: {  	[sflag:s13] =	ssyncset.done $0x0  }
0x8d: {  	[sflag:s13] =	ssyncadd.s32 $0xFFFFC180  }
0x8e: {  	[tilespmem:s17], [sflag:$0x2] =	stream.indirect.gather [hbm4b:s4+s15], $0x80, s26, s15, $0xb8;
	[tilespmem:$0x1C880] =	vst v63  }
0x8f: {  	_ =	swait.ge [sflag:s18], $0x3E80  }
0x90: {  	[sflag:s18] =	ssyncset.done $0x0  }
0x91: {  	[sflag:s18] =	ssyncadd.s32 $0xFFFFC180  }
0x92: {  	[spmem:s2] =	stream.indirect.scatter.add.f32 [tilespmem:s16], [sflag:$0x3], $0x80, s28, s15, $0xb8;
	[tilespmem:$0x1C880] =	vst v63  }
0x93: {  	_ =	swait.ge [sflag:s13], $0x3E80  }
0x94: {  	[sflag:s13] =	ssyncset.done $0x0  }
0x95: {  	[sflag:s13] =	ssyncadd.s32 $0xFFFFC180  }
0x96: {  	[tilespmem:s16], [sflag:$0x1] =	stream.indirect.gather [hbm4b:s4+s15], $0x80, s29, s15, $0xb8;
	[tilespmem:$0x1C880] =	vst v63  }
0x97: {  	_ =	swait.ge [sflag:s19], $0x3E80  }
0x98: {  	[sflag:s19] =	ssyncset.done $0x0  }
0x99: {  	[sflag:s19] =	ssyncadd.s32 $0xFFFFC180  }
0x9a: {  	[spmem:s2] =	stream.indirect.scatter.add.f32 [tilespmem:s17], [sflag:$0x3], $0x80, s30, s15, $0xb8;
	[tilespmem:$0x1C880] =	vst v63  }
0x9b: {  	_ =	swait.ge [sflag:s13], $0x3E80  }
0x9c: {  	[sflag:s13] =	ssyncset.done $0x0  }
0x9d: {  	[sflag:s13] =	ssyncadd.s32 $0xFFFFC180  }
0x9e: {  	[tilespmem:s17], [sflag:$0x2] =	stream.indirect.gather [hbm4b:s4+s15], $0x80, s31, s15, $0xb8;
	[tilespmem:$0x1C880] =	vst v63  }
0x9f: {  	_ =	swait.ge [sflag:s18], $0x3E80  }
0xa0: {  	[sflag:s18] =	ssyncset.done $0x0  }
0xa1: {  	[sflag:s18] =	ssyncadd.s32 $0xFFFFC180  }
0xa2: {  	[spmem:s2] =	stream.indirect.scatter.add.f32 [tilespmem:s16], [sflag:$0x3], $0x80, s0, s15, $0xb8;
	[tilespmem:$0x1C880] =	vst v63  }
0xa3: {  	_ =	swait.ge [sflag:s13], $0x3E80  }
0xa4: {  	[sflag:s13] =	ssyncset.done $0x0  }
0xa5: {  	[sflag:s13] =	ssyncadd.s32 $0xFFFFC180  }
0xa6: {  	[tilespmem:s16], [sflag:$0x1] =	stream.indirect.gather [hbm4b:s4+s15], $0x80, s1, s15, $0xb8;
	[tilespmem:$0x1C880] =	vst v63  }
0xa7: {  	_ =	swait.ge [sflag:s19], $0x3E80  }
0xa8: {  	[sflag:s19] =	ssyncset.done $0x0  }
0xa9: {  	[sflag:s19] =	ssyncadd.s32 $0xFFFFC180  }
0xaa: {  	[spmem:s2] =	stream.indirect.scatter.add.f32 [tilespmem:s17], [sflag:$0x3], $0x80, s5, s15, $0xb8;
	[tilespmem:$0x1C880] =	vst v63  }
0xab: {  	_ =	swait.ge [sflag:s13], $0x3E80  }
0xac: {  	[sflag:s13] =	ssyncset.done $0x0  }
0xad: {  	[sflag:s13] =	ssyncadd.s32 $0xFFFFC180  }
0xae: {  	[tilespmem:s17], [sflag:$0x2] =	stream.indirect.gather [hbm4b:s4+s15], $0x80, s6, s15, $0xb8;
	[tilespmem:$0x1C880] =	vst v63  }
0xaf: {  	_ =	swait.ge [sflag:s18], $0x3E80  }
0xb0: {  	[sflag:s18] =	ssyncset.done $0x0  }
0xb1: {  	[sflag:s18] =	ssyncadd.s32 $0xFFFFC180  }
0xb2: {  	[spmem:s2] =	stream.indirect.scatter.add.f32 [tilespmem:s16], [sflag:$0x3], $0x80, s7, s15, $0xb8;
	[tilespmem:$0x1C880] =	vst v63  }
0xb3: {  	_ =	swait.ge [sflag:s13], $0x3E80  }
0xb4: {  	[sflag:s13] =	ssyncset.done $0x0  }
0xb5: {  	[sflag:s13] =	ssyncadd.s32 $0xFFFFC180  }
0xb6: {  	_ =	swait.ge [sflag:s19], $0x3E80  }
0xb7: {  	[sflag:s19] =	ssyncset.done $0x0  }
0xb8: {  	[sflag:s19] =	ssyncadd.s32 $0xFFFFC180  }
0xb9: {  	[spmem:s2] =	stream.indirect.scatter.add.f32 [tilespmem:s17], [sflag:$0x3], $0x80, s8, s15, $0xb8;
	[tilespmem:$0x1C880] =	vst v63  }
0xba: {  	s10 =	simm.s32 $0x100;
	_ =	swait.ge [sflag:s13], $0x3E80  }
0xbb: {  	s11 =	simm.s32 $0x200;
	s12 =	rddreg [dreg:$0x3];
	[sflag:s13] =	ssyncset.done $0x0  }
.LBB2_2:
0xbc: {  	[sflag:s13] =	ssyncadd.s32 $0xFFFFC180;
	s12 =	sadd.s32 s10, s12  }
0xbd: {  	[tilespmem:s3], [sflag:$0x3] =	stream.linear.gather [hbm4b:s12+s3], $0x800, $0x38;
	[tilespmem:$0x1C880] =	vst v63  }
0xbe: {  	_ =	swait.ge [sflag:s13], $0x800  }
0xbf: {  	s12 =	rddreg [dreg:$0x4];
	[sflag:s13] =	ssyncset.done $0x0  }
0xc0: {  	[sflag:s13] =	ssyncadd.s32 $0xFFFFF800;
	s12 =	sadd.s32 s10, s12  }
0xc1: {  	[tilespmem:s14], [sflag:$0x3] =	stream.linear.gather [hbm4b:s12+s3], $0x800, $0x38;
	[tilespmem:$0x1C880] =	vst v63  }
0xc2: {  	_ =	swait.ge [sflag:s13], $0x800  }
0xc3: {  	[sflag:s13] =	ssyncset.done $0x0  }
0xc4: {  	[sflag:s13] =	ssyncadd.s32 $0xFFFFF800  }
0xc5: {  	[tilespmem:s16], [sflag:$0x1] =	stream.indirect.gather [hbm4b:s4+s15], $0x80, s3, s15, $0xb8;
	[tilespmem:$0x1C880] =	vst v63  }
0xc6: {  	s12 =	rddreg [dreg:$0x5]  }
0xc7: {  	[tilespmem:s17], [sflag:$0x2] =	stream.indirect.gather [hbm4b:s4+s15], $0x80, s12, s15, $0xb8;
	[tilespmem:$0x1C880] =	vst v63  }
0xc8: {  	_ =	swait.ge [sflag:s18], $0x3E80  }
0xc9: {  	[sflag:s18] =	ssyncset.done $0x0  }
0xca: {  	[sflag:s18] =	ssyncadd.s32 $0xFFFFC180  }
0xcb: {  	[spmem:s2] =	stream.indirect.scatter.add.f32 [tilespmem:s16], [sflag:$0x3], $0x80, s14, s15, $0xb8;
	[tilespmem:$0x1C880] =	vst v63  }
0xcc: {  	_ =	swait.ge [sflag:s13], $0x3E80  }
0xcd: {  	[sflag:s13] =	ssyncset.done $0x0  }
0xce: {  	s12 =	rddreg [dreg:$0x6];
	[sflag:s13] =	ssyncadd.s32 $0xFFFFC180  }
0xcf: {  	[tilespmem:s16], [sflag:$0x1] =	stream.indirect.gather [hbm4b:s4+s15], $0x80, s12, s15, $0xb8;
	[tilespmem:$0x1C880] =	vst v63  }
0xd0: {  	_ =	swait.ge [sflag:s19], $0x3E80  }
0xd1: {  	[sflag:s19] =	ssyncset.done $0x0  }
0xd2: {  	s12 =	rddreg [dreg:$0x7];
	[sflag:s19] =	ssyncadd.s32 $0xFFFFC180  }
0xd3: {  	[spmem:s2] =	stream.indirect.scatter.add.f32 [tilespmem:s17], [sflag:$0x3], $0x80, s12, s15, $0xb8;
	[tilespmem:$0x1C880] =	vst v63  }
0xd4: {  	_ =	swait.ge [sflag:s13], $0x3E80  }
0xd5: {  	[sflag:s13] =	ssyncset.done $0x0  }
0xd6: {  	s12 =	rddreg [dreg:$0x8];
	[sflag:s13] =	ssyncadd.s32 $0xFFFFC180  }
0xd7: {  	[tilespmem:s17], [sflag:$0x2] =	stream.indirect.gather [hbm4b:s4+s15], $0x80, s12, s15, $0xb8;
	[tilespmem:$0x1C880] =	vst v63  }
0xd8: {  	_ =	swait.ge [sflag:s18], $0x3E80  }
0xd9: {  	[sflag:s18] =	ssyncset.done $0x0  }
0xda: {  	s12 =	rddreg [dreg:$0x9];
	[sflag:s18] =	ssyncadd.s32 $0xFFFFC180  }
0xdb: {  	[spmem:s2] =	stream.indirect.scatter.add.f32 [tilespmem:s16], [sflag:$0x3], $0x80, s12, s15, $0xb8;
	[tilespmem:$0x1C880] =	vst v63  }
0xdc: {  	_ =	swait.ge [sflag:s13], $0x3E80  }
0xdd: {  	[sflag:s13] =	ssyncset.done $0x0  }
0xde: {  	s12 =	rddreg [dreg:$0xa];
	[sflag:s13] =	ssyncadd.s32 $0xFFFFC180  }
0xdf: {  	[tilespmem:s16], [sflag:$0x1] =	stream.indirect.gather [hbm4b:s4+s15], $0x80, s12, s15, $0xb8;
	[tilespmem:$0x1C880] =	vst v63  }
0xe0: {  	_ =	swait.ge [sflag:s19], $0x3E80  }
0xe1: {  	[sflag:s19] =	ssyncset.done $0x0  }
0xe2: {  	s12 =	rddreg [dreg:$0xb];
	[sflag:s19] =	ssyncadd.s32 $0xFFFFC180  }
0xe3: {  	[spmem:s2] =	stream.indirect.scatter.add.f32 [tilespmem:s17], [sflag:$0x3], $0x80, s12, s15, $0xb8;
	[tilespmem:$0x1C880] =	vst v63  }
0xe4: {  	_ =	swait.ge [sflag:s13], $0x3E80  }
0xe5: {  	[sflag:s13] =	ssyncset.done $0x0  }
0xe6: {  	s12 =	rddreg [dreg:$0xc];
	[sflag:s13] =	ssyncadd.s32 $0xFFFFC180  }
0xe7: {  	[tilespmem:s17], [sflag:$0x2] =	stream.indirect.gather [hbm4b:s4+s15], $0x80, s12, s15, $0xb8;
	[tilespmem:$0x1C880] =	vst v63  }
0xe8: {  	_ =	swait.ge [sflag:s18], $0x3E80  }
0xe9: {  	[sflag:s18] =	ssyncset.done $0x0  }
0xea: {  	s12 =	rddreg [dreg:$0xd];
	[sflag:s18] =	ssyncadd.s32 $0xFFFFC180  }
0xeb: {  	[spmem:s2] =	stream.indirect.scatter.add.f32 [tilespmem:s16], [sflag:$0x3], $0x80, s12, s15, $0xb8;
	[tilespmem:$0x1C880] =	vst v63  }
0xec: {  	_ =	swait.ge [sflag:s13], $0x3E80  }
0xed: {  	[sflag:s13] =	ssyncset.done $0x0  }
0xee: {  	s12 =	rddreg [dreg:$0xe];
	[sflag:s13] =	ssyncadd.s32 $0xFFFFC180  }
0xef: {  	[tilespmem:s16], [sflag:$0x1] =	stream.indirect.gather [hbm4b:s4+s15], $0x80, s12, s15, $0xb8;
	[tilespmem:$0x1C880] =	vst v63  }
0xf0: {  	_ =	swait.ge [sflag:s19], $0x3E80  }
0xf1: {  	[sflag:s19] =	ssyncset.done $0x0  }
0xf2: {  	s12 =	rddreg [dreg:$0xf];
	[sflag:s19] =	ssyncadd.s32 $0xFFFFC180  }
0xf3: {  	[spmem:s2] =	stream.indirect.scatter.add.f32 [tilespmem:s17], [sflag:$0x3], $0x80, s12, s15, $0xb8;
	[tilespmem:$0x1C880] =	vst v63  }
0xf4: {  	_ =	swait.ge [sflag:s13], $0x3E80  }
0xf5: {  	[sflag:s13] =	ssyncset.done $0x0  }
0xf6: {  	s12 =	rddreg [dreg:$0x10];
	[sflag:s13] =	ssyncadd.s32 $0xFFFFC180  }
0xf7: {  	[tilespmem:s17], [sflag:$0x2] =	stream.indirect.gather [hbm4b:s4+s15], $0x80, s12, s15, $0xb8;
	[tilespmem:$0x1C880] =	vst v63  }
0xf8: {  	_ =	swait.ge [sflag:s18], $0x3E80  }
0xf9: {  	[sflag:s18] =	ssyncset.done $0x0  }
0xfa: {  	s12 =	rddreg [dreg:$0x11];
	[sflag:s18] =	ssyncadd.s32 $0xFFFFC180  }
0xfb: {  	[spmem:s2] =	stream.indirect.scatter.add.f32 [tilespmem:s16], [sflag:$0x3], $0x80, s12, s15, $0xb8;
	[tilespmem:$0x1C880] =	vst v63  }
0xfc: {  	_ =	swait.ge [sflag:s13], $0x3E80  }
0xfd: {  	[sflag:s13] =	ssyncset.done $0x0  }
0xfe: {  	[sflag:s13] =	ssyncadd.s32 $0xFFFFC180  }
0xff: {  	[tilespmem:s16], [sflag:$0x1] =	stream.indirect.gather [hbm4b:s4+s15], $0x80, s20, s15, $0xb8;
	[tilespmem:$0x1C880] =	vst v63  }
0x100: {  	_ =	swait.ge [sflag:s19], $0x3E80  }
0x101: {  	[sflag:s19] =	ssyncset.done $0x0  }
0x102: {  	[sflag:s19] =	ssyncadd.s32 $0xFFFFC180  }
0x103: {  	[spmem:s2] =	stream.indirect.scatter.add.f32 [tilespmem:s17], [sflag:$0x3], $0x80, s21, s15, $0xb8;
	[tilespmem:$0x1C880] =	vst v63  }
0x104: {  	_ =	swait.ge [sflag:s13], $0x3E80  }
0x105: {  	[sflag:s13] =	ssyncset.done $0x0  }
0x106: {  	[sflag:s13] =	ssyncadd.s32 $0xFFFFC180  }
0x107: {  	[tilespmem:s17], [sflag:$0x2] =	stream.indirect.gather [hbm4b:s4+s15], $0x80, s22, s15, $0xb8;
	[tilespmem:$0x1C880] =	vst v63  }
0x108: {  	_ =	swait.ge [sflag:s18], $0x3E80  }
0x109: {  	[sflag:s18] =	ssyncset.done $0x0  }
0x10a: {  	[sflag:s18] =	ssyncadd.s32 $0xFFFFC180  }
0x10b: {  	[spmem:s2] =	stream.indirect.scatter.add.f32 [tilespmem:s16], [sflag:$0x3], $0x80, s23, s15, $0xb8;
	[tilespmem:$0x1C880] =	vst v63  }
0x10c: {  	_ =	swait.ge [sflag:s13], $0x3E80  }
0x10d: {  	[sflag:s13] =	ssyncset.done $0x0  }
0x10e: {  	[sflag:s13] =	ssyncadd.s32 $0xFFFFC180  }
0x10f: {  	[tilespmem:s16], [sflag:$0x1] =	stream.indirect.gather [hbm4b:s4+s15], $0x80, s24, s15, $0xb8;
	[tilespmem:$0x1C880] =	vst v63  }
0x110: {  	_ =	swait.ge [sflag:s19], $0x3E80  }
0x111: {  	[sflag:s19] =	ssyncset.done $0x0  }
0x112: {  	[sflag:s19] =	ssyncadd.s32 $0xFFFFC180  }
0x113: {  	[spmem:s2] =	stream.indirect.scatter.add.f32 [tilespmem:s17], [sflag:$0x3], $0x80, s25, s15, $0xb8;
	[tilespmem:$0x1C880] =	vst v63  }
0x114: {  	_ =	swait.ge [sflag:s13], $0x3E80  }
0x115: {  	[sflag:s13] =	ssyncset.done $0x0  }
0x116: {  	[sflag:s13] =	ssyncadd.s32 $0xFFFFC180  }
0x117: {  	[tilespmem:s17], [sflag:$0x2] =	stream.indirect.gather [hbm4b:s4+s15], $0x80, s26, s15, $0xb8;
	[tilespmem:$0x1C880] =	vst v63  }
0x118: {  	_ =	swait.ge [sflag:s18], $0x3E80  }
0x119: {  	[sflag:s18] =	ssyncset.done $0x0  }
0x11a: {  	[sflag:s18] =	ssyncadd.s32 $0xFFFFC180  }
0x11b: {  	[spmem:s2] =	stream.indirect.scatter.add.f32 [tilespmem:s16], [sflag:$0x3], $0x80, s28, s15, $0xb8;
	[tilespmem:$0x1C880] =	vst v63  }
0x11c: {  	_ =	swait.ge [sflag:s13], $0x3E80  }
0x11d: {  	[sflag:s13] =	ssyncset.done $0x0  }
0x11e: {  	[sflag:s13] =	ssyncadd.s32 $0xFFFFC180  }
0x11f: {  	[tilespmem:s16], [sflag:$0x1] =	stream.indirect.gather [hbm4b:s4+s15], $0x80, s29, s15, $0xb8;
	[tilespmem:$0x1C880] =	vst v63  }
0x120: {  	_ =	swait.ge [sflag:s19], $0x3E80  }
0x121: {  	[sflag:s19] =	ssyncset.done $0x0  }
0x122: {  	[sflag:s19] =	ssyncadd.s32 $0xFFFFC180  }
0x123: {  	[spmem:s2] =	stream.indirect.scatter.add.f32 [tilespmem:s17], [sflag:$0x3], $0x80, s30, s15, $0xb8;
	[tilespmem:$0x1C880] =	vst v63  }
0x124: {  	_ =	swait.ge [sflag:s13], $0x3E80  }
0x125: {  	[sflag:s13] =	ssyncset.done $0x0  }
0x126: {  	[sflag:s13] =	ssyncadd.s32 $0xFFFFC180  }
0x127: {  	[tilespmem:s17], [sflag:$0x2] =	stream.indirect.gather [hbm4b:s4+s15], $0x80, s31, s15, $0xb8;
	[tilespmem:$0x1C880] =	vst v63  }
0x128: {  	_ =	swait.ge [sflag:s18], $0x3E80  }
0x129: {  	[sflag:s18] =	ssyncset.done $0x0  }
0x12a: {  	[sflag:s18] =	ssyncadd.s32 $0xFFFFC180  }
0x12b: {  	[spmem:s2] =	stream.indirect.scatter.add.f32 [tilespmem:s16], [sflag:$0x3], $0x80, s0, s15, $0xb8;
	[tilespmem:$0x1C880] =	vst v63  }
0x12c: {  	_ =	swait.ge [sflag:s13], $0x3E80  }
0x12d: {  	[sflag:s13] =	ssyncset.done $0x0  }
0x12e: {  	[sflag:s13] =	ssyncadd.s32 $0xFFFFC180  }
0x12f: {  	[tilespmem:s16], [sflag:$0x1] =	stream.indirect.gather [hbm4b:s4+s15], $0x80, s1, s15, $0xb8;
	[tilespmem:$0x1C880] =	vst v63  }
0x130: {  	_ =	swait.ge [sflag:s19], $0x3E80  }
0x131: {  	[sflag:s19] =	ssyncset.done $0x0  }
0x132: {  	[sflag:s19] =	ssyncadd.s32 $0xFFFFC180  }
0x133: {  	[spmem:s2] =	stream.indirect.scatter.add.f32 [tilespmem:s17], [sflag:$0x3], $0x80, s5, s15, $0xb8;
	[tilespmem:$0x1C880] =	vst v63  }
0x134: {  	_ =	swait.ge [sflag:s13], $0x3E80  }
0x135: {  	[sflag:s13] =	ssyncset.done $0x0  }
0x136: {  	[sflag:s13] =	ssyncadd.s32 $0xFFFFC180  }
0x137: {  	[tilespmem:s17], [sflag:$0x2] =	stream.indirect.gather [hbm4b:s4+s15], $0x80, s6, s15, $0xb8;
	[tilespmem:$0x1C880] =	vst v63  }
0x138: {  	_ =	swait.ge [sflag:s18], $0x3E80  }
0x139: {  	[sflag:s18] =	ssyncset.done $0x0  }
0x13a: {  	[sflag:s18] =	ssyncadd.s32 $0xFFFFC180  }
0x13b: {  	[spmem:s2] =	stream.indirect.scatter.add.f32 [tilespmem:s16], [sflag:$0x3], $0x80, s7, s15, $0xb8;
	[tilespmem:$0x1C880] =	vst v63  }
0x13c: {  	_ =	swait.ge [sflag:s13], $0x3E80  }
0x13d: {  	[sflag:s13] =	ssyncset.done $0x0  }
0x13e: {  	[sflag:s13] =	ssyncadd.s32 $0xFFFFC180  }
0x13f: {  	p1 =	sne.s32 s11, $0x400;
	_ =	swait.ge [sflag:s19], $0x3E80  }
.Ltmp0:
0x140: {  	[sflag:s19] =	ssyncset.done $0x0;
	(pc) =	sbr.rel @p1 .LBB2_2-.Ltmp0, $4  }
0x141: {  	[sflag:s19] =	ssyncadd.s32 $0xFFFFC180  }
0x142: {  	[spmem:s2] =	stream.indirect.scatter.add.f32 [tilespmem:s17], [sflag:$0x3], $0x80, s8, s15, $0xb8;
	[tilespmem:$0x1C880] =	vst v63  }
0x143: {  	s9 =	smov.u32 s11;
	s11 =	sadd.s32 $0x100, s11;
	_ =	swait.ge [sflag:s13], $0x3E80  }
0x144: {  	s10 =	smov.u32 s9;
	s12 =	rddreg [dreg:$0x3];
	[sflag:s13] =	ssyncset.done $0x0  }
0x145: {  	[sflag:s13] =	ssyncadd.s32 $0xFFFFC180;
	s9 =	sadd.s32 s10, s12  }
0x146: {  	[tilespmem:s3], [sflag:$0x3] =	stream.linear.gather [hbm4b:s9+s3], $0x800, $0x38;
	[tilespmem:$0x1C880] =	vst v63  }
0x147: {  	_ =	swait.ge [sflag:s13], $0x800  }
0x148: {  	s12 =	rddreg [dreg:$0x4];
	[sflag:s13] =	ssyncset.done $0x0  }
0x149: {  	s9 =	sadd.s32 s10, s12;
	[sflag:s13] =	ssyncadd.s32 $0xFFFFF800  }
0x14a: {  	[tilespmem:s14], [sflag:$0x3] =	stream.linear.gather [hbm4b:s9+s3], $0x800, $0x38;
	[tilespmem:$0x1C880] =	vst v63  }
0x14b: {  	_ =	swait.ge [sflag:s13], $0x800  }
0x14c: {  	[sflag:s13] =	ssyncset.done $0x0  }
0x14d: {  	[sflag:s13] =	ssyncadd.s32 $0xFFFFF800  }
0x14e: {  	[tilespmem:s16], [sflag:$0x1] =	stream.indirect.gather [hbm4b:s4+s15], $0x80, s3, s15, $0xb8;
	[tilespmem:$0x1C880] =	vst v63  }
0x14f: {  	s11 =	rddreg [dreg:$0x5]  }
0x150: {  	[tilespmem:s17], [sflag:$0x2] =	stream.indirect.gather [hbm4b:s4+s15], $0x80, s11, s15, $0xb8;
	[tilespmem:$0x1C880] =	vst v63  }
0x151: {  	_ =	swait.ge [sflag:s18], $0x3E80  }
0x152: {  	[sflag:s18] =	ssyncset.done $0x0  }
0x153: {  	[sflag:s18] =	ssyncadd.s32 $0xFFFFC180  }
0x154: {  	[spmem:s2] =	stream.indirect.scatter.add.f32 [tilespmem:s16], [sflag:$0x3], $0x80, s14, s15, $0xb8;
	[tilespmem:$0x1C880] =	vst v63  }
0x155: {  	_ =	swait.ge [sflag:s13], $0x3E80  }
0x156: {  	[sflag:s13] =	ssyncset.done $0x0  }
0x157: {  	s12 =	rddreg [dreg:$0x6];
	[sflag:s13] =	ssyncadd.s32 $0xFFFFC180  }
0x158: {  	[tilespmem:s16], [sflag:$0x1] =	stream.indirect.gather [hbm4b:s4+s15], $0x80, s12, s15, $0xb8;
	[tilespmem:$0x1C880] =	vst v63  }
0x159: {  	_ =	swait.ge [sflag:s19], $0x3E80  }
0x15a: {  	[sflag:s19] =	ssyncset.done $0x0  }
0x15b: {  	s10 =	rddreg [dreg:$0x7];
	[sflag:s19] =	ssyncadd.s32 $0xFFFFC180  }
0x15c: {  	[spmem:s2] =	stream.indirect.scatter.add.f32 [tilespmem:s17], [sflag:$0x3], $0x80, s10, s15, $0xb8;
	[tilespmem:$0x1C880] =	vst v63  }
0x15d: {  	_ =	swait.ge [sflag:s13], $0x3E80  }
0x15e: {  	[sflag:s13] =	ssyncset.done $0x0  }
0x15f: {  	s11 =	rddreg [dreg:$0x8];
	[sflag:s13] =	ssyncadd.s32 $0xFFFFC180  }
0x160: {  	[tilespmem:s17], [sflag:$0x2] =	stream.indirect.gather [hbm4b:s4+s15], $0x80, s11, s15, $0xb8;
	[tilespmem:$0x1C880] =	vst v63  }
0x161: {  	_ =	swait.ge [sflag:s18], $0x3E80  }
0x162: {  	[sflag:s18] =	ssyncset.done $0x0  }
0x163: {  	s12 =	rddreg [dreg:$0x9];
	[sflag:s18] =	ssyncadd.s32 $0xFFFFC180  }
0x164: {  	[spmem:s2] =	stream.indirect.scatter.add.f32 [tilespmem:s16], [sflag:$0x3], $0x80, s12, s15, $0xb8;
	[tilespmem:$0x1C880] =	vst v63  }
0x165: {  	_ =	swait.ge [sflag:s13], $0x3E80  }
0x166: {  	[sflag:s13] =	ssyncset.done $0x0  }
0x167: {  	s10 =	rddreg [dreg:$0xa];
	[sflag:s13] =	ssyncadd.s32 $0xFFFFC180  }
0x168: {  	[tilespmem:s16], [sflag:$0x1] =	stream.indirect.gather [hbm4b:s4+s15], $0x80, s10, s15, $0xb8;
	[tilespmem:$0x1C880] =	vst v63  }
0x169: {  	_ =	swait.ge [sflag:s19], $0x3E80  }
0x16a: {  	[sflag:s19] =	ssyncset.done $0x0  }
0x16b: {  	s11 =	rddreg [dreg:$0xb];
	[sflag:s19] =	ssyncadd.s32 $0xFFFFC180  }
0x16c: {  	[spmem:s2] =	stream.indirect.scatter.add.f32 [tilespmem:s17], [sflag:$0x3], $0x80, s11, s15, $0xb8;
	[tilespmem:$0x1C880] =	vst v63  }
0x16d: {  	_ =	swait.ge [sflag:s13], $0x3E80  }
0x16e: {  	[sflag:s13] =	ssyncset.done $0x0  }
0x16f: {  	s12 =	rddreg [dreg:$0xc];
	[sflag:s13] =	ssyncadd.s32 $0xFFFFC180  }
0x170: {  	[tilespmem:s17], [sflag:$0x2] =	stream.indirect.gather [hbm4b:s4+s15], $0x80, s12, s15, $0xb8;
	[tilespmem:$0x1C880] =	vst v63  }
0x171: {  	_ =	swait.ge [sflag:s18], $0x3E80  }
0x172: {  	[sflag:s18] =	ssyncset.done $0x0  }
0x173: {  	s10 =	rddreg [dreg:$0xd];
	[sflag:s18] =	ssyncadd.s32 $0xFFFFC180  }
0x174: {  	[spmem:s2] =	stream.indirect.scatter.add.f32 [tilespmem:s16], [sflag:$0x3], $0x80, s10, s15, $0xb8;
	[tilespmem:$0x1C880] =	vst v63  }
0x175: {  	_ =	swait.ge [sflag:s13], $0x3E80  }
0x176: {  	[sflag:s13] =	ssyncset.done $0x0  }
0x177: {  	s11 =	rddreg [dreg:$0xe];
	[sflag:s13] =	ssyncadd.s32 $0xFFFFC180  }
0x178: {  	[tilespmem:s16], [sflag:$0x1] =	stream.indirect.gather [hbm4b:s4+s15], $0x80, s11, s15, $0xb8;
	[tilespmem:$0x1C880] =	vst v63  }
0x179: {  	_ =	swait.ge [sflag:s19], $0x3E80  }
0x17a: {  	[sflag:s19] =	ssyncset.done $0x0  }
0x17b: {  	s12 =	rddreg [dreg:$0xf];
	[sflag:s19] =	ssyncadd.s32 $0xFFFFC180  }
0x17c: {  	[spmem:s2] =	stream.indirect.scatter.add.f32 [tilespmem:s17], [sflag:$0x3], $0x80, s12, s15, $0xb8;
	[tilespmem:$0x1C880] =	vst v63  }
0x17d: {  	_ =	swait.ge [sflag:s13], $0x3E80  }
0x17e: {  	[sflag:s13] =	ssyncset.done $0x0  }
0x17f: {  	s10 =	rddreg [dreg:$0x10];
	[sflag:s13] =	ssyncadd.s32 $0xFFFFC180  }
0x180: {  	[tilespmem:s17], [sflag:$0x2] =	stream.indirect.gather [hbm4b:s4+s15], $0x80, s10, s15, $0xb8;
	[tilespmem:$0x1C880] =	vst v63  }
0x181: {  	_ =	swait.ge [sflag:s18], $0x3E80  }
0x182: {  	[sflag:s18] =	ssyncset.done $0x0  }
0x183: {  	s11 =	rddreg [dreg:$0x11];
	[sflag:s18] =	ssyncadd.s32 $0xFFFFC180  }
0x184: {  	[spmem:s2] =	stream.indirect.scatter.add.f32 [tilespmem:s16], [sflag:$0x3], $0x80, s11, s15, $0xb8;
	[tilespmem:$0x1C880] =	vst v63  }
0x185: {  	_ =	swait.ge [sflag:s13], $0x3E80  }
0x186: {  	[sflag:s13] =	ssyncset.done $0x0  }
0x187: {  	[sflag:s13] =	ssyncadd.s32 $0xFFFFC180  }
0x188: {  	[tilespmem:s16], [sflag:$0x1] =	stream.indirect.gather [hbm4b:s4+s15], $0x80, s20, s15, $0xb8;
	[tilespmem:$0x1C880] =	vst v63  }
0x189: {  	_ =	swait.ge [sflag:s19], $0x3E80  }
0x18a: {  	[sflag:s19] =	ssyncset.done $0x0  }
0x18b: {  	[sflag:s19] =	ssyncadd.s32 $0xFFFFC180  }
0x18c: {  	[spmem:s2] =	stream.indirect.scatter.add.f32 [tilespmem:s17], [sflag:$0x3], $0x80, s21, s15, $0xb8;
	[tilespmem:$0x1C880] =	vst v63  }
0x18d: {  	_ =	swait.ge [sflag:s13], $0x3E80  }
0x18e: {  	[sflag:s13] =	ssyncset.done $0x0  }
0x18f: {  	[sflag:s13] =	ssyncadd.s32 $0xFFFFC180  }
0x190: {  	[tilespmem:s17], [sflag:$0x2] =	stream.indirect.gather [hbm4b:s4+s15], $0x80, s22, s15, $0xb8;
	[tilespmem:$0x1C880] =	vst v63  }
0x191: {  	_ =	swait.ge [sflag:s18], $0x3E80  }
0x192: {  	[sflag:s18] =	ssyncset.done $0x0  }
0x193: {  	[sflag:s18] =	ssyncadd.s32 $0xFFFFC180  }
0x194: {  	[spmem:s2] =	stream.indirect.scatter.add.f32 [tilespmem:s16], [sflag:$0x3], $0x80, s23, s15, $0xb8;
	[tilespmem:$0x1C880] =	vst v63  }
0x195: {  	_ =	swait.ge [sflag:s13], $0x3E80  }
0x196: {  	[sflag:s13] =	ssyncset.done $0x0  }
0x197: {  	[sflag:s13] =	ssyncadd.s32 $0xFFFFC180  }
0x198: {  	[tilespmem:s16], [sflag:$0x1] =	stream.indirect.gather [hbm4b:s4+s15], $0x80, s24, s15, $0xb8;
	[tilespmem:$0x1C880] =	vst v63  }
0x199: {  	_ =	swait.ge [sflag:s19], $0x3E80  }
0x19a: {  	[sflag:s19] =	ssyncset.done $0x0  }
0x19b: {  	[sflag:s19] =	ssyncadd.s32 $0xFFFFC180  }
0x19c: {  	[spmem:s2] =	stream.indirect.scatter.add.f32 [tilespmem:s17], [sflag:$0x3], $0x80, s25, s15, $0xb8;
	[tilespmem:$0x1C880] =	vst v63  }
0x19d: {  	_ =	swait.ge [sflag:s13], $0x3E80  }
0x19e: {  	[sflag:s13] =	ssyncset.done $0x0  }
0x19f: {  	[sflag:s13] =	ssyncadd.s32 $0xFFFFC180  }
0x1a0: {  	[tilespmem:s17], [sflag:$0x2] =	stream.indirect.gather [hbm4b:s4+s15], $0x80, s26, s15, $0xb8;
	[tilespmem:$0x1C880] =	vst v63  }
0x1a1: {  	_ =	swait.ge [sflag:s18], $0x3E80  }
0x1a2: {  	[sflag:s18] =	ssyncset.done $0x0  }
0x1a3: {  	[sflag:s18] =	ssyncadd.s32 $0xFFFFC180  }
0x1a4: {  	[spmem:s2] =	stream.indirect.scatter.add.f32 [tilespmem:s16], [sflag:$0x3], $0x80, s28, s15, $0xb8;
	[tilespmem:$0x1C880] =	vst v63  }
0x1a5: {  	_ =	swait.ge [sflag:s13], $0x3E80  }
0x1a6: {  	[sflag:s13] =	ssyncset.done $0x0  }
0x1a7: {  	[sflag:s13] =	ssyncadd.s32 $0xFFFFC180  }
0x1a8: {  	[tilespmem:s16], [sflag:$0x1] =	stream.indirect.gather [hbm4b:s4+s15], $0x80, s29, s15, $0xb8;
	[tilespmem:$0x1C880] =	vst v63  }
0x1a9: {  	_ =	swait.ge [sflag:s19], $0x3E80  }
0x1aa: {  	[sflag:s19] =	ssyncset.done $0x0  }
0x1ab: {  	[sflag:s19] =	ssyncadd.s32 $0xFFFFC180  }
0x1ac: {  	[spmem:s2] =	stream.indirect.scatter.add.f32 [tilespmem:s17], [sflag:$0x3], $0x80, s30, s15, $0xb8;
	[tilespmem:$0x1C880] =	vst v63  }
0x1ad: {  	_ =	swait.ge [sflag:s13], $0x3E80  }
0x1ae: {  	[sflag:s13] =	ssyncset.done $0x0  }
0x1af: {  	[sflag:s13] =	ssyncadd.s32 $0xFFFFC180  }
0x1b0: {  	[tilespmem:s17], [sflag:$0x2] =	stream.indirect.gather [hbm4b:s4+s15], $0x80, s31, s15, $0xb8;
	[tilespmem:$0x1C880] =	vst v63  }
0x1b1: {  	_ =	swait.ge [sflag:s18], $0x3E80  }
0x1b2: {  	[sflag:s18] =	ssyncset.done $0x0  }
0x1b3: {  	[sflag:s18] =	ssyncadd.s32 $0xFFFFC180  }
0x1b4: {  	[spmem:s2] =	stream.indirect.scatter.add.f32 [tilespmem:s16], [sflag:$0x3], $0x80, s0, s15, $0xb8;
	[tilespmem:$0x1C880] =	vst v63  }
0x1b5: {  	_ =	swait.ge [sflag:s13], $0x3E80  }
0x1b6: {  	[sflag:s13] =	ssyncset.done $0x0  }
0x1b7: {  	[sflag:s13] =	ssyncadd.s32 $0xFFFFC180  }
0x1b8: {  	[tilespmem:s16], [sflag:$0x1] =	stream.indirect.gather [hbm4b:s4+s15], $0x80, s1, s15, $0xb8;
	[tilespmem:$0x1C880] =	vst v63  }
0x1b9: {  	_ =	swait.ge [sflag:s19], $0x3E80  }
0x1ba: {  	[sflag:s19] =	ssyncset.done $0x0  }
0x1bb: {  	[sflag:s19] =	ssyncadd.s32 $0xFFFFC180  }
0x1bc: {  	[spmem:s2] =	stream.indirect.scatter.add.f32 [tilespmem:s17], [sflag:$0x3], $0x80, s5, s15, $0xb8;
	[tilespmem:$0x1C880] =	vst v63  }
0x1bd: {  	_ =	swait.ge [sflag:s13], $0x3E80  }
0x1be: {  	[sflag:s13] =	ssyncset.done $0x0  }
0x1bf: {  	[sflag:s13] =	ssyncadd.s32 $0xFFFFC180  }
0x1c0: {  	[tilespmem:s17], [sflag:$0x2] =	stream.indirect.gather [hbm4b:s4+s15], $0x80, s6, s15, $0xb8;
	[tilespmem:$0x1C880] =	vst v63  }
0x1c1: {  	_ =	swait.ge [sflag:s18], $0x3E80  }
0x1c2: {  	[sflag:s18] =	ssyncset.done $0x0  }
0x1c3: {  	[sflag:s18] =	ssyncadd.s32 $0xFFFFC180  }
0x1c4: {  	[spmem:s2] =	stream.indirect.scatter.add.f32 [tilespmem:s16], [sflag:$0x3], $0x80, s7, s15, $0xb8;
	[tilespmem:$0x1C880] =	vst v63  }
0x1c5: {  	_ =	swait.ge [sflag:s13], $0x3E80  }
0x1c6: {  	[sflag:s13] =	ssyncset.done $0x0  }
0x1c7: {  	[sflag:s13] =	ssyncadd.s32 $0xFFFFC180  }
0x1c8: {  	_ =	swait.ge [sflag:s19], $0x3E80  }
0x1c9: {  	[sflag:s19] =	ssyncset.done $0x0  }
0x1ca: {  	[sflag:s19] =	ssyncadd.s32 $0xFFFFC180  }
0x1cb: {  	[spmem:s2] =	stream.indirect.scatter.add.f32 [tilespmem:s17], [sflag:$0x3], $0x80, s8, s15, $0xb8;
	[tilespmem:$0x1C880] =	vst v63  }
0x1cc: {  	_ =	swait.ge [sflag:s13], $0x3E80  }
0x1cd: {  	[sflag:s13] =	ssyncset.done $0x0  }
0x1ce: {  	[sflag:s13] =	ssyncadd.s32 $0xFFFFC180  }
0x1cf: {  	[bflag:$0x0] =	sbarrier.arrive $0xFFFF  }
0x1d0: {  	s10 =	rddreg [dreg:$0x15]  }
0x1d1: {  	s9 =	simm.s32 @p0 $0x1FC3;
	s11 =	rddreg [dreg:$0x17]  }
0x1d2: {  	[hbm:s10], [sflag:s9] =	dma.local @p0 [spmem:s11], $0x2800  }
0x1d3: {  	s9 =	simm.s32 @p0 $0x3  }
0x1d4: {  	_ =	swait.ge @p0 [sflag:s9], $0x2800  }
0x1d5: {  	s12 =	rddreg [dreg:$0x18]  }
0x1d6: {  	[sflag:s9] =	ssyncset.done @p0 $0x0;
	s11 =	rddreg [dreg:$0x19]  }
0x1d7: {  	s10 =	simm.s32 @!p0 $0x3;
	[sflag:s9] =	ssyncadd.s32 @p0 $0xFFFFD800;
	s9 =	rddreg [dreg:$0x14]  }
0x1d8: {  	[hbm:s9], [sflag:s12] =	dma.local @!p0 [spmem:s11], $0x2700  }
0x1d9: {  	_ =	swait.ge @!p0 [sflag:s10], $0x2700  }
0x1da: {  	s12 =	rddreg [dreg:$0x1a]  }
0x1db: {  	s9 =	sadd.s32 $0x1, s12;
	s12 =	rddreg [dreg:$0x16]  }
0x1dc: {  	p1 =	sne.s32 s9, s12  }
.Ltmp1:
0x1dd: {  	_ = 	snop;
	(pc) =	sbr.rel @p1 .LBB2_1-.Ltmp1, $3  }
0x1de: {  	_ =	sdelay $0x1  }
0x1df: {  	[sflag:s10] =	ssyncset.done @!p0 $0x0;
	[dreg:$0x1a] =	wrdreg s9;
	s9 =	simm.s32 @!p0 $0x3  }
0x1e0: {  	[sflag:s9] =	ssyncadd.s32 @!p0 $0xFFFFD900  }
0x1e1: {  	_ =	sfence.sel $0x180000  }
0x1e2: {  	[bflag:$0x0] =	sbarrier.arrive $0xFFFF  }
0x1e3: {  	_ =	strace $0x9000004A  }
0x1e4: {  	s0 =	stileid.u32;
	[bflag:$0x2] =	sbarrier.arrive $0xFFFF  }
0x1e5: {  	p0 =	sne.s32 s0, $0x0;
	s0 =	rddreg [dreg:$0x2]  }
0x1e6: {  	s0 =	sadd.s32 @!p0 $0x100000, s0  }
0x1e7: {  	[sflag:s0] =	ssyncadd.tile.s32 @!p0 $0x1;
	_ =	shalt  }
.Lfunc_end2:
_tile_overlayer_lowered:
.L_overlay_start_2:
0x1e8: {  	(tag) =	ssettag $0x2  }
0x1e9: {  	s0 =	rddreg [dreg:$0x0];
	s2 =	stileid.u32  }
0x1ea: {  	s1 =	rddreg [dreg:$0x1];
	p0 =	sne.s32 s2, $0x0  }
0x1eb: {  	s3 =	rddreg [dreg:$0x2];
	[bflag:$0x3] =	sbarrier.arrive $0xFFFF;
	s2 =	simm.s32 @!p0 $0x1C03  }
0x1ec: {  	[timem:s3], [sflag:s2] =	dma.local @!p0 [hbm:s0], s1  }
0x1ed: {  	s0 =	simm.s32 @!p0 $0x3  }
0x1ee: {  	_ =	swait.ge @!p0 [sflag:s0], s1  }
0x1ef: {  	s1 =	ssub.s32 @!p0 $0x0, s1;
	[sflag:s0] =	ssyncset.done @!p0 $0x0  }
0x1f0: {  	[sflag:s0] =	ssyncadd.s32 @!p0 s1  }
0x1f1: {  	[bflag:$0x3] =	sbarrier.arrive $0xFFFF  }
0x1f2: {  	_ =	shalt  }

// kernel: kernel.16.cloned.1.call-start
scs
__scs_entry_jumppad:
0x0: {  	(pc) =	sbr.rel $0x88, $3  }
0x1: {  	(tag) =	ssettag $0x0;
	lr =	simm.s32 $0x1  }
0x2: {  	[smem:$0x3F92] =	sst lr;
	_ =	strace $0xD0000000  }
0x3: {  	_ = 	snop  }
0x4: {  	_ = 	snop  }
0x5: {  	_ = 	snop  }
0x6: {  	_ = 	snop  }
0x7: {  	_ = 	snop  }
__scs_overlays_trampoline_lowered:
0x8: {  	[smem:$0x3FA1] =	sst s0  }
0x9: {  	[smem:$0x3FA2] =	sst s1  }
0xa: {  	[smem:$0x3FA3] =	sst s2  }
0xb: {  	[smem:$0x3FA4] =	sst s3  }
0xc: {  	[smem:$0x3FA5] =	sst s4  }
0xd: {  	[smem:$0x3FA6] =	sst s5  }
0xe: {  	[smem:$0x3FA7] =	sst s6  }
0xf: {  	[smem:$0x3FA8] =	sst s7  }
0x10: {  	[smem:$0x3FA9] =	sst s8  }
0x11: {  	[smem:$0x3FAA] =	sst s9;
	s0 =	simm.s32 @!p0 $0x0  }
0x12: {  	s1 =	sld [smem:$0x3F90];
	s0 =	simm.s32 @p0 $0x1  }
0x13: {  	[smem:$0x3FAB] =	sst s0;
	s0 =	simm.s32 @!p1 $0x0  }
0x14: {  	s2 =	sld [smem:$0x3F8F];
	s0 =	simm.s32 @p1 $0x1  }
0x15: {  	[smem:$0x3FAC] =	sst s0;
	s0 =	simm.s32 @!p2 $0x0  }
0x16: {  	s3 =	sld [smem:$0x3FDB];
	s0 =	simm.s32 @p2 $0x1  }
0x17: {  	s4 =	simm.s32 $0x1BF5;
	[smem:$0x3FAE] =	sst s0  }
0x18: {  	s0 =	sld [smem:$0x3F91];
	_ =	swait.ge [sflag:s4], $0x0  }
0x19: {  	s7 =	sld [smem:$0x3F92]  }
0x1a: {  	s8 =	sadd.s32 $0xFFFFE003, lr  }
0x1b: {  	s9 =	sadd.s32 $0xFFFFFEF7, lr;
	s5 =	simm.s32 $0xFFFFFFFF;
	p2 =	slt.u32 s8, $0xFFFFF086  }
0x1c: {  	p1 =	slt.u32 s9, $0xF7A;
	s5 =	simm.s32 @!p2 $0x0  }
0x1d: {  	s5 =	simm.s32 @p1 $0x1;
	p0 =	seq.s32 s7, s2  }
0x1e: {  	s7 =	smul.u32 @!p0 $0xF7A, s2;
	p2 =	seq.s32 @!p0 s5, $0x0  }
0x1f: {  	s9 =	smul.u32 $0xF7A, s1;
	s8 =	simm.s32 @!p0 $0x1BF5;
	p2 =	por !p2, p0  }
0x20: {  	[sflag:s8] =	ssyncset.s32 @!p0 $0xFFFFF086;
	s6 =	sadd.s32 @!p0 s3, s7;
	s7 =	simm.s32 @!p0 $0x108  }
0x21: {  	s3 =	sadd.s32 s3, s9;
	s6 =	sadd.s32 @!p0 $0x88, s6;
	s7 =	simm.s32 @p2 $0x1082  }
0x22: {  	[simem:s7], [sflag:s8] =	dma.local @!p0 [hbm:s6], $0xF7A  }
0x23: {  	s9 =	sor.u32 $0xD0000000, s2;
	s6 =	simm.s32 $0x108;
	_ =	swait.ge @!p0 [sflag:s8], $0x0  }
0x24: {  	s3 =	sadd.s32 $0x88, s3;
	s6 =	simm.s32 @!p1 $0x1082;
	[sflag:s4] =	ssyncset.s32 $0xFFFFF086  }
0x25: {  	[simem:s6], [sflag:s4] =	dma.local [hbm:s3], $0xF7A  }
0x26: {  	[smem:$0x3F92] =	sst s1;
	(tag) =	ssettag s2;
	_ =	strace s9  }
0x27: {  	s1 =	sld [smem:$0x3FA2]  }
0x28: {  	s2 =	sld [smem:$0x3FA3]  }
0x29: {  	s4 =	sld [smem:$0x3FA5]  }
0x2a: {  	p0 =	seq.s32 s5, $0x0;
	s5 =	sld [smem:$0x3FA6]  }
0x2b: {  	s6 =	sld [smem:$0x3FA7]  }
0x2c: {  	s7 =	sld [smem:$0x3FA8]  }
0x2d: {  	s3 =	simm.s32 $0x108;
	s8 =	sld [smem:$0x3FA9]  }
0x2e: {  	s3 =	simm.s32 @!p0 $0x1082;
	s9 =	sld [smem:$0x3FAA]  }
0x2f: {  	lr =	sadd.s32 s0, s3;
	s0 =	sld [smem:$0x3FA1]  }
0x30: {  	s3 =	sld [smem:$0x3FA4]  }
0x31: {  	[smem:$0x3FAD] =	sst s10  }
0x32: {  	s10 =	sld [smem:$0x3FAB];
	_ =	sdelay $0x3  }
0x33: {  	p0 =	seq.s32 s10, $0x1;
	s10 =	sld [smem:$0x3FAD];
	_ =	sdelay $0x3  }
0x34: {  	[smem:$0x3FAD] =	sst s10  }
0x35: {  	s10 =	sld [smem:$0x3FAC];
	_ =	sdelay $0x3  }
0x36: {  	p1 =	seq.s32 s10, $0x1;
	s10 =	sld [smem:$0x3FAD];
	_ =	sdelay $0x3  }
0x37: {  	[smem:$0x3FAD] =	sst s10  }
0x38: {  	s10 =	sld [smem:$0x3FAE]  }
0x39: {  	_ = 	snop;
	(pc) =	sbr.ind lr, $3  }
0x3a: {  	_ = 	snop  }
0x3b: {  	_ = 	snop  }
0x3c: {  	p2 =	seq.s32 s10, $0x1;
	s10 =	sld [smem:$0x3FAD]  }
0x3d: {  	_ =	shalt  }
0x3e: {  	_ =	shalt  }
0x3f: {  	_ =	shalt  }
0x40: {  	_ =	shalt  }
0x41: {  	_ =	shalt  }
0x42: {  	_ =	shalt  }
0x43: {  	_ =	shalt  }
0x44: {  	_ =	shalt  }
0x45: {  	_ =	shalt  }
0x46: {  	_ =	shalt  }
0x47: {  	_ =	shalt  }
0x48: {  	_ =	shalt  }
0x49: {  	_ =	shalt  }
0x4a: {  	_ =	shalt  }
0x4b: {  	_ =	shalt  }
0x4c: {  	_ =	shalt  }
0x4d: {  	_ =	shalt  }
0x4e: {  	_ =	shalt  }
0x4f: {  	_ =	shalt  }
0x50: {  	_ =	shalt  }
0x51: {  	_ =	shalt  }
0x52: {  	_ =	shalt  }
0x53: {  	_ =	shalt  }
0x54: {  	_ =	shalt  }
0x55: {  	_ =	shalt  }
0x56: {  	_ =	shalt  }
0x57: {  	_ =	shalt  }
0x58: {  	_ =	shalt  }
0x59: {  	_ =	shalt  }
0x5a: {  	_ =	shalt  }
0x5b: {  	_ =	shalt  }
0x5c: {  	_ =	shalt  }
0x5d: {  	_ =	shalt  }
0x5e: {  	_ =	shalt  }
0x5f: {  	_ =	shalt  }
0x60: {  	_ =	shalt  }
0x61: {  	_ =	shalt  }
0x62: {  	_ =	shalt  }
0x63: {  	_ =	shalt  }
0x64: {  	_ =	shalt  }
0x65: {  	_ =	shalt  }
0x66: {  	_ =	shalt  }
0x67: {  	_ =	shalt  }
0x68: {  	_ =	shalt  }
0x69: {  	_ =	shalt  }
0x6a: {  	_ =	shalt  }
0x6b: {  	_ =	shalt  }
0x6c: {  	_ =	shalt  }
0x6d: {  	_ =	shalt  }
0x6e: {  	_ =	shalt  }
0x6f: {  	_ =	shalt  }
0x70: {  	_ =	shalt  }
0x71: {  	_ =	shalt  }
0x72: {  	_ =	shalt  }
0x73: {  	_ =	shalt  }
0x74: {  	_ =	shalt  }
0x75: {  	_ =	shalt  }
0x76: {  	_ =	shalt  }
0x77: {  	_ =	shalt  }
0x78: {  	_ =	shalt  }
0x79: {  	_ =	shalt  }
0x7a: {  	_ =	shalt  }
0x7b: {  	_ =	shalt  }
0x7c: {  	_ =	shalt  }
0x7d: {  	_ =	shalt  }
0x7e: {  	_ =	shalt  }
0x7f: {  	_ =	shalt  }
0x80: {  	_ =	shalt  }
0x81: {  	_ =	shalt  }
0x82: {  	_ =	shalt  }
0x83: {  	_ =	shalt  }
0x84: {  	_ =	shalt  }
0x85: {  	_ =	shalt  }
0x86: {  	_ =	shalt  }
0x87: {  	_ =	shalt  }
.Lfunc_end0:
.L_simem_size_0:
called_computation.2_lowered:
.L_overlay_start_0:
0x88: {  	s2 =	sld [smem:$0x3FD9]  }
0x89: {  	s3 =	sld [smem:$0x3FFE];
	_ =	sdelay $0x1  }
0x8a: {  	s1 =	srdreg.scid  }
0x8b: {  	s0 =	sand.u32 $0x1, s1  }
0x8c: {  	s16 =	sshll.u32 s0, $0xA;
	s2 =	sadd.s32 s3, s2  }
0x8d: {  	s2 =	sadd.s32 s2, s16  }
0x8e: {  	[smem:$0x3FB9] =	sst s2  }
0x8f: {  	_ = 	snop  }
0x90: {  	(tm) =	ssettm $0x1  }
0x91: {  	s17 =	sld [smem:$0x3FFB];
	_ =	sdelay $0x3  }
0x92: {  	_ =	strace s17  }
0x93: {  	s2 =	sld [smem:$0x3FFC];
	_ =	sdelay $0x3  }
0x94: {  	_ =	strace s2  }
0x95: {  	s2 =	sld [smem:$0x3FFD];
	_ =	sdelay $0x3  }
0x96: {  	_ =	strace s2  }
0x97: {  	_ =	strace $0x8FFFFFFF  }
0x98: {  	s18 =	sld [smem:$0x3FDB];
	_ =	sdelay $0x1  }
0x99: {  	s19 =	simm.s32 $_scs_section_size  }
0x9a: {  	s4 =	simm.s32 $_size__tile_overlayer_lowered;
	s5 =	simm.s32 $_tile_overlayer_lowered  }
0x9b: {  	s22 =	simm.s32 $0x1BFF;
	s21 =	sshll.u32 s5, $0x1;
	s2 =	sadd.s32 s19, s18  }
0x9c: {  	s6 =	simm.s32 $0x0;
	s20 =	sshll.u32 s4, $0x1;
	s4 =	sadd.s32 s21, s2  }
0x9d: {  	[timem:s6], [sflag:s22] =	dma.local [hbm:s4], s20  }
0x9e: {  	_ =	swait.ge [sflag:s22], s20  }
0x9f: {  	s3 =	ssub.s32 $0x0, s20;
	[sflag:s22] =	ssyncset.done $0x0  }
0xa0: {  	[sflag:s22] =	ssyncadd.s32 s3;
	_ =	sdelay $0x1  }
0xa1: {  	s23 =	simm.s32 $0x1B8B  }
0xa2: {  	_ =	swait.ge [sflag:s23], $0x1  }
0xa3: {  	[sflag:s23] =	ssyncset.done $0x0  }
0xa4: {  	s25 =	simm.s32 $0x1B8E;
	s24 =	sld [smem:$0x3FFE];
	[sflag:s23] =	ssyncadd.s32 $0xFFFFFFFF  }
0xa5: {  	s26 =	simm.s32 $execute0_lowered;
	[smem:$0x3FD2] =	sst s25  }
0xa6: {  	s4 =	sshll.u32 s26, $0x1;
	_ =	strace $0x8000004C;
	[dreg:$0x1] =	wrdreg $0xFFFFFFFF  }
0xa7: {  	s28 =	simm.s32 $_size_execute0_lowered;
	s2 =	sadd.s32 s2, s4;
	[dreg:$0x0] =	wrdreg $0x0  }
0xa8: {  	s4 =	sshll.u32 s28, $0x1;
	[dreg:$0x2] =	wrdreg s2  }
0xa9: {  	[dreg:$0x3] =	wrdreg s4  }
0xaa: {  	[dreg:$0x4] =	wrdreg $0xC0  }
0xab: {  	_ =	task [dreg:s6], $0x5FFFF  }
0xac: {  	[dreg:$0x1] =	wrdreg $0xFFFFFFFF  }
0xad: {  	[dreg:$0x0] =	wrdreg $0x60  }
0xae: {  	[dreg:$0x2] =	wrdreg s24  }
0xaf: {  	[dreg:$0x3] =	wrdreg $0x90000  }
0xb0: {  	[dreg:$0x4] =	wrdreg $0x9  }
0xb1: {  	_ =	task.clear_ibuf [dreg:s6], $0x5FFFF;
	_ =	strace $0x9000004C  }
0xb2: {  	s29 =	simm.s32 $0x9;
	_ =	strace $0x8000004E  }
0xb3: {  	_ =	swait.ge [sflag:s29], $0x1  }
0xb4: {  	[sflag:s29] =	ssyncadd.s32 $0xFFFFFFFF  }
0xb5: {  	_ =	strace $0x9000004E  }
0xb6: {  	_ =	sfence  }
0xb7: {  	s30 =	sld [smem:$0x0];
	_ =	sdelay $0x2  }
0xb8: {  	s31 =	sshll.u32 s1, $0xD;
	s1 =	sshrl.u32 s1, $0x2  }
0xb9: {  	s3 =	sand.u32 $0x4000, s31;
	s1 =	sadd.s32 s1, s30  }
0xba: {  	s0 =	sor.u32 s3, s0;
	s1 =	sshll.u32 s1, $0x11  }
0xbb: {  	s0 =	sor.u32 s1, s0  }
0xbc: {  	s0 =	sadd.s32 $0x8F2B, s0  }
0xbd: {  	[sflag:s0] =	ssyncadd.remote.s32 $0x1  }
0xbe: {  	_ =	sfence.sel $0xFFFF  }
0xbf: {  	[dreg:$0x0] =	wrdreg $0xFFFFFFFF;
	(pc) =	sbr.abs _section_cstart, $3  }
0xc0: {  	[dreg:$0x1] =	wrdreg $0xFFFFFFFF  }
0xc1: {  	_ =	task.clear_ibuf [dreg:s6], $0x2FFFF;
	_ =	strace $0x9FFFFFFF  }
0xc2: {  	(tm) =	ssettm $0x7FFFFFFF  }
0xc3: {  	_ =	shalt  }
tec
execute0_lowered:
.L_overlay_start_1:
0x0: {  	(tag) =	ssettag $0x1  }
0x1: {  	s0 =	rddreg [dreg:$0x0]  }
0x2: {  	s1 =	srdreg.scid;
	s2 =	rddreg [dreg:$0x1]  }
0x3: {  	s13 =	stileid.u32;
	s3 =	simm.s32 $0x0;
	s19 =	simm.s32 $0x80  }
0x4: {  	s20 =	simm.s32 $0x100;
	s22 =	simm.s32 $0x880;
	s23 =	simm.s32 $0x180  }
0x5: {  	s24 =	simm.s32 $0x900;
	s25 =	simm.s32 $0x200;
	s26 =	simm.s32 $0x980  }
0x6: {  	s14 =	simm.s32 $0x800;
	[smem:$0x7FF] =	sst s3;
	s17 =	sadd.s32 $0x63500, s0  }
0x7: {  	s15 =	simm.s32 $0x7D;
	_ =	strace $0x8000004D;
	[dreg:$0x13] =	wrdreg s17  }
0x8: {  	s28 =	simm.s32 $0xD00;
	s29 =	simm.s32 $0x600;
	[dreg:$0x5] =	wrdreg s19  }
0x9: {  	s30 =	simm.s32 $0xD80;
	s5 =	smul.u32 $0x2800, s13;
	[dreg:$0x6] =	wrdreg s20  }
0xa: {  	s31 =	simm.s32 $0x680;
	s6 =	smul.u32 $0x2700, s13;
	[dreg:$0x7] =	wrdreg s22  }
0xb: {  	s1 =	sand.u32 $0x1, s1;
	s7 =	smul.u32 $0x4E000, s13;
	[dreg:$0x8] =	wrdreg s23  }
0xc: {  	s11 =	smul.u32 $0x13800, s13;
	s12 =	sadd.s32 $0x65E00, s0;
	[dreg:$0x9] =	wrdreg s24  }
0xd: {  	p0 =	seq.s32 s13, $0xF;
	s4 =	smul.u32 $0x28000, s1;
	[dreg:$0xa] =	wrdreg s25  }
0xe: {  	s9 =	ssub.s32 $0x2, s1;
	s1 =	smul.u32 $0x138800, s1;
	[dreg:$0xb] =	wrdreg s26  }
0xf: {  	s17 =	simm.s32 $0x5000;
	s19 =	simm.s32 $0x2;
	s20 =	simm.s32 $0x400  }
0x10: {  	s22 =	simm.s32 $0x480;
	s23 =	simm.s32 $0xC00;
	s24 =	simm.s32 $0x500  }
0x11: {  	s25 =	simm.s32 $0xC80;
	s26 =	simm.s32 $0x580;
	s6 =	sadd.s32 s6, s0  }
0x12: {  	s10 =	sshrl.u32 s9, $0x1;
	s7 =	sshrl.u32 s7, $0x2;
	s5 =	sadd.s32 s5, s4  }
0x13: {  	s4 =	sadd.s32 $0x17A00, s0;
	s9 =	ssub.s32 s9, s10;
	s7 =	sadd.s32 s7, s2  }
0x14: {  	s6 =	sadd.s32 $0x3EC00, s6;
	s16 =	sadd.s32 s11, s1;
	s10 =	sadd.s32 $0x124800, s2  }
0x15: {  	s1 =	sshrl.u32 s1, $0x3;
	[dreg:$0x12] =	wrdreg s6;
	s21 =	smax.u32 s9, $0x1  }
0x16: {  	s11 =	sshrl.u32 @!p0 s7, $0x3;
	s7 =	simm.s32 $0xA80;
	[dreg:$0x16] =	wrdreg s21  }
0x17: {  	s5 =	sshrl.u32 s5, $0x3;
	s9 =	simm.s32 $0xB00;
	[dreg:$0xf] =	wrdreg s7  }
0x18: {  	s6 =	sshrl.u32 s16, $0x3;
	s1 =	sadd.s32 s12, s1;
	[dreg:$0x11] =	wrdreg s9  }
0x19: {  	s16 =	simm.s32 $0x1000;
	s6 =	sadd.s32 s12, s6;
	[dreg:$0x19] =	wrdreg s11  }
0x1a: {  	s8 =	sadd.s32 s5, s0;
	s1 =	sadd.s32 $0x24900, s1;
	[dreg:$0x14] =	wrdreg s6  }
0x1b: {  	s0 =	sadd.s32 $0xDA00, s0;
	s18 =	sadd.s32 $0x3A00, s8;
	[dreg:$0x15] =	wrdreg s1  }
0x1c: {  	s21 =	simm.s32 $0xB80;
	s0 =	sadd.s32 s0, s5;
	[dreg:$0x3] =	wrdreg s18  }
0x1d: {  	s7 =	simm.s32 $0xF00;
	s1 =	sshrl.u32 @p0 s10, $0x3;
	[dreg:$0x4] =	wrdreg s0  }
0x1e: {  	s5 =	simm.s32 $0xA00;
	s6 =	simm.s32 $0x300;
	[dreg:$0x17] =	wrdreg s1  }
0x1f: {  	s8 =	simm.s32 $0x380;
	s10 =	simm.s32 $0x0;
	[dreg:$0xd] =	wrdreg s5  }
0x20: {  	s1 =	sshll.u32 @!p0 s13, $0x6;
	s13 =	simm.s32 $0x3;
	[dreg:$0xe] =	wrdreg s6  }
0x21: {  	[dreg:$0x10] =	wrdreg s8;
	s18 =	simm.s32 $0x1;
	s0 =	simm.s32 $0xE00  }
0x22: {  	[dreg:$0x1a] =	wrdreg s10;
	s12 =	sor.u32 @!p0 $0x1C03, s1;
	s1 =	simm.s32 $0x280  }
0x23: {  	s5 =	simm.s32 $0xE80;
	s6 =	simm.s32 $0x780;
	[dreg:$0xc] =	wrdreg s1  }
0x24: {  	s8 =	simm.s32 $0xF80;
	s1 =	simm.s32 $0x700;
	[dreg:$0x18] =	wrdreg s12  }
.LBB2_1:
0x25: {  	s9 =	rddreg [dreg:$0x13]  }
0x26: {  	s10 =	simm.s32 @p0 $0x1FC3;
	s12 =	rddreg [dreg:$0x17]  }
0x27: {  	[spmem:s12], [sflag:s10] =	dma.local @p0 [hbm:s9], $0x2800  }
0x28: {  	s10 =	simm.s32 @p0 $0x3  }
0x29: {  	_ =	swait.ge @p0 [sflag:s10], $0x2800  }
0x2a: {  	[sflag:s10] =	ssyncset.done @p0 $0x0;
	s9 =	rddreg [dreg:$0x12]  }
0x2b: {  	[sflag:s10] =	ssyncadd.s32 @p0 $0xFFFFD800;
	s10 =	rddreg [dreg:$0x18]  }
0x2c: {  	[spmem:s11], [sflag:s10] =	dma.local @!p0 [hbm:s9], $0x2700  }
0x2d: {  	s10 =	simm.s32 @!p0 $0x3  }
0x2e: {  	_ =	swait.ge @!p0 [sflag:s10], $0x2700  }
0x2f: {  	[sflag:s10] =	ssyncset.done @!p0 $0x0  }
0x30: {  	[sflag:s10] =	ssyncadd.s32 @!p0 $0xFFFFD900  }
0x31: {  	[bflag:$0x0] =	sbarrier.arrive $0xFFFF  }
0x32: {  	s9 =	rddreg [dreg:$0x3]  }
0x33: {  	s10 =	sadd.s32 $0x0, s9  }
0x34: {  	[tilespmem:s3], [sflag:$0x3] =	stream.linear.gather [hbm4b:s10+s3], $0x800, $0x38;
	[tilespmem:$0x1C880] =	vst v63  }
0x35: {  	_ =	swait.ge [sflag:s13], $0x800  }
0x36: {  	s11 =	rddreg [dreg:$0x4];
	[sflag:s13] =	ssyncset.done $0x0  }
0x37: {  	[sflag:s13] =	ssyncadd.s32 $0xFFFFF800;
	s10 =	sadd.s32 $0x0, s11  }
0x38: {  	[tilespmem:s14], [sflag:$0x3] =	stream.linear.gather [hbm4b:s10+s3], $0x800, $0x38;
	[tilespmem:$0x1C880] =	vst v63  }
0x39: {  	_ =	swait.ge [sflag:s13], $0x800  }
0x3a: {  	[sflag:s13] =	ssyncset.done $0x0  }
0x3b: {  	[sflag:s13] =	ssyncadd.s32 $0xFFFFF800  }
0x3c: {  	[tilespmem:s16], [sflag:$0x1] =	stream.indirect.gather [hbm4b:s4+s15], $0x80, s3, s15, $0xb8;
	[tilespmem:$0x1C880] =	vst v63  }
0x3d: {  	s12 =	rddreg [dreg:$0x5]  }
0x3e: {  	[tilespmem:s17], [sflag:$0x2] =	stream.indirect.gather [hbm4b:s4+s15], $0x80, s12, s15, $0xb8;
	[tilespmem:$0x1C880] =	vst v63  }
0x3f: {  	_ =	swait.ge [sflag:s18], $0x3E80  }
0x40: {  	[sflag:s18] =	ssyncset.done $0x0  }
0x41: {  	[sflag:s18] =	ssyncadd.s32 $0xFFFFC180  }
0x42: {  	[spmem:s2] =	stream.indirect.scatter.add.f32 [tilespmem:s16], [sflag:$0x3], $0x80, s14, s15, $0xb8;
	[tilespmem:$0x1C880] =	vst v63  }
0x43: {  	_ =	swait.ge [sflag:s13], $0x3E80  }
0x44: {  	[sflag:s13] =	ssyncset.done $0x0  }
0x45: {  	s9 =	rddreg [dreg:$0x6];
	[sflag:s13] =	ssyncadd.s32 $0xFFFFC180  }
0x46: {  	[tilespmem:s16], [sflag:$0x1] =	stream.indirect.gather [hbm4b:s4+s15], $0x80, s9, s15, $0xb8;
	[tilespmem:$0x1C880] =	vst v63  }
0x47: {  	_ =	swait.ge [sflag:s19], $0x3E80  }
0x48: {  	[sflag:s19] =	ssyncset.done $0x0  }
0x49: {  	s11 =	rddreg [dreg:$0x7];
	[sflag:s19] =	ssyncadd.s32 $0xFFFFC180  }
0x4a: {  	[spmem:s2] =	stream.indirect.scatter.add.f32 [tilespmem:s17], [sflag:$0x3], $0x80, s11, s15, $0xb8;
	[tilespmem:$0x1C880] =	vst v63  }
0x4b: {  	_ =	swait.ge [sflag:s13], $0x3E80  }
0x4c: {  	[sflag:s13] =	ssyncset.done $0x0  }
0x4d: {  	s12 =	rddreg [dreg:$0x8];
	[sflag:s13] =	ssyncadd.s32 $0xFFFFC180  }
0x4e: {  	[tilespmem:s17], [sflag:$0x2] =	stream.indirect.gather [hbm4b:s4+s15], $0x80, s12, s15, $0xb8;
	[tilespmem:$0x1C880] =	vst v63  }
0x4f: {  	_ =	swait.ge [sflag:s18], $0x3E80  }
0x50: {  	[sflag:s18] =	ssyncset.done $0x0  }
0x51: {  	s9 =	rddreg [dreg:$0x9];
	[sflag:s18] =	ssyncadd.s32 $0xFFFFC180  }
0x52: {  	[spmem:s2] =	stream.indirect.scatter.add.f32 [tilespmem:s16], [sflag:$0x3], $0x80, s9, s15, $0xb8;
	[tilespmem:$0x1C880] =	vst v63  }
0x53: {  	_ =	swait.ge [sflag:s13], $0x3E80  }
0x54: {  	[sflag:s13] =	ssyncset.done $0x0  }
0x55: {  	s11 =	rddreg [dreg:$0xa];
	[sflag:s13] =	ssyncadd.s32 $0xFFFFC180  }
0x56: {  	[tilespmem:s16], [sflag:$0x1] =	stream.indirect.gather [hbm4b:s4+s15], $0x80, s11, s15, $0xb8;
	[tilespmem:$0x1C880] =	vst v63  }
0x57: {  	_ =	swait.ge [sflag:s19], $0x3E80  }
0x58: {  	[sflag:s19] =	ssyncset.done $0x0  }
0x59: {  	s12 =	rddreg [dreg:$0xb];
	[sflag:s19] =	ssyncadd.s32 $0xFFFFC180  }
0x5a: {  	[spmem:s2] =	stream.indirect.scatter.add.f32 [tilespmem:s17], [sflag:$0x3], $0x80, s12, s15, $0xb8;
	[tilespmem:$0x1C880] =	vst v63  }
0x5b: {  	_ =	swait.ge [sflag:s13], $0x3E80  }
0x5c: {  	[sflag:s13] =	ssyncset.done $0x0  }
0x5d: {  	s9 =	rddreg [dreg:$0xc];
	[sflag:s13] =	ssyncadd.s32 $0xFFFFC180  }
0x5e: {  	[tilespmem:s17], [sflag:$0x2] =	stream.indirect.gather [hbm4b:s4+s15], $0x80, s9, s15, $0xb8;
	[tilespmem:$0x1C880] =	vst v63  }
0x5f: {  	_ =	swait.ge [sflag:s18], $0x3E80  }
0x60: {  	[sflag:s18] =	ssyncset.done $0x0  }
0x61: {  	s11 =	rddreg [dreg:$0xd];
	[sflag:s18] =	ssyncadd.s32 $0xFFFFC180  }
0x62: {  	[spmem:s2] =	stream.indirect.scatter.add.f32 [tilespmem:s16], [sflag:$0x3], $0x80, s11, s15, $0xb8;
	[tilespmem:$0x1C880] =	vst v63  }
0x63: {  	_ =	swait.ge [sflag:s13], $0x3E80  }
0x64: {  	[sflag:s13] =	ssyncset.done $0x0  }
0x65: {  	s12 =	rddreg [dreg:$0xe];
	[sflag:s13] =	ssyncadd.s32 $0xFFFFC180  }
0x66: {  	[tilespmem:s16], [sflag:$0x1] =	stream.indirect.gather [hbm4b:s4+s15], $0x80, s12, s15, $0xb8;
	[tilespmem:$0x1C880] =	vst v63  }
0x67: {  	_ =	swait.ge [sflag:s19], $0x3E80  }
0x68: {  	[sflag:s19] =	ssyncset.done $0x0  }
0x69: {  	s9 =	rddreg [dreg:$0xf];
	[sflag:s19] =	ssyncadd.s32 $0xFFFFC180  }
0x6a: {  	[spmem:s2] =	stream.indirect.scatter.add.f32 [tilespmem:s17], [sflag:$0x3], $0x80, s9, s15, $0xb8;
	[tilespmem:$0x1C880] =	vst v63  }
0x6b: {  	_ =	swait.ge [sflag:s13], $0x3E80  }
0x6c: {  	[sflag:s13] =	ssyncset.done $0x0  }
0x6d: {  	s11 =	rddreg [dreg:$0x10];
	[sflag:s13] =	ssyncadd.s32 $0xFFFFC180  }
0x6e: {  	[tilespmem:s17], [sflag:$0x2] =	stream.indirect.gather [hbm4b:s4+s15], $0x80, s11, s15, $0xb8;
	[tilespmem:$0x1C880] =	vst v63  }
0x6f: {  	_ =	swait.ge [sflag:s18], $0x3E80  }
0x70: {  	[sflag:s18] =	ssyncset.done $0x0  }
0x71: {  	s12 =	rddreg [dreg:$0x11];
	[sflag:s18] =	ssyncadd.s32 $0xFFFFC180  }
0x72: {  	[spmem:s2] =	stream.indirect.scatter.add.f32 [tilespmem:s16], [sflag:$0x3], $0x80, s12, s15, $0xb8;
	[tilespmem:$0x1C880] =	vst v63  }
0x73: {  	_ =	swait.ge [sflag:s13], $0x3E80  }
0x74: {  	[sflag:s13] =	ssyncset.done $0x0  }
0x75: {  	[sflag:s13] =	ssyncadd.s32 $0xFFFFC180  }
0x76: {  	[tilespmem:s16], [sflag:$0x1] =	stream.indirect.gather [hbm4b:s4+s15], $0x80, s20, s15, $0xb8;
	[tilespmem:$0x1C880] =	vst v63  }
0x77: {  	_ =	swait.ge [sflag:s19], $0x3E80  }
0x78: {  	[sflag:s19] =	ssyncset.done $0x0  }
0x79: {  	[sflag:s19] =	ssyncadd.s32 $0xFFFFC180  }
0x7a: {  	[spmem:s2] =	stream.indirect.scatter.add.f32 [tilespmem:s17], [sflag:$0x3], $0x80, s21, s15, $0xb8;
	[tilespmem:$0x1C880] =	vst v63  }
0x7b: {  	_ =	swait.ge [sflag:s13], $0x3E80  }
0x7c: {  	[sflag:s13] =	ssyncset.done $0x0  }
0x7d: {  	[sflag:s13] =	ssyncadd.s32 $0xFFFFC180  }
0x7e: {  	[tilespmem:s17], [sflag:$0x2] =	stream.indirect.gather [hbm4b:s4+s15], $0x80, s22, s15, $0xb8;
	[tilespmem:$0x1C880] =	vst v63  }
0x7f: {  	_ =	swait.ge [sflag:s18], $0x3E80  }
0x80: {  	[sflag:s18] =	ssyncset.done $0x0  }
0x81: {  	[sflag:s18] =	ssyncadd.s32 $0xFFFFC180  }
0x82: {  	[spmem:s2] =	stream.indirect.scatter.add.f32 [tilespmem:s16], [sflag:$0x3], $0x80, s23, s15, $0xb8;
	[tilespmem:$0x1C880] =	vst v63  }
0x83: {  	_ =	swait.ge [sflag:s13], $0x3E80  }
0x84: {  	[sflag:s13] =	ssyncset.done $0x0  }
0x85: {  	[sflag:s13] =	ssyncadd.s32 $0xFFFFC180  }
0x86: {  	[tilespmem:s16], [sflag:$0x1] =	stream.indirect.gather [hbm4b:s4+s15], $0x80, s24, s15, $0xb8;
	[tilespmem:$0x1C880] =	vst v63  }
0x87: {  	_ =	swait.ge [sflag:s19], $0x3E80  }
0x88: {  	[sflag:s19] =	ssyncset.done $0x0  }
0x89: {  	[sflag:s19] =	ssyncadd.s32 $0xFFFFC180  }
0x8a: {  	[spmem:s2] =	stream.indirect.scatter.add.f32 [tilespmem:s17], [sflag:$0x3], $0x80, s25, s15, $0xb8;
	[tilespmem:$0x1C880] =	vst v63  }
0x8b: {  	_ =	swait.ge [sflag:s13], $0x3E80  }
0x8c: {  	[sflag:s13] =	ssyncset.done $0x0  }
0x8d: {  	[sflag:s13] =	ssyncadd.s32 $0xFFFFC180  }
0x8e: {  	[tilespmem:s17], [sflag:$0x2] =	stream.indirect.gather [hbm4b:s4+s15], $0x80, s26, s15, $0xb8;
	[tilespmem:$0x1C880] =	vst v63  }
0x8f: {  	_ =	swait.ge [sflag:s18], $0x3E80  }
0x90: {  	[sflag:s18] =	ssyncset.done $0x0  }
0x91: {  	[sflag:s18] =	ssyncadd.s32 $0xFFFFC180  }
0x92: {  	[spmem:s2] =	stream.indirect.scatter.add.f32 [tilespmem:s16], [sflag:$0x3], $0x80, s28, s15, $0xb8;
	[tilespmem:$0x1C880] =	vst v63  }
0x93: {  	_ =	swait.ge [sflag:s13], $0x3E80  }
0x94: {  	[sflag:s13] =	ssyncset.done $0x0  }
0x95: {  	[sflag:s13] =	ssyncadd.s32 $0xFFFFC180  }
0x96: {  	[tilespmem:s16], [sflag:$0x1] =	stream.indirect.gather [hbm4b:s4+s15], $0x80, s29, s15, $0xb8;
	[tilespmem:$0x1C880] =	vst v63  }
0x97: {  	_ =	swait.ge [sflag:s19], $0x3E80  }
0x98: {  	[sflag:s19] =	ssyncset.done $0x0  }
0x99: {  	[sflag:s19] =	ssyncadd.s32 $0xFFFFC180  }
0x9a: {  	[spmem:s2] =	stream.indirect.scatter.add.f32 [tilespmem:s17], [sflag:$0x3], $0x80, s30, s15, $0xb8;
	[tilespmem:$0x1C880] =	vst v63  }
0x9b: {  	_ =	swait.ge [sflag:s13], $0x3E80  }
0x9c: {  	[sflag:s13] =	ssyncset.done $0x0  }
0x9d: {  	[sflag:s13] =	ssyncadd.s32 $0xFFFFC180  }
0x9e: {  	[tilespmem:s17], [sflag:$0x2] =	stream.indirect.gather [hbm4b:s4+s15], $0x80, s31, s15, $0xb8;
	[tilespmem:$0x1C880] =	vst v63  }
0x9f: {  	_ =	swait.ge [sflag:s18], $0x3E80  }
0xa0: {  	[sflag:s18] =	ssyncset.done $0x0  }
0xa1: {  	[sflag:s18] =	ssyncadd.s32 $0xFFFFC180  }
0xa2: {  	[spmem:s2] =	stream.indirect.scatter.add.f32 [tilespmem:s16], [sflag:$0x3], $0x80, s0, s15, $0xb8;
	[tilespmem:$0x1C880] =	vst v63  }
0xa3: {  	_ =	swait.ge [sflag:s13], $0x3E80  }
0xa4: {  	[sflag:s13] =	ssyncset.done $0x0  }
0xa5: {  	[sflag:s13] =	ssyncadd.s32 $0xFFFFC180  }
0xa6: {  	[tilespmem:s16], [sflag:$0x1] =	stream.indirect.gather [hbm4b:s4+s15], $0x80, s1, s15, $0xb8;
	[tilespmem:$0x1C880] =	vst v63  }
0xa7: {  	_ =	swait.ge [sflag:s19], $0x3E80  }
0xa8: {  	[sflag:s19] =	ssyncset.done $0x0  }
0xa9: {  	[sflag:s19] =	ssyncadd.s32 $0xFFFFC180  }
0xaa: {  	[spmem:s2] =	stream.indirect.scatter.add.f32 [tilespmem:s17], [sflag:$0x3], $0x80, s5, s15, $0xb8;
	[tilespmem:$0x1C880] =	vst v63  }
0xab: {  	_ =	swait.ge [sflag:s13], $0x3E80  }
0xac: {  	[sflag:s13] =	ssyncset.done $0x0  }
0xad: {  	[sflag:s13] =	ssyncadd.s32 $0xFFFFC180  }
0xae: {  	[tilespmem:s17], [sflag:$0x2] =	stream.indirect.gather [hbm4b:s4+s15], $0x80, s6, s15, $0xb8;
	[tilespmem:$0x1C880] =	vst v63  }
0xaf: {  	_ =	swait.ge [sflag:s18], $0x3E80  }
0xb0: {  	[sflag:s18] =	ssyncset.done $0x0  }
0xb1: {  	[sflag:s18] =	ssyncadd.s32 $0xFFFFC180  }
0xb2: {  	[spmem:s2] =	stream.indirect.scatter.add.f32 [tilespmem:s16], [sflag:$0x3], $0x80, s7, s15, $0xb8;
	[tilespmem:$0x1C880] =	vst v63  }
0xb3: {  	_ =	swait.ge [sflag:s13], $0x3E80  }
0xb4: {  	[sflag:s13] =	ssyncset.done $0x0  }
0xb5: {  	[sflag:s13] =	ssyncadd.s32 $0xFFFFC180  }
0xb6: {  	_ =	swait.ge [sflag:s19], $0x3E80  }
0xb7: {  	[sflag:s19] =	ssyncset.done $0x0  }
0xb8: {  	[sflag:s19] =	ssyncadd.s32 $0xFFFFC180  }
0xb9: {  	[spmem:s2] =	stream.indirect.scatter.add.f32 [tilespmem:s17], [sflag:$0x3], $0x80, s8, s15, $0xb8;
	[tilespmem:$0x1C880] =	vst v63  }
0xba: {  	s10 =	simm.s32 $0x100;
	_ =	swait.ge [sflag:s13], $0x3E80  }
0xbb: {  	s11 =	simm.s32 $0x200;
	s12 =	rddreg [dreg:$0x3];
	[sflag:s13] =	ssyncset.done $0x0  }
.LBB2_2:
0xbc: {  	[sflag:s13] =	ssyncadd.s32 $0xFFFFC180;
	s12 =	sadd.s32 s10, s12  }
0xbd: {  	[tilespmem:s3], [sflag:$0x3] =	stream.linear.gather [hbm4b:s12+s3], $0x800, $0x38;
	[tilespmem:$0x1C880] =	vst v63  }
0xbe: {  	_ =	swait.ge [sflag:s13], $0x800  }
0xbf: {  	s12 =	rddreg [dreg:$0x4];
	[sflag:s13] =	ssyncset.done $0x0  }
0xc0: {  	[sflag:s13] =	ssyncadd.s32 $0xFFFFF800;
	s12 =	sadd.s32 s10, s12  }
0xc1: {  	[tilespmem:s14], [sflag:$0x3] =	stream.linear.gather [hbm4b:s12+s3], $0x800, $0x38;
	[tilespmem:$0x1C880] =	vst v63  }
0xc2: {  	_ =	swait.ge [sflag:s13], $0x800  }
0xc3: {  	[sflag:s13] =	ssyncset.done $0x0  }
0xc4: {  	[sflag:s13] =	ssyncadd.s32 $0xFFFFF800  }
0xc5: {  	[tilespmem:s16], [sflag:$0x1] =	stream.indirect.gather [hbm4b:s4+s15], $0x80, s3, s15, $0xb8;
	[tilespmem:$0x1C880] =	vst v63  }
0xc6: {  	s12 =	rddreg [dreg:$0x5]  }
0xc7: {  	[tilespmem:s17], [sflag:$0x2] =	stream.indirect.gather [hbm4b:s4+s15], $0x80, s12, s15, $0xb8;
	[tilespmem:$0x1C880] =	vst v63  }
0xc8: {  	_ =	swait.ge [sflag:s18], $0x3E80  }
0xc9: {  	[sflag:s18] =	ssyncset.done $0x0  }
0xca: {  	[sflag:s18] =	ssyncadd.s32 $0xFFFFC180  }
0xcb: {  	[spmem:s2] =	stream.indirect.scatter.add.f32 [tilespmem:s16], [sflag:$0x3], $0x80, s14, s15, $0xb8;
	[tilespmem:$0x1C880] =	vst v63  }
0xcc: {  	_ =	swait.ge [sflag:s13], $0x3E80  }
0xcd: {  	[sflag:s13] =	ssyncset.done $0x0  }
0xce: {  	s12 =	rddreg [dreg:$0x6];
	[sflag:s13] =	ssyncadd.s32 $0xFFFFC180  }
0xcf: {  	[tilespmem:s16], [sflag:$0x1] =	stream.indirect.gather [hbm4b:s4+s15], $0x80, s12, s15, $0xb8;
	[tilespmem:$0x1C880] =	vst v63  }
0xd0: {  	_ =	swait.ge [sflag:s19], $0x3E80  }
0xd1: {  	[sflag:s19] =	ssyncset.done $0x0  }
0xd2: {  	s12 =	rddreg [dreg:$0x7];
	[sflag:s19] =	ssyncadd.s32 $0xFFFFC180  }
0xd3: {  	[spmem:s2] =	stream.indirect.scatter.add.f32 [tilespmem:s17], [sflag:$0x3], $0x80, s12, s15, $0xb8;
	[tilespmem:$0x1C880] =	vst v63  }
0xd4: {  	_ =	swait.ge [sflag:s13], $0x3E80  }
0xd5: {  	[sflag:s13] =	ssyncset.done $0x0  }
0xd6: {  	s12 =	rddreg [dreg:$0x8];
	[sflag:s13] =	ssyncadd.s32 $0xFFFFC180  }
0xd7: {  	[tilespmem:s17], [sflag:$0x2] =	stream.indirect.gather [hbm4b:s4+s15], $0x80, s12, s15, $0xb8;
	[tilespmem:$0x1C880] =	vst v63  }
0xd8: {  	_ =	swait.ge [sflag:s18], $0x3E80  }
0xd9: {  	[sflag:s18] =	ssyncset.done $0x0  }
0xda: {  	s12 =	rddreg [dreg:$0x9];
	[sflag:s18] =	ssyncadd.s32 $0xFFFFC180  }
0xdb: {  	[spmem:s2] =	stream.indirect.scatter.add.f32 [tilespmem:s16], [sflag:$0x3], $0x80, s12, s15, $0xb8;
	[tilespmem:$0x1C880] =	vst v63  }
0xdc: {  	_ =	swait.ge [sflag:s13], $0x3E80  }
0xdd: {  	[sflag:s13] =	ssyncset.done $0x0  }
0xde: {  	s12 =	rddreg [dreg:$0xa];
	[sflag:s13] =	ssyncadd.s32 $0xFFFFC180  }
0xdf: {  	[tilespmem:s16], [sflag:$0x1] =	stream.indirect.gather [hbm4b:s4+s15], $0x80, s12, s15, $0xb8;
	[tilespmem:$0x1C880] =	vst v63  }
0xe0: {  	_ =	swait.ge [sflag:s19], $0x3E80  }
0xe1: {  	[sflag:s19] =	ssyncset.done $0x0  }
0xe2: {  	s12 =	rddreg [dreg:$0xb];
	[sflag:s19] =	ssyncadd.s32 $0xFFFFC180  }
0xe3: {  	[spmem:s2] =	stream.indirect.scatter.add.f32 [tilespmem:s17], [sflag:$0x3], $0x80, s12, s15, $0xb8;
	[tilespmem:$0x1C880] =	vst v63  }
0xe4: {  	_ =	swait.ge [sflag:s13], $0x3E80  }
0xe5: {  	[sflag:s13] =	ssyncset.done $0x0  }
0xe6: {  	s12 =	rddreg [dreg:$0xc];
	[sflag:s13] =	ssyncadd.s32 $0xFFFFC180  }
0xe7: {  	[tilespmem:s17], [sflag:$0x2] =	stream.indirect.gather [hbm4b:s4+s15], $0x80, s12, s15, $0xb8;
	[tilespmem:$0x1C880] =	vst v63  }
0xe8: {  	_ =	swait.ge [sflag:s18], $0x3E80  }
0xe9: {  	[sflag:s18] =	ssyncset.done $0x0  }
0xea: {  	s12 =	rddreg [dreg:$0xd];
	[sflag:s18] =	ssyncadd.s32 $0xFFFFC180  }
0xeb: {  	[spmem:s2] =	stream.indirect.scatter.add.f32 [tilespmem:s16], [sflag:$0x3], $0x80, s12, s15, $0xb8;
	[tilespmem:$0x1C880] =	vst v63  }
0xec: {  	_ =	swait.ge [sflag:s13], $0x3E80  }
0xed: {  	[sflag:s13] =	ssyncset.done $0x0  }
0xee: {  	s12 =	rddreg [dreg:$0xe];
	[sflag:s13] =	ssyncadd.s32 $0xFFFFC180  }
0xef: {  	[tilespmem:s16], [sflag:$0x1] =	stream.indirect.gather [hbm4b:s4+s15], $0x80, s12, s15, $0xb8;
	[tilespmem:$0x1C880] =	vst v63  }
0xf0: {  	_ =	swait.ge [sflag:s19], $0x3E80  }
0xf1: {  	[sflag:s19] =	ssyncset.done $0x0  }
0xf2: {  	s12 =	rddreg [dreg:$0xf];
	[sflag:s19] =	ssyncadd.s32 $0xFFFFC180  }
0xf3: {  	[spmem:s2] =	stream.indirect.scatter.add.f32 [tilespmem:s17], [sflag:$0x3], $0x80, s12, s15, $0xb8;
	[tilespmem:$0x1C880] =	vst v63  }
0xf4: {  	_ =	swait.ge [sflag:s13], $0x3E80  }
0xf5: {  	[sflag:s13] =	ssyncset.done $0x0  }
0xf6: {  	s12 =	rddreg [dreg:$0x10];
	[sflag:s13] =	ssyncadd.s32 $0xFFFFC180  }
0xf7: {  	[tilespmem:s17], [sflag:$0x2] =	stream.indirect.gather [hbm4b:s4+s15], $0x80, s12, s15, $0xb8;
	[tilespmem:$0x1C880] =	vst v63  }
0xf8: {  	_ =	swait.ge [sflag:s18], $0x3E80  }
0xf9: {  	[sflag:s18] =	ssyncset.done $0x0  }
0xfa: {  	s12 =	rddreg [dreg:$0x11];
	[sflag:s18] =	ssyncadd.s32 $0xFFFFC180  }
0xfb: {  	[spmem:s2] =	stream.indirect.scatter.add.f32 [tilespmem:s16], [sflag:$0x3], $0x80, s12, s15, $0xb8;
	[tilespmem:$0x1C880] =	vst v63  }
0xfc: {  	_ =	swait.ge [sflag:s13], $0x3E80  }
0xfd: {  	[sflag:s13] =	ssyncset.done $0x0  }
0xfe: {  	[sflag:s13] =	ssyncadd.s32 $0xFFFFC180  }
0xff: {  	[tilespmem:s16], [sflag:$0x1] =	stream.indirect.gather [hbm4b:s4+s15], $0x80, s20, s15, $0xb8;
	[tilespmem:$0x1C880] =	vst v63  }
0x100: {  	_ =	swait.ge [sflag:s19], $0x3E80  }
0x101: {  	[sflag:s19] =	ssyncset.done $0x0  }
0x102: {  	[sflag:s19] =	ssyncadd.s32 $0xFFFFC180  }
0x103: {  	[spmem:s2] =	stream.indirect.scatter.add.f32 [tilespmem:s17], [sflag:$0x3], $0x80, s21, s15, $0xb8;
	[tilespmem:$0x1C880] =	vst v63  }
0x104: {  	_ =	swait.ge [sflag:s13], $0x3E80  }
0x105: {  	[sflag:s13] =	ssyncset.done $0x0  }
0x106: {  	[sflag:s13] =	ssyncadd.s32 $0xFFFFC180  }
0x107: {  	[tilespmem:s17], [sflag:$0x2] =	stream.indirect.gather [hbm4b:s4+s15], $0x80, s22, s15, $0xb8;
	[tilespmem:$0x1C880] =	vst v63  }
0x108: {  	_ =	swait.ge [sflag:s18], $0x3E80  }
0x109: {  	[sflag:s18] =	ssyncset.done $0x0  }
0x10a: {  	[sflag:s18] =	ssyncadd.s32 $0xFFFFC180  }
0x10b: {  	[spmem:s2] =	stream.indirect.scatter.add.f32 [tilespmem:s16], [sflag:$0x3], $0x80, s23, s15, $0xb8;
	[tilespmem:$0x1C880] =	vst v63  }
0x10c: {  	_ =	swait.ge [sflag:s13], $0x3E80  }
0x10d: {  	[sflag:s13] =	ssyncset.done $0x0  }
0x10e: {  	[sflag:s13] =	ssyncadd.s32 $0xFFFFC180  }
0x10f: {  	[tilespmem:s16], [sflag:$0x1] =	stream.indirect.gather [hbm4b:s4+s15], $0x80, s24, s15, $0xb8;
	[tilespmem:$0x1C880] =	vst v63  }
0x110: {  	_ =	swait.ge [sflag:s19], $0x3E80  }
0x111: {  	[sflag:s19] =	ssyncset.done $0x0  }
0x112: {  	[sflag:s19] =	ssyncadd.s32 $0xFFFFC180  }
0x113: {  	[spmem:s2] =	stream.indirect.scatter.add.f32 [tilespmem:s17], [sflag:$0x3], $0x80, s25, s15, $0xb8;
	[tilespmem:$0x1C880] =	vst v63  }
0x114: {  	_ =	swait.ge [sflag:s13], $0x3E80  }
0x115: {  	[sflag:s13] =	ssyncset.done $0x0  }
0x116: {  	[sflag:s13] =	ssyncadd.s32 $0xFFFFC180  }
0x117: {  	[tilespmem:s17], [sflag:$0x2] =	stream.indirect.gather [hbm4b:s4+s15], $0x80, s26, s15, $0xb8;
	[tilespmem:$0x1C880] =	vst v63  }
0x118: {  	_ =	swait.ge [sflag:s18], $0x3E80  }
0x119: {  	[sflag:s18] =	ssyncset.done $0x0  }
0x11a: {  	[sflag:s18] =	ssyncadd.s32 $0xFFFFC180  }
0x11b: {  	[spmem:s2] =	stream.indirect.scatter.add.f32 [tilespmem:s16], [sflag:$0x3], $0x80, s28, s15, $0xb8;
	[tilespmem:$0x1C880] =	vst v63  }
0x11c: {  	_ =	swait.ge [sflag:s13], $0x3E80  }
0x11d: {  	[sflag:s13] =	ssyncset.done $0x0  }
0x11e: {  	[sflag:s13] =	ssyncadd.s32 $0xFFFFC180  }
0x11f: {  	[tilespmem:s16], [sflag:$0x1] =	stream.indirect.gather [hbm4b:s4+s15], $0x80, s29, s15, $0xb8;
	[tilespmem:$0x1C880] =	vst v63  }
0x120: {  	_ =	swait.ge [sflag:s19], $0x3E80  }
0x121: {  	[sflag:s19] =	ssyncset.done $0x0  }
0x122: {  	[sflag:s19] =	ssyncadd.s32 $0xFFFFC180  }
0x123: {  	[spmem:s2] =	stream.indirect.scatter.add.f32 [tilespmem:s17], [sflag:$0x3], $0x80, s30, s15, $0xb8;
	[tilespmem:$0x1C880] =	vst v63  }
0x124: {  	_ =	swait.ge [sflag:s13], $0x3E80  }
0x125: {  	[sflag:s13] =	ssyncset.done $0x0  }
0x126: {  	[sflag:s13] =	ssyncadd.s32 $0xFFFFC180  }
0x127: {  	[tilespmem:s17], [sflag:$0x2] =	stream.indirect.gather [hbm4b:s4+s15], $0x80, s31, s15, $0xb8;
	[tilespmem:$0x1C880] =	vst v63  }
0x128: {  	_ =	swait.ge [sflag:s18], $0x3E80  }
0x129: {  	[sflag:s18] =	ssyncset.done $0x0  }
0x12a: {  	[sflag:s18] =	ssyncadd.s32 $0xFFFFC180  }
0x12b: {  	[spmem:s2] =	stream.indirect.scatter.add.f32 [tilespmem:s16], [sflag:$0x3], $0x80, s0, s15, $0xb8;
	[tilespmem:$0x1C880] =	vst v63  }
0x12c: {  	_ =	swait.ge [sflag:s13], $0x3E80  }
0x12d: {  	[sflag:s13] =	ssyncset.done $0x0  }
0x12e: {  	[sflag:s13] =	ssyncadd.s32 $0xFFFFC180  }
0x12f: {  	[tilespmem:s16], [sflag:$0x1] =	stream.indirect.gather [hbm4b:s4+s15], $0x80, s1, s15, $0xb8;
	[tilespmem:$0x1C880] =	vst v63  }
0x130: {  	_ =	swait.ge [sflag:s19], $0x3E80  }
0x131: {  	[sflag:s19] =	ssyncset.done $0x0  }
0x132: {  	[sflag:s19] =	ssyncadd.s32 $0xFFFFC180  }
0x133: {  	[spmem:s2] =	stream.indirect.scatter.add.f32 [tilespmem:s17], [sflag:$0x3], $0x80, s5, s15, $0xb8;
	[tilespmem:$0x1C880] =	vst v63  }
0x134: {  	_ =	swait.ge [sflag:s13], $0x3E80  }
0x135: {  	[sflag:s13] =	ssyncset.done $0x0  }
0x136: {  	[sflag:s13] =	ssyncadd.s32 $0xFFFFC180  }
0x137: {  	[tilespmem:s17], [sflag:$0x2] =	stream.indirect.gather [hbm4b:s4+s15], $0x80, s6, s15, $0xb8;
	[tilespmem:$0x1C880] =	vst v63  }
0x138: {  	_ =	swait.ge [sflag:s18], $0x3E80  }
0x139: {  	[sflag:s18] =	ssyncset.done $0x0  }
0x13a: {  	[sflag:s18] =	ssyncadd.s32 $0xFFFFC180  }
0x13b: {  	[spmem:s2] =	stream.indirect.scatter.add.f32 [tilespmem:s16], [sflag:$0x3], $0x80, s7, s15, $0xb8;
	[tilespmem:$0x1C880] =	vst v63  }
0x13c: {  	_ =	swait.ge [sflag:s13], $0x3E80  }
0x13d: {  	[sflag:s13] =	ssyncset.done $0x0  }
0x13e: {  	[sflag:s13] =	ssyncadd.s32 $0xFFFFC180  }
0x13f: {  	p1 =	sne.s32 s11, $0x400;
	_ =	swait.ge [sflag:s19], $0x3E80  }
.Ltmp0:
0x140: {  	[sflag:s19] =	ssyncset.done $0x0;
	(pc) =	sbr.rel @p1 .LBB2_2-.Ltmp0, $4  }
0x141: {  	[sflag:s19] =	ssyncadd.s32 $0xFFFFC180  }
0x142: {  	[spmem:s2] =	stream.indirect.scatter.add.f32 [tilespmem:s17], [sflag:$0x3], $0x80, s8, s15, $0xb8;
	[tilespmem:$0x1C880] =	vst v63  }
0x143: {  	s9 =	smov.u32 s11;
	s11 =	sadd.s32 $0x100, s11;
	_ =	swait.ge [sflag:s13], $0x3E80  }
0x144: {  	s10 =	smov.u32 s9;
	s12 =	rddreg [dreg:$0x3];
	[sflag:s13] =	ssyncset.done $0x0  }
0x145: {  	[sflag:s13] =	ssyncadd.s32 $0xFFFFC180;
	s9 =	sadd.s32 s10, s12  }
0x146: {  	[tilespmem:s3], [sflag:$0x3] =	stream.linear.gather [hbm4b:s9+s3], $0x800, $0x38;
	[tilespmem:$0x1C880] =	vst v63  }
0x147: {  	_ =	swait.ge [sflag:s13], $0x800  }
0x148: {  	s12 =	rddreg [dreg:$0x4];
	[sflag:s13] =	ssyncset.done $0x0  }
0x149: {  	s9 =	sadd.s32 s10, s12;
	[sflag:s13] =	ssyncadd.s32 $0xFFFFF800  }
0x14a: {  	[tilespmem:s14], [sflag:$0x3] =	stream.linear.gather [hbm4b:s9+s3], $0x800, $0x38;
	[tilespmem:$0x1C880] =	vst v63  }
0x14b: {  	_ =	swait.ge [sflag:s13], $0x800  }
0x14c: {  	[sflag:s13] =	ssyncset.done $0x0  }
0x14d: {  	[sflag:s13] =	ssyncadd.s32 $0xFFFFF800  }
0x14e: {  	[tilespmem:s16], [sflag:$0x1] =	stream.indirect.gather [hbm4b:s4+s15], $0x80, s3, s15, $0xb8;
	[tilespmem:$0x1C880] =	vst v63  }
0x14f: {  	s11 =	rddreg [dreg:$0x5]  }
0x150: {  	[tilespmem:s17], [sflag:$0x2] =	stream.indirect.gather [hbm4b:s4+s15], $0x80, s11, s15, $0xb8;
	[tilespmem:$0x1C880] =	vst v63  }
0x151: {  	_ =	swait.ge [sflag:s18], $0x3E80  }
0x152: {  	[sflag:s18] =	ssyncset.done $0x0  }
0x153: {  	[sflag:s18] =	ssyncadd.s32 $0xFFFFC180  }
0x154: {  	[spmem:s2] =	stream.indirect.scatter.add.f32 [tilespmem:s16], [sflag:$0x3], $0x80, s14, s15, $0xb8;
	[tilespmem:$0x1C880] =	vst v63  }
0x155: {  	_ =	swait.ge [sflag:s13], $0x3E80  }
0x156: {  	[sflag:s13] =	ssyncset.done $0x0  }
0x157: {  	s12 =	rddreg [dreg:$0x6];
	[sflag:s13] =	ssyncadd.s32 $0xFFFFC180  }
0x158: {  	[tilespmem:s16], [sflag:$0x1] =	stream.indirect.gather [hbm4b:s4+s15], $0x80, s12, s15, $0xb8;
	[tilespmem:$0x1C880] =	vst v63  }
0x159: {  	_ =	swait.ge [sflag:s19], $0x3E80  }
0x15a: {  	[sflag:s19] =	ssyncset.done $0x0  }
0x15b: {  	s10 =	rddreg [dreg:$0x7];
	[sflag:s19] =	ssyncadd.s32 $0xFFFFC180  }
0x15c: {  	[spmem:s2] =	stream.indirect.scatter.add.f32 [tilespmem:s17], [sflag:$0x3], $0x80, s10, s15, $0xb8;
	[tilespmem:$0x1C880] =	vst v63  }
0x15d: {  	_ =	swait.ge [sflag:s13], $0x3E80  }
0x15e: {  	[sflag:s13] =	ssyncset.done $0x0  }
0x15f: {  	s11 =	rddreg [dreg:$0x8];
	[sflag:s13] =	ssyncadd.s32 $0xFFFFC180  }
0x160: {  	[tilespmem:s17], [sflag:$0x2] =	stream.indirect.gather [hbm4b:s4+s15], $0x80, s11, s15, $0xb8;
	[tilespmem:$0x1C880] =	vst v63  }
0x161: {  	_ =	swait.ge [sflag:s18], $0x3E80  }
0x162: {  	[sflag:s18] =	ssyncset.done $0x0  }
0x163: {  	s12 =	rddreg [dreg:$0x9];
	[sflag:s18] =	ssyncadd.s32 $0xFFFFC180  }
0x164: {  	[spmem:s2] =	stream.indirect.scatter.add.f32 [tilespmem:s16], [sflag:$0x3], $0x80, s12, s15, $0xb8;
	[tilespmem:$0x1C880] =	vst v63  }
0x165: {  	_ =	swait.ge [sflag:s13], $0x3E80  }
0x166: {  	[sflag:s13] =	ssyncset.done $0x0  }
0x167: {  	s10 =	rddreg [dreg:$0xa];
	[sflag:s13] =	ssyncadd.s32 $0xFFFFC180  }
0x168: {  	[tilespmem:s16], [sflag:$0x1] =	stream.indirect.gather [hbm4b:s4+s15], $0x80, s10, s15, $0xb8;
	[tilespmem:$0x1C880] =	vst v63  }
0x169: {  	_ =	swait.ge [sflag:s19], $0x3E80  }
0x16a: {  	[sflag:s19] =	ssyncset.done $0x0  }
0x16b: {  	s11 =	rddreg [dreg:$0xb];
	[sflag:s19] =	ssyncadd.s32 $0xFFFFC180  }
0x16c: {  	[spmem:s2] =	stream.indirect.scatter.add.f32 [tilespmem:s17], [sflag:$0x3], $0x80, s11, s15, $0xb8;
	[tilespmem:$0x1C880] =	vst v63  }
0x16d: {  	_ =	swait.ge [sflag:s13], $0x3E80  }
0x16e: {  	[sflag:s13] =	ssyncset.done $0x0  }
0x16f: {  	s12 =	rddreg [dreg:$0xc];
	[sflag:s13] =	ssyncadd.s32 $0xFFFFC180  }
0x170: {  	[tilespmem:s17], [sflag:$0x2] =	stream.indirect.gather [hbm4b:s4+s15], $0x80, s12, s15, $0xb8;
	[tilespmem:$0x1C880] =	vst v63  }
0x171: {  	_ =	swait.ge [sflag:s18], $0x3E80  }
0x172: {  	[sflag:s18] =	ssyncset.done $0x0  }
0x173: {  	s10 =	rddreg [dreg:$0xd];
	[sflag:s18] =	ssyncadd.s32 $0xFFFFC180  }
0x174: {  	[spmem:s2] =	stream.indirect.scatter.add.f32 [tilespmem:s16], [sflag:$0x3], $0x80, s10, s15, $0xb8;
	[tilespmem:$0x1C880] =	vst v63  }
0x175: {  	_ =	swait.ge [sflag:s13], $0x3E80  }
0x176: {  	[sflag:s13] =	ssyncset.done $0x0  }
0x177: {  	s11 =	rddreg [dreg:$0xe];
	[sflag:s13] =	ssyncadd.s32 $0xFFFFC180  }
0x178: {  	[tilespmem:s16], [sflag:$0x1] =	stream.indirect.gather [hbm4b:s4+s15], $0x80, s11, s15, $0xb8;
	[tilespmem:$0x1C880] =	vst v63  }
0x179: {  	_ =	swait.ge [sflag:s19], $0x3E80  }
0x17a: {  	[sflag:s19] =	ssyncset.done $0x0  }
0x17b: {  	s12 =	rddreg [dreg:$0xf];
	[sflag:s19] =	ssyncadd.s32 $0xFFFFC180  }
0x17c: {  	[spmem:s2] =	stream.indirect.scatter.add.f32 [tilespmem:s17], [sflag:$0x3], $0x80, s12, s15, $0xb8;
	[tilespmem:$0x1C880] =	vst v63  }
0x17d: {  	_ =	swait.ge [sflag:s13], $0x3E80  }
0x17e: {  	[sflag:s13] =	ssyncset.done $0x0  }
0x17f: {  	s10 =	rddreg [dreg:$0x10];
	[sflag:s13] =	ssyncadd.s32 $0xFFFFC180  }
0x180: {  	[tilespmem:s17], [sflag:$0x2] =	stream.indirect.gather [hbm4b:s4+s15], $0x80, s10, s15, $0xb8;
	[tilespmem:$0x1C880] =	vst v63  }
0x181: {  	_ =	swait.ge [sflag:s18], $0x3E80  }
0x182: {  	[sflag:s18] =	ssyncset.done $0x0  }
0x183: {  	s11 =	rddreg [dreg:$0x11];
	[sflag:s18] =	ssyncadd.s32 $0xFFFFC180  }
0x184: {  	[spmem:s2] =	stream.indirect.scatter.add.f32 [tilespmem:s16], [sflag:$0x3], $0x80, s11, s15, $0xb8;
	[tilespmem:$0x1C880] =	vst v63  }
0x185: {  	_ =	swait.ge [sflag:s13], $0x3E80  }
0x186: {  	[sflag:s13] =	ssyncset.done $0x0  }
0x187: {  	[sflag:s13] =	ssyncadd.s32 $0xFFFFC180  }
0x188: {  	[tilespmem:s16], [sflag:$0x1] =	stream.indirect.gather [hbm4b:s4+s15], $0x80, s20, s15, $0xb8;
	[tilespmem:$0x1C880] =	vst v63  }
0x189: {  	_ =	swait.ge [sflag:s19], $0x3E80  }
0x18a: {  	[sflag:s19] =	ssyncset.done $0x0  }
0x18b: {  	[sflag:s19] =	ssyncadd.s32 $0xFFFFC180  }
0x18c: {  	[spmem:s2] =	stream.indirect.scatter.add.f32 [tilespmem:s17], [sflag:$0x3], $0x80, s21, s15, $0xb8;
	[tilespmem:$0x1C880] =	vst v63  }
0x18d: {  	_ =	swait.ge [sflag:s13], $0x3E80  }
0x18e: {  	[sflag:s13] =	ssyncset.done $0x0  }
0x18f: {  	[sflag:s13] =	ssyncadd.s32 $0xFFFFC180  }
0x190: {  	[tilespmem:s17], [sflag:$0x2] =	stream.indirect.gather [hbm4b:s4+s15], $0x80, s22, s15, $0xb8;
	[tilespmem:$0x1C880] =	vst v63  }
0x191: {  	_ =	swait.ge [sflag:s18], $0x3E80  }
0x192: {  	[sflag:s18] =	ssyncset.done $0x0  }
0x193: {  	[sflag:s18] =	ssyncadd.s32 $0xFFFFC180  }
0x194: {  	[spmem:s2] =	stream.indirect.scatter.add.f32 [tilespmem:s16], [sflag:$0x3], $0x80, s23, s15, $0xb8;
	[tilespmem:$0x1C880] =	vst v63  }
0x195: {  	_ =	swait.ge [sflag:s13], $0x3E80  }
0x196: {  	[sflag:s13] =	ssyncset.done $0x0  }
0x197: {  	[sflag:s13] =	ssyncadd.s32 $0xFFFFC180  }
0x198: {  	[tilespmem:s16], [sflag:$0x1] =	stream.indirect.gather [hbm4b:s4+s15], $0x80, s24, s15, $0xb8;
	[tilespmem:$0x1C880] =	vst v63  }
0x199: {  	_ =	swait.ge [sflag:s19], $0x3E80  }
0x19a: {  	[sflag:s19] =	ssyncset.done $0x0  }
0x19b: {  	[sflag:s19] =	ssyncadd.s32 $0xFFFFC180  }
0x19c: {  	[spmem:s2] =	stream.indirect.scatter.add.f32 [tilespmem:s17], [sflag:$0x3], $0x80, s25, s15, $0xb8;
	[tilespmem:$0x1C880] =	vst v63  }
0x19d: {  	_ =	swait.ge [sflag:s13], $0x3E80  }
0x19e: {  	[sflag:s13] =	ssyncset.done $0x0  }
0x19f: {  	[sflag:s13] =	ssyncadd.s32 $0xFFFFC180  }
0x1a0: {  	[tilespmem:s17], [sflag:$0x2] =	stream.indirect.gather [hbm4b:s4+s15], $0x80, s26, s15, $0xb8;
	[tilespmem:$0x1C880] =	vst v63  }
0x1a1: {  	_ =	swait.ge [sflag:s18], $0x3E80  }
0x1a2: {  	[sflag:s18] =	ssyncset.done $0x0  }
0x1a3: {  	[sflag:s18] =	ssyncadd.s32 $0xFFFFC180  }
0x1a4: {  	[spmem:s2] =	stream.indirect.scatter.add.f32 [tilespmem:s16], [sflag:$0x3], $0x80, s28, s15, $0xb8;
	[tilespmem:$0x1C880] =	vst v63  }
0x1a5: {  	_ =	swait.ge [sflag:s13], $0x3E80  }
0x1a6: {  	[sflag:s13] =	ssyncset.done $0x0  }
0x1a7: {  	[sflag:s13] =	ssyncadd.s32 $0xFFFFC180  }
0x1a8: {  	[tilespmem:s16], [sflag:$0x1] =	stream.indirect.gather [hbm4b:s4+s15], $0x80, s29, s15, $0xb8;
	[tilespmem:$0x1C880] =	vst v63  }
0x1a9: {  	_ =	swait.ge [sflag:s19], $0x3E80  }
0x1aa: {  	[sflag:s19] =	ssyncset.done $0x0  }
0x1ab: {  	[sflag:s19] =	ssyncadd.s32 $0xFFFFC180  }
0x1ac: {  	[spmem:s2] =	stream.indirect.scatter.add.f32 [tilespmem:s17], [sflag:$0x3], $0x80, s30, s15, $0xb8;
	[tilespmem:$0x1C880] =	vst v63  }
0x1ad: {  	_ =	swait.ge [sflag:s13], $0x3E80  }
0x1ae: {  	[sflag:s13] =	ssyncset.done $0x0  }
0x1af: {  	[sflag:s13] =	ssyncadd.s32 $0xFFFFC180  }
0x1b0: {  	[tilespmem:s17], [sflag:$0x2] =	stream.indirect.gather [hbm4b:s4+s15], $0x80, s31, s15, $0xb8;
	[tilespmem:$0x1C880] =	vst v63  }
0x1b1: {  	_ =	swait.ge [sflag:s18], $0x3E80  }
0x1b2: {  	[sflag:s18] =	ssyncset.done $0x0  }
0x1b3: {  	[sflag:s18] =	ssyncadd.s32 $0xFFFFC180  }
0x1b4: {  	[spmem:s2] =	stream.indirect.scatter.add.f32 [tilespmem:s16], [sflag:$0x3], $0x80, s0, s15, $0xb8;
	[tilespmem:$0x1C880] =	vst v63  }
0x1b5: {  	_ =	swait.ge [sflag:s13], $0x3E80  }
0x1b6: {  	[sflag:s13] =	ssyncset.done $0x0  }
0x1b7: {  	[sflag:s13] =	ssyncadd.s32 $0xFFFFC180  }
0x1b8: {  	[tilespmem:s16], [sflag:$0x1] =	stream.indirect.gather [hbm4b:s4+s15], $0x80, s1, s15, $0xb8;
	[tilespmem:$0x1C880] =	vst v63  }
0x1b9: {  	_ =	swait.ge [sflag:s19], $0x3E80  }
0x1ba: {  	[sflag:s19] =	ssyncset.done $0x0  }
0x1bb: {  	[sflag:s19] =	ssyncadd.s32 $0xFFFFC180  }
0x1bc: {  	[spmem:s2] =	stream.indirect.scatter.add.f32 [tilespmem:s17], [sflag:$0x3], $0x80, s5, s15, $0xb8;
	[tilespmem:$0x1C880] =	vst v63  }
0x1bd: {  	_ =	swait.ge [sflag:s13], $0x3E80  }
0x1be: {  	[sflag:s13] =	ssyncset.done $0x0  }
0x1bf: {  	[sflag:s13] =	ssyncadd.s32 $0xFFFFC180  }
0x1c0: {  	[tilespmem:s17], [sflag:$0x2] =	stream.indirect.gather [hbm4b:s4+s15], $0x80, s6, s15, $0xb8;
	[tilespmem:$0x1C880] =	vst v63  }
0x1c1: {  	_ =	swait.ge [sflag:s18], $0x3E80  }
0x1c2: {  	[sflag:s18] =	ssyncset.done $0x0  }
0x1c3: {  	[sflag:s18] =	ssyncadd.s32 $0xFFFFC180  }
0x1c4: {  	[spmem:s2] =	stream.indirect.scatter.add.f32 [tilespmem:s16], [sflag:$0x3], $0x80, s7, s15, $0xb8;
	[tilespmem:$0x1C880] =	vst v63  }
0x1c5: {  	_ =	swait.ge [sflag:s13], $0x3E80  }
0x1c6: {  	[sflag:s13] =	ssyncset.done $0x0  }
0x1c7: {  	[sflag:s13] =	ssyncadd.s32 $0xFFFFC180  }
0x1c8: {  	_ =	swait.ge [sflag:s19], $0x3E80  }
0x1c9: {  	[sflag:s19] =	ssyncset.done $0x0  }
0x1ca: {  	[sflag:s19] =	ssyncadd.s32 $0xFFFFC180  }
0x1cb: {  	[spmem:s2] =	stream.indirect.scatter.add.f32 [tilespmem:s17], [sflag:$0x3], $0x80, s8, s15, $0xb8;
	[tilespmem:$0x1C880] =	vst v63  }
0x1cc: {  	_ =	swait.ge [sflag:s13], $0x3E80  }
0x1cd: {  	[sflag:s13] =	ssyncset.done $0x0  }
0x1ce: {  	[sflag:s13] =	ssyncadd.s32 $0xFFFFC180  }
0x1cf: {  	[bflag:$0x0] =	sbarrier.arrive $0xFFFF  }
0x1d0: {  	s10 =	rddreg [dreg:$0x15]  }
0x1d1: {  	s9 =	simm.s32 @p0 $0x1FC3;
	s11 =	rddreg [dreg:$0x17]  }
0x1d2: {  	[hbm:s10], [sflag:s9] =	dma.local @p0 [spmem:s11], $0x2800  }
0x1d3: {  	s9 =	simm.s32 @p0 $0x3  }
0x1d4: {  	_ =	swait.ge @p0 [sflag:s9], $0x2800  }
0x1d5: {  	s12 =	rddreg [dreg:$0x18]  }
0x1d6: {  	[sflag:s9] =	ssyncset.done @p0 $0x0;
	s11 =	rddreg [dreg:$0x19]  }
0x1d7: {  	s10 =	simm.s32 @!p0 $0x3;
	[sflag:s9] =	ssyncadd.s32 @p0 $0xFFFFD800;
	s9 =	rddreg [dreg:$0x14]  }
0x1d8: {  	[hbm:s9], [sflag:s12] =	dma.local @!p0 [spmem:s11], $0x2700  }
0x1d9: {  	_ =	swait.ge @!p0 [sflag:s10], $0x2700  }
0x1da: {  	s12 =	rddreg [dreg:$0x1a]  }
0x1db: {  	s9 =	sadd.s32 $0x1, s12;
	s12 =	rddreg [dreg:$0x16]  }
0x1dc: {  	p1 =	sne.s32 s9, s12  }
.Ltmp1:
0x1dd: {  	_ = 	snop;
	(pc) =	sbr.rel @p1 .LBB2_1-.Ltmp1, $3  }
0x1de: {  	_ =	sdelay $0x1  }
0x1df: {  	[sflag:s10] =	ssyncset.done @!p0 $0x0;
	[dreg:$0x1a] =	wrdreg s9;
	s9 =	simm.s32 @!p0 $0x3  }
0x1e0: {  	[sflag:s9] =	ssyncadd.s32 @!p0 $0xFFFFD900  }
0x1e1: {  	_ =	sfence.sel $0x180000  }
0x1e2: {  	[bflag:$0x0] =	sbarrier.arrive $0xFFFF  }
0x1e3: {  	_ =	strace $0x9000004D  }
0x1e4: {  	s0 =	stileid.u32;
	[bflag:$0x2] =	sbarrier.arrive $0xFFFF  }
0x1e5: {  	p0 =	sne.s32 s0, $0x0;
	s0 =	rddreg [dreg:$0x2]  }
0x1e6: {  	s0 =	sadd.s32 @!p0 $0x100000, s0  }
0x1e7: {  	[sflag:s0] =	ssyncadd.tile.s32 @!p0 $0x1;
	_ =	shalt  }
.Lfunc_end2:
_tile_overlayer_lowered:
.L_overlay_start_2:
0x1e8: {  	(tag) =	ssettag $0x2  }
0x1e9: {  	s0 =	rddreg [dreg:$0x0];
	s2 =	stileid.u32  }
0x1ea: {  	s1 =	rddreg [dreg:$0x1];
	p0 =	sne.s32 s2, $0x0  }
0x1eb: {  	s3 =	rddreg [dreg:$0x2];
	[bflag:$0x3] =	sbarrier.arrive $0xFFFF;
	s2 =	simm.s32 @!p0 $0x1C03  }
0x1ec: {  	[timem:s3], [sflag:s2] =	dma.local @!p0 [hbm:s0], s1  }
0x1ed: {  	s0 =	simm.s32 @!p0 $0x3  }
0x1ee: {  	_ =	swait.ge @!p0 [sflag:s0], s1  }
0x1ef: {  	s1 =	ssub.s32 @!p0 $0x0, s1;
	[sflag:s0] =	ssyncset.done @!p0 $0x0  }
0x1f0: {  	[sflag:s0] =	ssyncadd.s32 @!p0 s1  }
0x1f1: {  	[bflag:$0x3] =	sbarrier.arrive $0xFFFF  }
0x1f2: {  	_ =	shalt  }

// kernel: kernel.19.cloned.1.call-start
scs
__scs_entry_jumppad:
0x0: {  	(pc) =	sbr.rel $0x88, $3  }
0x1: {  	(tag) =	ssettag $0x0;
	lr =	simm.s32 $0x1  }
0x2: {  	[smem:$0x3F92] =	sst lr;
	_ =	strace $0xD0000000  }
0x3: {  	_ = 	snop  }
0x4: {  	_ = 	snop  }
0x5: {  	_ = 	snop  }
0x6: {  	_ = 	snop  }
0x7: {  	_ = 	snop  }
__scs_overlays_trampoline_lowered:
0x8: {  	[smem:$0x3FA1] =	sst s0  }
0x9: {  	[smem:$0x3FA2] =	sst s1  }
0xa: {  	[smem:$0x3FA3] =	sst s2  }
0xb: {  	[smem:$0x3FA4] =	sst s3  }
0xc: {  	[smem:$0x3FA5] =	sst s4  }
0xd: {  	[smem:$0x3FA6] =	sst s5  }
0xe: {  	[smem:$0x3FA7] =	sst s6  }
0xf: {  	[smem:$0x3FA8] =	sst s7  }
0x10: {  	[smem:$0x3FA9] =	sst s8  }
0x11: {  	[smem:$0x3FAA] =	sst s9;
	s0 =	simm.s32 @!p0 $0x0  }
0x12: {  	s1 =	sld [smem:$0x3F90];
	s0 =	simm.s32 @p0 $0x1  }
0x13: {  	[smem:$0x3FAB] =	sst s0;
	s0 =	simm.s32 @!p1 $0x0  }
0x14: {  	s2 =	sld [smem:$0x3F8F];
	s0 =	simm.s32 @p1 $0x1  }
0x15: {  	[smem:$0x3FAC] =	sst s0;
	s0 =	simm.s32 @!p2 $0x0  }
0x16: {  	s3 =	sld [smem:$0x3FDB];
	s0 =	simm.s32 @p2 $0x1  }
0x17: {  	s4 =	simm.s32 $0x1BF5;
	[smem:$0x3FAE] =	sst s0  }
0x18: {  	s0 =	sld [smem:$0x3F91];
	_ =	swait.ge [sflag:s4], $0x0  }
0x19: {  	s7 =	sld [smem:$0x3F92]  }
0x1a: {  	s8 =	sadd.s32 $0xFFFFE003, lr  }
0x1b: {  	s9 =	sadd.s32 $0xFFFFFEF7, lr;
	s5 =	simm.s32 $0xFFFFFFFF;
	p2 =	slt.u32 s8, $0xFFFFF086  }
0x1c: {  	p1 =	slt.u32 s9, $0xF7A;
	s5 =	simm.s32 @!p2 $0x0  }
0x1d: {  	s5 =	simm.s32 @p1 $0x1;
	p0 =	seq.s32 s7, s2  }
0x1e: {  	s7 =	smul.u32 @!p0 $0xF7A, s2;
	p2 =	seq.s32 @!p0 s5, $0x0  }
0x1f: {  	s9 =	smul.u32 $0xF7A, s1;
	s8 =	simm.s32 @!p0 $0x1BF5;
	p2 =	por !p2, p0  }
0x20: {  	[sflag:s8] =	ssyncset.s32 @!p0 $0xFFFFF086;
	s6 =	sadd.s32 @!p0 s3, s7;
	s7 =	simm.s32 @!p0 $0x108  }
0x21: {  	s3 =	sadd.s32 s3, s9;
	s6 =	sadd.s32 @!p0 $0x88, s6;
	s7 =	simm.s32 @p2 $0x1082  }
0x22: {  	[simem:s7], [sflag:s8] =	dma.local @!p0 [hbm:s6], $0xF7A  }
0x23: {  	s9 =	sor.u32 $0xD0000000, s2;
	s6 =	simm.s32 $0x108;
	_ =	swait.ge @!p0 [sflag:s8], $0x0  }
0x24: {  	s3 =	sadd.s32 $0x88, s3;
	s6 =	simm.s32 @!p1 $0x1082;
	[sflag:s4] =	ssyncset.s32 $0xFFFFF086  }
0x25: {  	[simem:s6], [sflag:s4] =	dma.local [hbm:s3], $0xF7A  }
0x26: {  	[smem:$0x3F92] =	sst s1;
	(tag) =	ssettag s2;
	_ =	strace s9  }
0x27: {  	s1 =	sld [smem:$0x3FA2]  }
0x28: {  	s2 =	sld [smem:$0x3FA3]  }
0x29: {  	s4 =	sld [smem:$0x3FA5]  }
0x2a: {  	p0 =	seq.s32 s5, $0x0;
	s5 =	sld [smem:$0x3FA6]  }
0x2b: {  	s6 =	sld [smem:$0x3FA7]  }
0x2c: {  	s7 =	sld [smem:$0x3FA8]  }
0x2d: {  	s3 =	simm.s32 $0x108;
	s8 =	sld [smem:$0x3FA9]  }
0x2e: {  	s3 =	simm.s32 @!p0 $0x1082;
	s9 =	sld [smem:$0x3FAA]  }
0x2f: {  	lr =	sadd.s32 s0, s3;
	s0 =	sld [smem:$0x3FA1]  }
0x30: {  	s3 =	sld [smem:$0x3FA4]  }
0x31: {  	[smem:$0x3FAD] =	sst s10  }
0x32: {  	s10 =	sld [smem:$0x3FAB];
	_ =	sdelay $0x3  }
0x33: {  	p0 =	seq.s32 s10, $0x1;
	s10 =	sld [smem:$0x3FAD];
	_ =	sdelay $0x3  }
0x34: {  	[smem:$0x3FAD] =	sst s10  }
0x35: {  	s10 =	sld [smem:$0x3FAC];
	_ =	sdelay $0x3  }
0x36: {  	p1 =	seq.s32 s10, $0x1;
	s10 =	sld [smem:$0x3FAD];
	_ =	sdelay $0x3  }
0x37: {  	[smem:$0x3FAD] =	sst s10  }
0x38: {  	s10 =	sld [smem:$0x3FAE]  }
0x39: {  	_ = 	snop;
	(pc) =	sbr.ind lr, $3  }
0x3a: {  	_ = 	snop  }
0x3b: {  	_ = 	snop  }
0x3c: {  	p2 =	seq.s32 s10, $0x1;
	s10 =	sld [smem:$0x3FAD]  }
0x3d: {  	_ =	shalt  }
0x3e: {  	_ =	shalt  }
0x3f: {  	_ =	shalt  }
0x40: {  	_ =	shalt  }
0x41: {  	_ =	shalt  }
0x42: {  	_ =	shalt  }
0x43: {  	_ =	shalt  }
0x44: {  	_ =	shalt  }
0x45: {  	_ =	shalt  }
0x46: {  	_ =	shalt  }
0x47: {  	_ =	shalt  }
0x48: {  	_ =	shalt  }
0x49: {  	_ =	shalt  }
0x4a: {  	_ =	shalt  }
0x4b: {  	_ =	shalt  }
0x4c: {  	_ =	shalt  }
0x4d: {  	_ =	shalt  }
0x4e: {  	_ =	shalt  }
0x4f: {  	_ =	shalt  }
0x50: {  	_ =	shalt  }
0x51: {  	_ =	shalt  }
0x52: {  	_ =	shalt  }
0x53: {  	_ =	shalt  }
0x54: {  	_ =	shalt  }
0x55: {  	_ =	shalt  }
0x56: {  	_ =	shalt  }
0x57: {  	_ =	shalt  }
0x58: {  	_ =	shalt  }
0x59: {  	_ =	shalt  }
0x5a: {  	_ =	shalt  }
0x5b: {  	_ =	shalt  }
0x5c: {  	_ =	shalt  }
0x5d: {  	_ =	shalt  }
0x5e: {  	_ =	shalt  }
0x5f: {  	_ =	shalt  }
0x60: {  	_ =	shalt  }
0x61: {  	_ =	shalt  }
0x62: {  	_ =	shalt  }
0x63: {  	_ =	shalt  }
0x64: {  	_ =	shalt  }
0x65: {  	_ =	shalt  }
0x66: {  	_ =	shalt  }
0x67: {  	_ =	shalt  }
0x68: {  	_ =	shalt  }
0x69: {  	_ =	shalt  }
0x6a: {  	_ =	shalt  }
0x6b: {  	_ =	shalt  }
0x6c: {  	_ =	shalt  }
0x6d: {  	_ =	shalt  }
0x6e: {  	_ =	shalt  }
0x6f: {  	_ =	shalt  }
0x70: {  	_ =	shalt  }
0x71: {  	_ =	shalt  }
0x72: {  	_ =	shalt  }
0x73: {  	_ =	shalt  }
0x74: {  	_ =	shalt  }
0x75: {  	_ =	shalt  }
0x76: {  	_ =	shalt  }
0x77: {  	_ =	shalt  }
0x78: {  	_ =	shalt  }
0x79: {  	_ =	shalt  }
0x7a: {  	_ =	shalt  }
0x7b: {  	_ =	shalt  }
0x7c: {  	_ =	shalt  }
0x7d: {  	_ =	shalt  }
0x7e: {  	_ =	shalt  }
0x7f: {  	_ =	shalt  }
0x80: {  	_ =	shalt  }
0x81: {  	_ =	shalt  }
0x82: {  	_ =	shalt  }
0x83: {  	_ =	shalt  }
0x84: {  	_ =	shalt  }
0x85: {  	_ =	shalt  }
0x86: {  	_ =	shalt  }
0x87: {  	_ =	shalt  }
.Lfunc_end0:
.L_simem_size_0:
called_computation.3_lowered:
.L_overlay_start_0:
0x88: {  	s2 =	sld [smem:$0x3FD9]  }
0x89: {  	s3 =	sld [smem:$0x3FFE];
	_ =	sdelay $0x1  }
0x8a: {  	s1 =	srdreg.scid  }
0x8b: {  	s0 =	sand.u32 $0x1, s1  }
0x8c: {  	s16 =	sshll.u32 s0, $0xA;
	s2 =	sadd.s32 s3, s2  }
0x8d: {  	s2 =	sadd.s32 s2, s16  }
0x8e: {  	[smem:$0x3FB9] =	sst s2  }
0x8f: {  	_ = 	snop  }
0x90: {  	(tm) =	ssettm $0x1  }
0x91: {  	s17 =	sld [smem:$0x3FFB];
	_ =	sdelay $0x3  }
0x92: {  	_ =	strace s17  }
0x93: {  	s2 =	sld [smem:$0x3FFC];
	_ =	sdelay $0x3  }
0x94: {  	_ =	strace s2  }
0x95: {  	s2 =	sld [smem:$0x3FFD];
	_ =	sdelay $0x3  }
0x96: {  	_ =	strace s2  }
0x97: {  	_ =	strace $0x8FFFFFFF  }
0x98: {  	s18 =	sld [smem:$0x3FDB];
	_ =	sdelay $0x1  }
0x99: {  	s19 =	simm.s32 $_scs_section_size  }
0x9a: {  	s4 =	simm.s32 $_size__tile_overlayer_lowered;
	s5 =	simm.s32 $_tile_overlayer_lowered  }
0x9b: {  	s22 =	simm.s32 $0x1BFF;
	s21 =	sshll.u32 s5, $0x1;
	s2 =	sadd.s32 s19, s18  }
0x9c: {  	s6 =	simm.s32 $0x0;
	s20 =	sshll.u32 s4, $0x1;
	s4 =	sadd.s32 s21, s2  }
0x9d: {  	[timem:s6], [sflag:s22] =	dma.local [hbm:s4], s20  }
0x9e: {  	_ =	swait.ge [sflag:s22], s20  }
0x9f: {  	s3 =	ssub.s32 $0x0, s20;
	[sflag:s22] =	ssyncset.done $0x0  }
0xa0: {  	[sflag:s22] =	ssyncadd.s32 s3;
	_ =	sdelay $0x1  }
0xa1: {  	s23 =	simm.s32 $0x1B8B  }
0xa2: {  	_ =	swait.ge [sflag:s23], $0x1  }
0xa3: {  	[sflag:s23] =	ssyncset.done $0x0  }
0xa4: {  	s25 =	simm.s32 $0x1B8E;
	s24 =	sld [smem:$0x3FFE];
	[sflag:s23] =	ssyncadd.s32 $0xFFFFFFFF  }
0xa5: {  	s26 =	simm.s32 $execute0_lowered;
	[smem:$0x3FD2] =	sst s25  }
0xa6: {  	s4 =	sshll.u32 s26, $0x1;
	_ =	strace $0x8000004F;
	[dreg:$0x1] =	wrdreg $0xFFFFFFFF  }
0xa7: {  	s28 =	simm.s32 $_size_execute0_lowered;
	s2 =	sadd.s32 s2, s4;
	[dreg:$0x0] =	wrdreg $0x0  }
0xa8: {  	s4 =	sshll.u32 s28, $0x1;
	[dreg:$0x2] =	wrdreg s2  }
0xa9: {  	[dreg:$0x3] =	wrdreg s4  }
0xaa: {  	[dreg:$0x4] =	wrdreg $0xC0  }
0xab: {  	_ =	task [dreg:s6], $0x5FFFF  }
0xac: {  	[dreg:$0x1] =	wrdreg $0xFFFFFFFF  }
0xad: {  	[dreg:$0x0] =	wrdreg $0x60  }
0xae: {  	[dreg:$0x2] =	wrdreg s24  }
0xaf: {  	[dreg:$0x3] =	wrdreg $0x9  }
0xb0: {  	_ =	task.clear_ibuf [dreg:s6], $0x4FFFF;
	_ =	strace $0x9000004F  }
0xb1: {  	s29 =	simm.s32 $0x9;
	_ =	strace $0x80000051  }
0xb2: {  	_ =	swait.ge [sflag:s29], $0x1  }
0xb3: {  	[sflag:s29] =	ssyncadd.s32 $0xFFFFFFFF  }
0xb4: {  	_ =	strace $0x90000051  }
0xb5: {  	_ =	sfence  }
0xb6: {  	s30 =	sld [smem:$0x0];
	_ =	sdelay $0x2  }
0xb7: {  	s31 =	sshll.u32 s1, $0xD;
	s1 =	sshrl.u32 s1, $0x2  }
0xb8: {  	s3 =	sand.u32 $0x4000, s31;
	s1 =	sadd.s32 s1, s30  }
0xb9: {  	s0 =	sor.u32 s3, s0;
	s1 =	sshll.u32 s1, $0x11  }
0xba: {  	s0 =	sor.u32 s1, s0  }
0xbb: {  	s0 =	sadd.s32 $0x8F2B, s0  }
0xbc: {  	[sflag:s0] =	ssyncadd.remote.s32 $0x1  }
0xbd: {  	_ =	sfence.sel $0xFFFF  }
0xbe: {  	[dreg:$0x0] =	wrdreg $0xFFFFFFFF;
	(pc) =	sbr.abs _section_cstart, $3  }
0xbf: {  	[dreg:$0x1] =	wrdreg $0xFFFFFFFF  }
0xc0: {  	_ =	task.clear_ibuf [dreg:s6], $0x2FFFF;
	_ =	strace $0x9FFFFFFF  }
0xc1: {  	(tm) =	ssettm $0x7FFFFFFF  }
tec
execute0_lowered:
.L_overlay_start_1:
0x0: {  	(tag) =	ssettag $0x1  }
0x1: {  	s4 =	rddreg [dreg:$0x0]  }
0x2: {  	s0 =	rddreg [dreg:$0x1];
	s1 =	simm.s32 $0x0  }
0x3: {  	s5 =	srdreg.scid;
	s2 =	stileid.u32;
	s10 =	simm.s32 $0x1000  }
0x4: {  	s11 =	simm.s32 $0x80;
	s12 =	simm.s32 $0x2000;
	s13 =	simm.s32 $0x6000  }
0x5: {  	s14 =	simm.s32 $0x1;
	s15 =	simm.s32 $0x2;
	s16 =	simm.s32 $0x0  }
0x6: {  	[smem:$0x7FF] =	sst s1;
	s3 =	sadd.s32 $0x3A00, s4;
	s5 =	sand.u32 $0x1, s5  }
0x7: {  	s6 =	sshll.u32 s2, $0x9;
	s30 =	smul.u32 $0xC800, s2;
	s7 =	sshll.u32 s5, $0xD  }
0x8: {  	s8 =	smul.u32 $0xC8000, s5;
	s5 =	ssub.s32 $0x2, s5;
	s6 =	sor.u32 s6, s7  }
0x9: {  	_ =	strace $0x80000050;
	s31 =	sshrl.u32 s5, $0x1;
	s6 =	sadd.s32 s6, s4  }
0xa: {  	s8 =	sadd.s32 s8, s4;
	s9 =	ssub.s32 s5, s31;
	s4 =	sadd.s32 $0xB4000, s6  }
0xb: {  	s8 =	sadd.s32 s30, s8;
	s5 =	sadd.s32 $0xB8000, s6;
	s6 =	smax.u32 s9, $0x1  }
0xc: {  	s9 =	simm.s32 $0x3;
	s7 =	sadd.s32 $0x24C000, s8;
	s8 =	sadd.s32 $0xBC000, s8  }
.LBB2_1:
0xd: {  	[tilespmem:s1], [sflag:$0x3] =	stream.linear.gather [hbm4b:s4+s1], $0xC80, $0x38;
	[tilespmem:$0xA000] =	vst v63  }
0xe: {  	_ =	swait.ge [sflag:s9], $0xC80  }
0xf: {  	[sflag:s9] =	ssyncset.done $0x0  }
0x10: {  	[sflag:s9] =	ssyncadd.s32 $0xFFFFF380  }
0x11: {  	[tilespmem:s10], [sflag:$0x3] =	stream.linear.gather [hbm4b:s5+s1], $0xC80, $0x38;
	[tilespmem:$0xA000] =	vst v63  }
0x12: {  	_ =	swait.ge [sflag:s9], $0xC80  }
0x13: {  	[sflag:s9] =	ssyncset.done $0x0  }
0x14: {  	s17 =	simm.s32 $0x0;
	[sflag:s9] =	ssyncadd.s32 $0xFFFFF380  }
0x15: {  	[tilespmem:s12], [sflag:$0x1] =	stream.indirect.gather [hbm4b:s3+s11], $0x80, s17, s11, $0xb8;
	[tilespmem:$0xA000] =	vst v63  }
0x16: {  	s31 =	simm.s32 $0x1000  }
0x17: {  	[tilespmem:s13], [sflag:$0x2] =	stream.indirect.gather [hbm4b:s3+s11], $0x80, s31, s11, $0xb8;
	[tilespmem:$0xA000] =	vst v63  }
0x18: {  	_ =	swait.ge [sflag:s14], $0x4000  }
0x19: {  	[sflag:s14] =	ssyncset.done $0x0  }
0x1a: {  	[sflag:s14] =	ssyncadd.s32 $0xFFFFC000  }
0x1b: {  	_ =	swait.ge [sflag:s15], $0x4000  }
0x1c: {  	[sflag:s15] =	ssyncset.done $0x0  }
0x1d: {  	[sflag:s15] =	ssyncadd.s32 $0xFFFFC000  }
0x1e: {  	[hbm4b:s8+s1] =	stream.linear.scatter [tilespmem:s12], [sflag:$0x3], $0x4000, $0x38;
	[tilespmem:$0xA000] =	vst v63  }
0x1f: {  	_ =	swait.ge [sflag:s9], $0x4000  }
0x20: {  	[sflag:s9] =	ssyncset.done $0x0  }
0x21: {  	[sflag:s9] =	ssyncadd.s32 $0xFFFFC000  }
0x22: {  	[hbm4b:s7+s1] =	stream.linear.scatter [tilespmem:s13], [sflag:$0x3], $0x4000, $0x38;
	[tilespmem:$0xA000] =	vst v63  }
0x23: {  	s19 =	simm.s32 $0x200;
	s20 =	simm.s32 $0x400;
	_ =	swait.ge [sflag:s9], $0x4000  }
0x24: {  	s18 =	sadd.s32 $0x800, s8;
	s17 =	sadd.s32 $0x800, s7;
	[sflag:s9] =	ssyncset.done $0x0  }
.LBB2_2:
0x25: {  	s21 =	sshra.s32 s19, $0x2  }
0x26: {  	[sflag:s9] =	ssyncadd.s32 $0xFFFFC000;
	s19 =	smov.u32 s20;
	s22 =	sadd.s32 $0x200, s20  }
0x27: {  	[tilespmem:s12], [sflag:$0x1] =	stream.indirect.gather [hbm4b:s3+s11], $0x80, s21, s11, $0xb8;
	[tilespmem:$0xA000] =	vst v63  }
0x28: {  	p0 =	sne.s32 s20, $0x3000;
	s20 =	sadd.s32 $0x1000, s21  }
0x29: {  	[tilespmem:s13], [sflag:$0x2] =	stream.indirect.gather [hbm4b:s3+s11], $0x80, s20, s11, $0xb8;
	[tilespmem:$0xA000] =	vst v63  }
0x2a: {  	_ =	swait.ge [sflag:s14], $0x4000  }
0x2b: {  	[sflag:s14] =	ssyncset.done $0x0  }
0x2c: {  	[sflag:s14] =	ssyncadd.s32 $0xFFFFC000  }
0x2d: {  	_ =	swait.ge [sflag:s15], $0x4000  }
0x2e: {  	[sflag:s15] =	ssyncset.done $0x0  }
0x2f: {  	[sflag:s15] =	ssyncadd.s32 $0xFFFFC000  }
0x30: {  	[hbm4b:s18+s1] =	stream.linear.scatter [tilespmem:s12], [sflag:$0x3], $0x4000, $0x38;
	[tilespmem:$0xA000] =	vst v63  }
0x31: {  	_ =	swait.ge [sflag:s9], $0x4000  }
.Ltmp0:
0x32: {  	[sflag:s9] =	ssyncset.done $0x0;
	(pc) =	sbr.rel @p0 .LBB2_2-.Ltmp0, $4  }
0x33: {  	[sflag:s9] =	ssyncadd.s32 $0xFFFFC000  }
0x34: {  	[hbm4b:s17+s1] =	stream.linear.scatter [tilespmem:s13], [sflag:$0x3], $0x4000, $0x38;
	[tilespmem:$0xA000] =	vst v63  }
0x35: {  	s20 =	smov.u32 s22;
	_ =	swait.ge [sflag:s9], $0x4000  }
0x36: {  	s18 =	sadd.s32 $0x800, s18;
	s17 =	sadd.s32 $0x800, s17;
	[sflag:s9] =	ssyncset.done $0x0  }
0x37: {  	s19 =	sshra.s32 s19, $0x2;
	[sflag:s9] =	ssyncadd.s32 $0xFFFFC000  }
0x38: {  	[tilespmem:s12], [sflag:$0x1] =	stream.indirect.gather [hbm4b:s3+s11], $0x80, s19, s11, $0xb8;
	[tilespmem:$0xA000] =	vst v63  }
0x39: {  	s19 =	sadd.s32 $0x1000, s19  }
0x3a: {  	[tilespmem:s13], [sflag:$0x2] =	stream.indirect.gather [hbm4b:s3+s11], $0x80, s19, s11, $0xb8;
	[tilespmem:$0xA000] =	vst v63  }
0x3b: {  	_ =	swait.ge [sflag:s14], $0x4000  }
0x3c: {  	[sflag:s14] =	ssyncset.done $0x0  }
0x3d: {  	[sflag:s14] =	ssyncadd.s32 $0xFFFFC000  }
0x3e: {  	_ =	swait.ge [sflag:s15], $0x4000  }
0x3f: {  	[sflag:s15] =	ssyncset.done $0x0  }
0x40: {  	[sflag:s15] =	ssyncadd.s32 $0xFFFFC000  }
0x41: {  	[hbm4b:s18+s1] =	stream.linear.scatter [tilespmem:s12], [sflag:$0x3], $0x4000, $0x38;
	[tilespmem:$0xA000] =	vst v63  }
0x42: {  	s16 =	sadd.s32 $0x1, s16;
	_ =	swait.ge [sflag:s9], $0x4000  }
0x43: {  	p0 =	sne.s32 s16, s6;
	[sflag:s9] =	ssyncset.done $0x0  }
.Ltmp1:
0x44: {  	[sflag:s9] =	ssyncadd.s32 $0xFFFFC000;
	(pc) =	sbr.rel @p0 .LBB2_1-.Ltmp1, $4  }
0x45: {  	[hbm4b:s17+s1] =	stream.linear.scatter [tilespmem:s13], [sflag:$0x3], $0x4000, $0x38;
	[tilespmem:$0xA000] =	vst v63  }
0x46: {  	_ =	swait.ge [sflag:s9], $0x4000  }
0x47: {  	[sflag:s9] =	ssyncset.done $0x0  }
0x48: {  	[sflag:s9] =	ssyncadd.s32 $0xFFFFC000  }
0x49: {  	_ =	sfence.sel $0x180000  }
0x4a: {  	[bflag:$0x0] =	sbarrier.arrive $0xFFFF  }
0x4b: {  	p0 =	sne.s32 s2, $0x0;
	_ =	strace $0x90000050  }
0x4c: {  	s0 =	sadd.s32 @!p0 $0x100000, s0;
	[bflag:$0x2] =	sbarrier.arrive $0xFFFF  }
0x4d: {  	[sflag:s0] =	ssyncadd.tile.s32 @!p0 $0x1;
	_ =	shalt  }
.Lfunc_end2:
_tile_overlayer_lowered:
.L_overlay_start_2:
0x4e: {  	(tag) =	ssettag $0x2  }
0x4f: {  	s0 =	rddreg [dreg:$0x0];
	s2 =	stileid.u32  }
0x50: {  	s1 =	rddreg [dreg:$0x1];
	p0 =	sne.s32 s2, $0x0  }
0x51: {  	s3 =	rddreg [dreg:$0x2];
	[bflag:$0x3] =	sbarrier.arrive $0xFFFF;
	s2 =	simm.s32 @!p0 $0x1C03  }
0x52: {  	[timem:s3], [sflag:s2] =	dma.local @!p0 [hbm:s0], s1  }
0x53: {  	s0 =	simm.s32 @!p0 $0x3  }
0x54: {  	_ =	swait.ge @!p0 [sflag:s0], s1  }
0x55: {  	s1 =	ssub.s32 @!p0 $0x0, s1;
	[sflag:s0] =	ssyncset.done @!p0 $0x0  }
0x56: {  	[sflag:s0] =	ssyncadd.s32 @!p0 s1  }
0x57: {  	[bflag:$0x3] =	sbarrier.arrive $0xFFFF  }
0x58: {  	_ =	shalt  }

</sc_bundles>
